<compile_context>
chip_gen: v7x
topology: tpu7x:2x2x1
jax: 0.10.2.dev20260603
libtpu: 0.0.44.dev20260713+nightly
codegen_flags: <defaults>
</compile_context>

<pallas_src>
import functools

import jax
import jax.numpy as jnp
from jax import lax
from jax.experimental import pallas as pl
from jax.experimental.pallas import tpu as pltpu
from jax.experimental.pallas import tpu_sc as plsc

N = 10000
E = 320000
IN = 128
HD1 = 64
W1ROW = 80
HD2 = 16
W2ROW = 32

NW = 32
PT = E // NW
CH = 125
NCH = PT // CH
NP = 10240
RPT = NP // 16
ZB = 128

_BLK = 2000
_GRID = N // _BLK


def _tc_pre1(x_ref, w1_ref, alr_ref, t1_ref, er_ref):
    feat = jnp.dot(x_ref[...], w1_ref[...],
                   preferred_element_type=jnp.float32)
    elr = jnp.dot(feat, alr_ref[...],
                  preferred_element_type=jnp.float32)
    z8 = jnp.zeros((_BLK, 8), jnp.float32)
    t1_ref[...] = jnp.concatenate([feat, elr[:, 0:8], z8], axis=1)
    er_ref[...] = jnp.concatenate([elr[:, 8:16], z8], axis=1)


def _tc_mid(p_ref, b1_ref, em_ref, w2_ref, alr2_ref, t2_ref, er2_ref):
    a = p_ref[0] + p_ref[1]
    msg = a[:, 0:HD1]
    den = jnp.dot(a[:, HD1:HD1 + 8], em_ref[...],
                  preferred_element_type=jnp.float32) + 1e-9
    h = msg / den + b1_ref[...]
    h = jnp.where(h > 0, h, jnp.exp(jnp.minimum(h, 0.0)) - 1.0)
    f2 = jnp.dot(h, w2_ref[...], preferred_element_type=jnp.float32)
    elr2 = jnp.dot(f2, alr2_ref[...],
                   preferred_element_type=jnp.float32)
    ones = jnp.ones((1, HD2), jnp.float32)
    t2_ref[...] = jnp.concatenate([f2, elr2[:, 0:1] * ones], axis=1)
    er2_ref[...] = elr2[:, 1:2] * ones


def _tc_post(p_ref, b2_ref, o_ref):
    a = p_ref[0] + p_ref[1]
    o_ref[...] = a[:, 0:HD2] / (a[:, HD2:HD2 + 1] + 1e-9) + b2_ref[...]


def _make_sc_body(row_w, first_layer):

    def body(tab_hbm, er_hbm, src_hbm, dst_hbm, out_hbm,
             src_v, dst_v, r0, e0, m0, r1, e1, m1, zbuf, acc,
             g0, g1, s0, s1):
        R = (r0, r1)
        ERc = (e0, e1)
        M = (m0, m1)
        G = (g0, g1)
        S = (s0, s1)
        c = lax.axis_index("c")
        sid = lax.axis_index("s")
        wid = sid * 2 + c

        def _zrow(i, _):
            zv = jnp.zeros((16,), jnp.float32)
            for q in range(row_w // 16):
                zbuf[i, pl.ds(q * 16, 16)] = zv
            return 0
        lax.fori_loop(0, ZB, _zrow, 0)
        for k in range(RPT // ZB):
            pltpu.sync_copy(zbuf, acc.at[pl.ds(sid * RPT + k * ZB, ZB)])
        plsc.subcore_barrier()

        pltpu.sync_copy(src_hbm.at[wid], src_v)
        pltpu.sync_copy(dst_hbm.at[wid], dst_v)

        lane = lax.iota(jnp.int32, 16)
        half = lane >> 3

        def gather_start(j, b):
            pltpu.async_copy(tab_hbm.at[src_v.at[j]], R[b], G[b])
            pltpu.async_copy(er_hbm.at[dst_v.at[j]], ERc[b], G[b])

        def gather_wait(j, b):
            pltpu.make_async_copy(tab_hbm.at[src_v.at[j]], R[b], G[b]).wait()
            pltpu.make_async_copy(er_hbm.at[dst_v.at[j]], ERc[b], G[b]).wait()

        def scatter_start(j, b):
            pltpu.async_copy(M[b], acc.at[dst_v.at[j]], S[b], add=True)

        def scatter_wait(j, b):
            pltpu.make_async_copy(M[b], acc.at[dst_v.at[j]], S[b]).wait()

        def compute(b):
            rows = R[b]
            erc = ERc[b]
            msg = M[b]
            if first_layer:
                @plsc.parallel_loop(0, CH, unroll=8)
                def _edge(e):
                    elv = rows[e, pl.ds(HD1, 16)]
                    t = elv + erc[e, pl.ds(0, 16)]
                    t = jnp.maximum(t, 0.2 * t)
                    ee = jnp.exp(t)
                    for q in range(4):
                        mq = lax.gather(
                            ee, (half + 2 * q)[:, None],
                            lax.GatherDimensionNumbers(
                                offset_dims=(), collapsed_slice_dims=(0,),
                                start_index_map=(0,)),
                            (1,), mode=lax.GatherScatterMode.PROMISE_IN_BOUNDS)
                        msg[e, pl.ds(q * 16, 16)] = (
                            rows[e, pl.ds(q * 16, 16)] * mq)
                    msg[e, pl.ds(HD1, 16)] = jnp.where(lane < 8, ee, 0.0)
            else:
                @plsc.parallel_loop(0, CH, unroll=16)
                def _edge(e):
                    t = rows[e, pl.ds(HD2, 16)] + erc[e, pl.ds(0, 16)]
                    t = jnp.maximum(t, 0.2 * t)
                    ee = jnp.exp(t)
                    msg[e, pl.ds(0, 16)] = rows[e, pl.ds(0, 16)] * ee
                    msg[e, pl.ds(HD2, 16)] = jnp.where(lane < 1, ee, 0.0)

        gather_start(0, 0)

        def outer(jj, _):
            for b in (0, 1):
                j = 2 * jj + b
                gather_wait(j, b)
                gather_start(jnp.minimum(j + 1, NCH - 1), 1 - b)

                @pl.when(j >= 2)
                def _():
                    scatter_wait(j - 2, b)

                compute(b)
                scatter_start(j, b)
            return 0
        lax.fori_loop(0, NCH // 2, outer, 0)

        scatter_wait(NCH - 2, 0)
        scatter_wait(NCH - 1, 1)
        gather_wait(NCH - 1, 0)

        plsc.subcore_barrier()
        pltpu.sync_copy(acc.at[pl.ds(sid * RPT, RPT)],
                        out_hbm.at[c, pl.ds(sid * RPT, RPT)])

    return body


def _sc_call(row_w, first_layer):
    mesh = plsc.VectorSubcoreMesh(core_axis_name="c", subcore_axis_name="s")
    return pl.kernel(
        _make_sc_body(row_w, first_layer),
        out_type=jax.ShapeDtypeStruct((2, NP, row_w), jnp.float32),
        mesh=mesh,
        scratch_types=[
            pltpu.VMEM((NCH, CH), jnp.int32),
            pltpu.VMEM((NCH, CH), jnp.int32),
            pltpu.VMEM((CH, row_w), jnp.float32),
            pltpu.VMEM((CH, 16), jnp.float32),
            pltpu.VMEM((CH, row_w), jnp.float32),
            pltpu.VMEM((CH, row_w), jnp.float32),
            pltpu.VMEM((CH, 16), jnp.float32),
            pltpu.VMEM((CH, row_w), jnp.float32),
            pltpu.VMEM((ZB, row_w), jnp.float32),
            pltpu.VMEM_SHARED((NP, row_w), jnp.float32),
            pltpu.SemaphoreType.DMA,
            pltpu.SemaphoreType.DMA,
            pltpu.SemaphoreType.DMA,
            pltpu.SemaphoreType.DMA,
        ],
        compiler_params=pltpu.CompilerParams(use_tc_tiling_on_sc=False),
    )


def kernel(x, edge_index, W1, attn_l1, attn_r1, b1, W2, attn_l2, attn_r2, b2):
    f32 = jnp.float32
    src = edge_index[0].astype(jnp.int32).reshape(NW, NCH, CH)
    dst = edge_index[1].astype(jnp.int32).reshape(NW, NCH, CH)

    eye8 = jnp.eye(8, dtype=f32)
    AL = (eye8[:, None, :] * attn_l1.astype(f32)[:, :, None]).reshape(HD1, 8)
    AR = (eye8[:, None, :] * attn_r1.astype(f32)[:, :, None]).reshape(HD1, 8)
    Emat = jnp.repeat(eye8, 8, axis=1)

    t1, er1 = pl.pallas_call(
        _tc_pre1,
        grid=(_GRID,),
        in_specs=[
            pl.BlockSpec((_BLK, IN), lambda i: (i, 0)),
            pl.BlockSpec((IN, HD1), lambda i: (0, 0)),
            pl.BlockSpec((HD1, 16), lambda i: (0, 0)),
        ],
        out_specs=[
            pl.BlockSpec((_BLK, W1ROW), lambda i: (i, 0)),
            pl.BlockSpec((_BLK, 16), lambda i: (i, 0)),
        ],
        out_shape=[
            jax.ShapeDtypeStruct((N, W1ROW), f32),
            jax.ShapeDtypeStruct((N, 16), f32),
        ],
    )(x.astype(f32), W1.astype(f32), jnp.concatenate([AL, AR], axis=1))

    parts1 = _sc_call(W1ROW, True)(t1, er1, src, dst)

    t2, er2 = pl.pallas_call(
        _tc_mid,
        grid=(_GRID,),
        in_specs=[
            pl.BlockSpec((2, _BLK, W1ROW), lambda i: (0, i, 0)),
            pl.BlockSpec((1, HD1), lambda i: (0, 0)),
            pl.BlockSpec((8, HD1), lambda i: (0, 0)),
            pl.BlockSpec((HD1, HD2), lambda i: (0, 0)),
            pl.BlockSpec((HD2, 2), lambda i: (0, 0)),
        ],
        out_specs=[
            pl.BlockSpec((_BLK, W2ROW), lambda i: (i, 0)),
            pl.BlockSpec((_BLK, 16), lambda i: (i, 0)),
        ],
        out_shape=[
            jax.ShapeDtypeStruct((N, W2ROW), f32),
            jax.ShapeDtypeStruct((N, 16), f32),
        ],
    )(parts1, b1.astype(f32).reshape(1, HD1), Emat, W2.astype(f32),
      jnp.concatenate([attn_l2.astype(f32).reshape(HD2, 1),
                       attn_r2.astype(f32).reshape(HD2, 1)], axis=1))

    parts2 = _sc_call(W2ROW, False)(t2, er2, src, dst)

    out = pl.pallas_call(
        _tc_post,
        grid=(_GRID,),
        in_specs=[
            pl.BlockSpec((2, _BLK, W2ROW), lambda i: (0, i, 0)),
            pl.BlockSpec((1, HD2), lambda i: (0, 0)),
        ],
        out_specs=pl.BlockSpec((_BLK, HD2), lambda i: (i, 0)),
        out_shape=jax.ShapeDtypeStruct((N, HD2), f32),
    )(parts2, b2.astype(f32).reshape(1, HD2))

    return out

# --- scband reference (transcript-rebuilt; emitter-appended) ---
"""Pipeline reference for scband-gat-20117626814612 (READ-ONLY COPY).

The authoritative reference and input builder live on the scoring server;
editing this copy changes nothing except your own understanding.
"""

import jax, jax.numpy as jnp
import numpy as np

N = 10000
E = 320000
IN = 128
HID = 8
H1 = 8
OUT = 16
H2 = 1


def setup_inputs(seed: int = 0):
    key = jax.random.key(seed)
    ks = jax.random.split(key, 12)
    x = jax.random.normal(ks[0], (N, IN), dtype=jnp.float32)
    edge_index = jax.random.randint(ks[1], (2, E), 0, N, dtype=jnp.int32).astype(jnp.int64)
    W1 = jax.random.normal(ks[2], (IN, H1 * HID), dtype=jnp.float32) * 0.1
    attn_l1 = jax.random.normal(ks[3], (H1, HID), dtype=jnp.float32) * 0.1
    attn_r1 = jax.random.normal(ks[4], (H1, HID), dtype=jnp.float32) * 0.1
    b1 = jnp.zeros((H1 * HID,), dtype=jnp.float32)
    W2 = jax.random.normal(ks[5], (H1 * HID, H2 * OUT), dtype=jnp.float32) * 0.1
    attn_l2 = jax.random.normal(ks[6], (H2, OUT), dtype=jnp.float32) * 0.1
    attn_r2 = jax.random.normal(ks[7], (H2, OUT), dtype=jnp.float32) * 0.1
    b2 = jnp.zeros((H2 * OUT,), dtype=jnp.float32)
    return {"x": x, "edge_index": edge_index, "W1": W1, "attn_l1": attn_l1,
            "attn_r1": attn_r1, "b1": b1, "W2": W2, "attn_l2": attn_l2,
            "attn_r2": attn_r2, "b2": b2}


def _gat_conv(x, src, dst, W, attn_l, attn_r, bias, num_nodes):
    # DGL-style GATConv, eval mode (feat_drop / attn_drop are identity).
    H, D = attn_l.shape
    feat = (x @ W).reshape(-1, H, D)                       # [N, H, D]
    el = jnp.sum(feat * attn_l[None, :, :], axis=-1)       # [N, H]
    er = jnp.sum(feat * attn_r[None, :, :], axis=-1)       # [N, H]
    e = el[src] + er[dst]                                  # [E, H]
    e = jax.nn.leaky_relu(e, negative_slope=0.2)
    # edge softmax over incoming edges of each dst node
    emax = jax.ops.segment_max(e, dst, num_segments=num_nodes)
    emax = jnp.where(jnp.isfinite(emax), emax, 0.0)
    ee = jnp.exp(e - emax[dst])                            # [E, H]
    denom = jax.ops.segment_sum(ee, dst, num_segments=num_nodes)
    alpha = ee / (denom[dst] + 1e-9)                       # [E, H]
    msg = feat[src] * alpha[:, :, None]                    # [E, H, D]
    out = jax.ops.segment_sum(msg, dst, num_segments=num_nodes)  # [N, H, D]
    out = out + bias.reshape(1, H, D)
    return out


def reference(x, edge_index, W1, attn_l1, attn_r1, b1, W2, attn_l2, attn_r2, b2):
    src = edge_index[0]
    dst = edge_index[1]
    h = _gat_conv(x, src, dst, W1, attn_l1, attn_r1, b1, N)   # [N, H1, HID]
    h = jax.nn.elu(h)                                          # activation of layer 1
    h = h.reshape(N, H1 * HID)                                 # flatten(1)
    h = _gat_conv(h, src, dst, W2, attn_l2, attn_r2, b2, N)   # [N, H2, OUT]
    h = h.mean(axis=1)                                         # mean over heads
    return h

if __name__ == "__main__":
    import jax
    _d = setup_inputs()
    print(jax.jit(kernel)(*tuple(_d.values())))

</pallas_src>

<mosaic_0001>
#map = affine_map<(d0, d1) -> (0, 0)>
#map1 = affine_map<(d0, d1) -> (0, 0, 0)>
module attributes {stable_mosaic.version = 14 : i64} {
  func.func @body(%arg0: i32, %arg1: i32, %arg2: memref<10000x32xf32, #tpu.memory_space<hbm>>, %arg3: memref<10000x16xf32, #tpu.memory_space<hbm>>, %arg4: memref<32x80x125xi32, #tpu.memory_space<hbm>>, %arg5: memref<32x80x125xi32, #tpu.memory_space<hbm>>, %arg6: memref<2x10240x32xf32, #tpu.memory_space<hbm>>, %arg7: memref<80x125xi32, #tpu.memory_space<vmem>>, %arg8: memref<80x125xi32, #tpu.memory_space<vmem>>, %arg9: memref<125x32xf32, #tpu.memory_space<vmem>>, %arg10: memref<125x16xf32, #tpu.memory_space<vmem>>, %arg11: memref<125x32xf32, #tpu.memory_space<vmem>>, %arg12: memref<125x32xf32, #tpu.memory_space<vmem>>, %arg13: memref<125x16xf32, #tpu.memory_space<vmem>>, %arg14: memref<125x32xf32, #tpu.memory_space<vmem>>, %arg15: memref<128x32xf32, #tpu.memory_space<vmem>>, %arg16: memref<10240x32xf32, #tpu.memory_space<vmem_shared>>, %arg17: memref<!tpu.dma_semaphore, #tpu.memory_space<semaphore_mem>>, %arg18: memref<!tpu.dma_semaphore, #tpu.memory_space<semaphore_mem>>, %arg19: memref<!tpu.dma_semaphore, #tpu.memory_space<semaphore_mem>>, %arg20: memref<!tpu.dma_semaphore, #tpu.memory_space<semaphore_mem>>) attributes {dimension_semantics = [#tpu.dimension_semantics<core_parallel>, #tpu.dimension_semantics<subcore_parallel>], iteration_bounds = array<i64: 2, 16>, scalar_prefetch = 0 : i64, scratch_operands = 14 : i64, tpu.core_type = #tpu.core_type<sc_vector_subcore>, window_params = [{transform_indices = #map}, {transform_indices = #map}, {transform_indices = #map1}, {transform_indices = #map1}, {transform_indices = #map1}]} {
    %mul3A = arith.constant 2 : i32
    %mul3A_0 = arith.muli %arg1, %mul3A : i32
    %add3A = arith.addi %mul3A_0, %arg0 : i32
    %scan3A = arith.constant 0 : i32
    %scan3A_1 = arith.constant 0 : i32
    %scan3A_2 = arith.constant 128 : i32
    %scan3A_3 = arith.addi %scan3A_1, %scan3A_2 : i32
    %scan3A_4 = arith.constant 1 : i32
    %scan3A_5 = scf.for %scan3A_81 = %scan3A_1 to %scan3A_3 step %scan3A_4 iter_args(%scan3A_82 = %scan3A) -> (i32)  : i32 {
      %broadcast_in_dim3A = arith.constant 0.000000e+00 : f32
      %broadcast_in_dim3A_83 = vector.broadcast %broadcast_in_dim3A : f32 to vector<16xf32>
      %swap3A = arith.index_cast %scan3A_81 : i32 to index
      %swap3A_84 = arith.constant 0 : index
      %swap3A_85 = tpu.vector_load %arg15[%swap3A, %swap3A_84] {strides = array<i32>} : memref<128x32xf32, #tpu.memory_space<vmem>>, vector<1x16xf32>,
      %swap3A_86 = vector.shape_cast %swap3A_85 : vector<1x16xf32> to vector<16xf32>
      %swap3A_87 = vector.shape_cast %broadcast_in_dim3A_83 : vector<16xf32> to vector<1x16xf32>
      tpu.vector_store %arg15[%swap3A, %swap3A_84], %swap3A_87 {strides = array<i32>} : memref<128x32xf32, #tpu.memory_space<vmem>>, vector<1x16xf32>,
      %swap3A_88 = arith.index_cast %scan3A_81 : i32 to index
      %swap3A_89 = arith.constant 16 : index
      %swap3A_90 = tpu.vector_load %arg15[%swap3A_88, %swap3A_89] {strides = array<i32>} : memref<128x32xf32, #tpu.memory_space<vmem>>, vector<1x16xf32>,
      %swap3A_91 = vector.shape_cast %swap3A_90 : vector<1x16xf32> to vector<16xf32>
      %swap3A_92 = vector.shape_cast %broadcast_in_dim3A_83 : vector<16xf32> to vector<1x16xf32>
      tpu.vector_store %arg15[%swap3A_88, %swap3A_89], %swap3A_92 {strides = array<i32>} : memref<128x32xf32, #tpu.memory_space<vmem>>, vector<1x16xf32>,
      %scan3A_93 = arith.constant 0 : i32
      scf.yield %scan3A_93 : i32
    }
    %scan3A_6 = arith.constant 128 : i32
    %mul3A_7 = arith.constant 640 : i32
    %mul3A_8 = arith.muli %arg1, %mul3A_7 : i32
    %add3A_9 = arith.constant 0 : i32
    %add3A_10 = arith.addi %mul3A_8, %add3A_9 : i32
    "tpu.region"() ({
      %run_scoped3A = tpu.sem_alloc : memref<!tpu.dma_semaphore, #tpu.memory_space<semaphore_mem>>
      %dma_start3A_81 = arith.constant 0 : i32
      %dma_start3A_82 = tpu.memref_slice %arg16[%add3A_10, %dma_start3A_81] : memref<10240x32xf32, #tpu.memory_space<vmem_shared>> -> memref<128x32xf32, #tpu.memory_space<vmem_shared>>
      %dma_start3A_83 = arith.constant 0 : i32
      %dma_start3A_84 = tpu.memref_slice %arg16[%add3A_10, %dma_start3A_83] : memref<10240x32xf32, #tpu.memory_space<vmem_shared>> -> memref<128x32xf32, #tpu.memory_space<vmem_shared>>
      tpu.enqueue_dma source(%arg15 : memref<128x32xf32, #tpu.memory_space<vmem>>) target(%dma_start3A_84 : memref<128x32xf32, #tpu.memory_space<vmem_shared>>) target_semaphore(%run_scoped3A : memref<!tpu.dma_semaphore, #tpu.memory_space<semaphore_mem>>)
      %dma_wait3A_85 = arith.constant 0 : i32
      %dma_wait3A_86 = tpu.memref_slice %arg16[%add3A_10, %dma_wait3A_85] : memref<10240x32xf32, #tpu.memory_space<vmem_shared>> -> memref<128x32xf32, #tpu.memory_space<vmem_shared>>
      %dma_wait3A_87 = arith.constant 0 : i32
      %dma_wait3A_88 = tpu.memref_slice %arg16[%add3A_10, %dma_wait3A_87] : memref<10240x32xf32, #tpu.memory_space<vmem_shared>> -> memref<128x32xf32, #tpu.memory_space<vmem_shared>>
      tpu.wait_dma2 semaphore(%run_scoped3A : memref<!tpu.dma_semaphore, #tpu.memory_space<semaphore_mem>>) src(%arg15 : memref<128x32xf32, #tpu.memory_space<vmem>>) dst(%dma_wait3A_88 : memref<128x32xf32, #tpu.memory_space<vmem_shared>>)
      tpu.yield
    }) : () -> ()
    %mul3A_11 = arith.constant 640 : i32
    %mul3A_12 = arith.muli %arg1, %mul3A_11 : i32
    %add3A_13 = arith.constant 128 : i32
    %add3A_14 = arith.addi %mul3A_12, %add3A_13 : i32
    "tpu.region"() ({
      %run_scoped3A = tpu.sem_alloc : memref<!tpu.dma_semaphore, #tpu.memory_space<semaphore_mem>>
      %dma_start3A_81 = arith.constant 0 : i32
      %dma_start3A_82 = tpu.memref_slice %arg16[%add3A_14, %dma_start3A_81] : memref<10240x32xf32, #tpu.memory_space<vmem_shared>> -> memref<128x32xf32, #tpu.memory_space<vmem_shared>>
      %dma_start3A_83 = arith.constant 0 : i32
      %dma_start3A_84 = tpu.memref_slice %arg16[%add3A_14, %dma_start3A_83] : memref<10240x32xf32, #tpu.memory_space<vmem_shared>> -> memref<128x32xf32, #tpu.memory_space<vmem_shared>>
      tpu.enqueue_dma source(%arg15 : memref<128x32xf32, #tpu.memory_space<vmem>>) target(%dma_start3A_84 : memref<128x32xf32, #tpu.memory_space<vmem_shared>>) target_semaphore(%run_scoped3A : memref<!tpu.dma_semaphore, #tpu.memory_space<semaphore_mem>>)
      %dma_wait3A_85 = arith.constant 0 : i32
      %dma_wait3A_86 = tpu.memref_slice %arg16[%add3A_14, %dma_wait3A_85] : memref<10240x32xf32, #tpu.memory_space<vmem_shared>> -> memref<128x32xf32, #tpu.memory_space<vmem_shared>>
      %dma_wait3A_87 = arith.constant 0 : i32
      %dma_wait3A_88 = tpu.memref_slice %arg16[%add3A_14, %dma_wait3A_87] : memref<10240x32xf32, #tpu.memory_space<vmem_shared>> -> memref<128x32xf32, #tpu.memory_space<vmem_shared>>
      tpu.wait_dma2 semaphore(%run_scoped3A : memref<!tpu.dma_semaphore, #tpu.memory_space<semaphore_mem>>) src(%arg15 : memref<128x32xf32, #tpu.memory_space<vmem>>) dst(%dma_wait3A_88 : memref<128x32xf32, #tpu.memory_space<vmem_shared>>)
      tpu.yield
    }) : () -> ()
    %mul3A_15 = arith.constant 640 : i32
    %mul3A_16 = arith.muli %arg1, %mul3A_15 : i32
    %add3A_17 = arith.constant 256 : i32
    %add3A_18 = arith.addi %mul3A_16, %add3A_17 : i32
    "tpu.region"() ({
      %run_scoped3A = tpu.sem_alloc : memref<!tpu.dma_semaphore, #tpu.memory_space<semaphore_mem>>
      %dma_start3A_81 = arith.constant 0 : i32
      %dma_start3A_82 = tpu.memref_slice %arg16[%add3A_18, %dma_start3A_81] : memref<10240x32xf32, #tpu.memory_space<vmem_shared>> -> memref<128x32xf32, #tpu.memory_space<vmem_shared>>
      %dma_start3A_83 = arith.constant 0 : i32
      %dma_start3A_84 = tpu.memref_slice %arg16[%add3A_18, %dma_start3A_83] : memref<10240x32xf32, #tpu.memory_space<vmem_shared>> -> memref<128x32xf32, #tpu.memory_space<vmem_shared>>
      tpu.enqueue_dma source(%arg15 : memref<128x32xf32, #tpu.memory_space<vmem>>) target(%dma_start3A_84 : memref<128x32xf32, #tpu.memory_space<vmem_shared>>) target_semaphore(%run_scoped3A : memref<!tpu.dma_semaphore, #tpu.memory_space<semaphore_mem>>)
      %dma_wait3A_85 = arith.constant 0 : i32
      %dma_wait3A_86 = tpu.memref_slice %arg16[%add3A_18, %dma_wait3A_85] : memref<10240x32xf32, #tpu.memory_space<vmem_shared>> -> memref<128x32xf32, #tpu.memory_space<vmem_shared>>
      %dma_wait3A_87 = arith.constant 0 : i32
      %dma_wait3A_88 = tpu.memref_slice %arg16[%add3A_18, %dma_wait3A_87] : memref<10240x32xf32, #tpu.memory_space<vmem_shared>> -> memref<128x32xf32, #tpu.memory_space<vmem_shared>>
      tpu.wait_dma2 semaphore(%run_scoped3A : memref<!tpu.dma_semaphore, #tpu.memory_space<semaphore_mem>>) src(%arg15 : memref<128x32xf32, #tpu.memory_space<vmem>>) dst(%dma_wait3A_88 : memref<128x32xf32, #tpu.memory_space<vmem_shared>>)
      tpu.yield
    }) : () -> ()
    %mul3A_19 = arith.constant 640 : i32
    %mul3A_20 = arith.muli %arg1, %mul3A_19 : i32
    %add3A_21 = arith.constant 384 : i32
    %add3A_22 = arith.addi %mul3A_20, %add3A_21 : i32
    "tpu.region"() ({
      %run_scoped3A = tpu.sem_alloc : memref<!tpu.dma_semaphore, #tpu.memory_space<semaphore_mem>>
      %dma_start3A_81 = arith.constant 0 : i32
      %dma_start3A_82 = tpu.memref_slice %arg16[%add3A_22, %dma_start3A_81] : memref<10240x32xf32, #tpu.memory_space<vmem_shared>> -> memref<128x32xf32, #tpu.memory_space<vmem_shared>>
      %dma_start3A_83 = arith.constant 0 : i32
      %dma_start3A_84 = tpu.memref_slice %arg16[%add3A_22, %dma_start3A_83] : memref<10240x32xf32, #tpu.memory_space<vmem_shared>> -> memref<128x32xf32, #tpu.memory_space<vmem_shared>>
      tpu.enqueue_dma source(%arg15 : memref<128x32xf32, #tpu.memory_space<vmem>>) target(%dma_start3A_84 : memref<128x32xf32, #tpu.memory_space<vmem_shared>>) target_semaphore(%run_scoped3A : memref<!tpu.dma_semaphore, #tpu.memory_space<semaphore_mem>>)
      %dma_wait3A_85 = arith.constant 0 : i32
      %dma_wait3A_86 = tpu.memref_slice %arg16[%add3A_22, %dma_wait3A_85] : memref<10240x32xf32, #tpu.memory_space<vmem_shared>> -> memref<128x32xf32, #tpu.memory_space<vmem_shared>>
      %dma_wait3A_87 = arith.constant 0 : i32
      %dma_wait3A_88 = tpu.memref_slice %arg16[%add3A_22, %dma_wait3A_87] : memref<10240x32xf32, #tpu.memory_space<vmem_shared>> -> memref<128x32xf32, #tpu.memory_space<vmem_shared>>
      tpu.wait_dma2 semaphore(%run_scoped3A : memref<!tpu.dma_semaphore, #tpu.memory_space<semaphore_mem>>) src(%arg15 : memref<128x32xf32, #tpu.memory_space<vmem>>) dst(%dma_wait3A_88 : memref<128x32xf32, #tpu.memory_space<vmem_shared>>)
      tpu.yield
    }) : () -> ()
    %mul3A_23 = arith.constant 640 : i32
    %mul3A_24 = arith.muli %arg1, %mul3A_23 : i32
    %add3A_25 = arith.constant 512 : i32
    %add3A_26 = arith.addi %mul3A_24, %add3A_25 : i32
    "tpu.region"() ({
      %run_scoped3A = tpu.sem_alloc : memref<!tpu.dma_semaphore, #tpu.memory_space<semaphore_mem>>
      %dma_start3A_81 = arith.constant 0 : i32
      %dma_start3A_82 = tpu.memref_slice %arg16[%add3A_26, %dma_start3A_81] : memref<10240x32xf32, #tpu.memory_space<vmem_shared>> -> memref<128x32xf32, #tpu.memory_space<vmem_shared>>
      %dma_start3A_83 = arith.constant 0 : i32
      %dma_start3A_84 = tpu.memref_slice %arg16[%add3A_26, %dma_start3A_83] : memref<10240x32xf32, #tpu.memory_space<vmem_shared>> -> memref<128x32xf32, #tpu.memory_space<vmem_shared>>
      tpu.enqueue_dma source(%arg15 : memref<128x32xf32, #tpu.memory_space<vmem>>) target(%dma_start3A_84 : memref<128x32xf32, #tpu.memory_space<vmem_shared>>) target_semaphore(%run_scoped3A : memref<!tpu.dma_semaphore, #tpu.memory_space<semaphore_mem>>)
      %dma_wait3A_85 = arith.constant 0 : i32
      %dma_wait3A_86 = tpu.memref_slice %arg16[%add3A_26, %dma_wait3A_85] : memref<10240x32xf32, #tpu.memory_space<vmem_shared>> -> memref<128x32xf32, #tpu.memory_space<vmem_shared>>
      %dma_wait3A_87 = arith.constant 0 : i32
      %dma_wait3A_88 = tpu.memref_slice %arg16[%add3A_26, %dma_wait3A_87] : memref<10240x32xf32, #tpu.memory_space<vmem_shared>> -> memref<128x32xf32, #tpu.memory_space<vmem_shared>>
      tpu.wait_dma2 semaphore(%run_scoped3A : memref<!tpu.dma_semaphore, #tpu.memory_space<semaphore_mem>>) src(%arg15 : memref<128x32xf32, #tpu.memory_space<vmem>>) dst(%dma_wait3A_88 : memref<128x32xf32, #tpu.memory_space<vmem_shared>>)
      tpu.yield
    }) : () -> ()
    %barrier3A = arith.constant 0 : index
    tpu.barrier barrier_id(%barrier3A)
    "tpu.region"() ({
      %run_scoped3A = tpu.sem_alloc : memref<!tpu.dma_semaphore, #tpu.memory_space<semaphore_mem>>
      %dma_start3A_81 = arith.constant 0 : i32
      %dma_start3A_82 = arith.constant 0 : i32
      %dma_start3A_83 = tpu.memref_slice %arg4[%add3A, %dma_start3A_81, %dma_start3A_82] : memref<32x80x125xi32, #tpu.memory_space<hbm>> -> memref<1x80x125xi32, #tpu.memory_space<hbm>>
      %dma_start3A_84 = tpu.memref_squeeze %dma_start3A_83 : memref<1x80x125xi32, #tpu.memory_space<hbm>> -> memref<80x125xi32, #tpu.memory_space<hbm>>
      %dma_start3A_85 = arith.constant 0 : i32
      %dma_start3A_86 = arith.constant 0 : i32
      %dma_start3A_87 = tpu.memref_slice %arg4[%add3A, %dma_start3A_85, %dma_start3A_86] : memref<32x80x125xi32, #tpu.memory_space<hbm>> -> memref<1x80x125xi32, #tpu.memory_space<hbm>>
      %dma_start3A_88 = tpu.memref_squeeze %dma_start3A_87 : memref<1x80x125xi32, #tpu.memory_space<hbm>> -> memref<80x125xi32, #tpu.memory_space<hbm>>
      tpu.enqueue_dma source(%dma_start3A_88 : memref<80x125xi32, #tpu.memory_space<hbm>>) target(%arg7 : memref<80x125xi32, #tpu.memory_space<vmem>>) target_semaphore(%run_scoped3A : memref<!tpu.dma_semaphore, #tpu.memory_space<semaphore_mem>>)
      %dma_wait3A_89 = arith.constant 0 : i32
      %dma_wait3A_90 = arith.constant 0 : i32
      %dma_wait3A_91 = tpu.memref_slice %arg4[%add3A, %dma_wait3A_89, %dma_wait3A_90] : memref<32x80x125xi32, #tpu.memory_space<hbm>> -> memref<1x80x125xi32, #tpu.memory_space<hbm>>
      %dma_wait3A_92 = tpu.memref_squeeze %dma_wait3A_91 : memref<1x80x125xi32, #tpu.memory_space<hbm>> -> memref<80x125xi32, #tpu.memory_space<hbm>>
      %dma_wait3A_93 = arith.constant 0 : i32
      %dma_wait3A_94 = arith.constant 0 : i32
      %dma_wait3A_95 = tpu.memref_slice %arg4[%add3A, %dma_wait3A_93, %dma_wait3A_94] : memref<32x80x125xi32, #tpu.memory_space<hbm>> -> memref<1x80x125xi32, #tpu.memory_space<hbm>>
      %dma_wait3A_96 = tpu.memref_squeeze %dma_wait3A_95 : memref<1x80x125xi32, #tpu.memory_space<hbm>> -> memref<80x125xi32, #tpu.memory_space<hbm>>
      tpu.wait_dma2 semaphore(%run_scoped3A : memref<!tpu.dma_semaphore, #tpu.memory_space<semaphore_mem>>) src(%dma_wait3A_96 : memref<80x125xi32, #tpu.memory_space<hbm>>) dst(%arg7 : memref<80x125xi32, #tpu.memory_space<vmem>>)
      tpu.yield
    }) : () -> ()
    "tpu.region"() ({
      %run_scoped3A = tpu.sem_alloc : memref<!tpu.dma_semaphore, #tpu.memory_space<semaphore_mem>>
      %dma_start3A_81 = arith.constant 0 : i32
      %dma_start3A_82 = arith.constant 0 : i32
      %dma_start3A_83 = tpu.memref_slice %arg5[%add3A, %dma_start3A_81, %dma_start3A_82] : memref<32x80x125xi32, #tpu.memory_space<hbm>> -> memref<1x80x125xi32, #tpu.memory_space<hbm>>
      %dma_start3A_84 = tpu.memref_squeeze %dma_start3A_83 : memref<1x80x125xi32, #tpu.memory_space<hbm>> -> memref<80x125xi32, #tpu.memory_space<hbm>>
      %dma_start3A_85 = arith.constant 0 : i32
      %dma_start3A_86 = arith.constant 0 : i32
      %dma_start3A_87 = tpu.memref_slice %arg5[%add3A, %dma_start3A_85, %dma_start3A_86] : memref<32x80x125xi32, #tpu.memory_space<hbm>> -> memref<1x80x125xi32, #tpu.memory_space<hbm>>
      %dma_start3A_88 = tpu.memref_squeeze %dma_start3A_87 : memref<1x80x125xi32, #tpu.memory_space<hbm>> -> memref<80x125xi32, #tpu.memory_space<hbm>>
      tpu.enqueue_dma source(%dma_start3A_88 : memref<80x125xi32, #tpu.memory_space<hbm>>) target(%arg8 : memref<80x125xi32, #tpu.memory_space<vmem>>) target_semaphore(%run_scoped3A : memref<!tpu.dma_semaphore, #tpu.memory_space<semaphore_mem>>)
      %dma_wait3A_89 = arith.constant 0 : i32
      %dma_wait3A_90 = arith.constant 0 : i32
      %dma_wait3A_91 = tpu.memref_slice %arg5[%add3A, %dma_wait3A_89, %dma_wait3A_90] : memref<32x80x125xi32, #tpu.memory_space<hbm>> -> memref<1x80x125xi32, #tpu.memory_space<hbm>>
      %dma_wait3A_92 = tpu.memref_squeeze %dma_wait3A_91 : memref<1x80x125xi32, #tpu.memory_space<hbm>> -> memref<80x125xi32, #tpu.memory_space<hbm>>
      %dma_wait3A_93 = arith.constant 0 : i32
      %dma_wait3A_94 = arith.constant 0 : i32
      %dma_wait3A_95 = tpu.memref_slice %arg5[%add3A, %dma_wait3A_93, %dma_wait3A_94] : memref<32x80x125xi32, #tpu.memory_space<hbm>> -> memref<1x80x125xi32, #tpu.memory_space<hbm>>
      %dma_wait3A_96 = tpu.memref_squeeze %dma_wait3A_95 : memref<1x80x125xi32, #tpu.memory_space<hbm>> -> memref<80x125xi32, #tpu.memory_space<hbm>>
      tpu.wait_dma2 semaphore(%run_scoped3A : memref<!tpu.dma_semaphore, #tpu.memory_space<semaphore_mem>>) src(%dma_wait3A_96 : memref<80x125xi32, #tpu.memory_space<hbm>>) dst(%arg8 : memref<80x125xi32, #tpu.memory_space<vmem>>)
      tpu.yield
    }) : () -> ()
    %iota3A = tpu.iota {dimensions = array<i32: 0>} : vector<16xi32>
    %shift_right_arithmetic3A = arith.constant 3 : i32
    %shift_right_arithmetic3A_27 = vector.broadcast %shift_right_arithmetic3A : i32 to vector<16xi32>
    %shift_right_arithmetic3A_28 = arith.shrsi %iota3A, %shift_right_arithmetic3A_27 : vector<16xi32>
    %dma_start3A = arith.constant 0 : i32
    %dma_start3A_29 = arith.constant 0 : i32
    %dma_start3A_30 = tpu.memref_slice %arg7[%dma_start3A, %dma_start3A_29] : memref<80x125xi32, #tpu.memory_space<vmem>> -> memref<1x125xi32, #tpu.memory_space<vmem>>
    %dma_start3A_31 = tpu.memref_squeeze %dma_start3A_30 : memref<1x125xi32, #tpu.memory_space<vmem>> -> memref<125xi32, #tpu.memory_space<vmem>>
    %dma_start3A_32 = arith.constant 0 : i32
    %dma_start3A_33 = arith.constant 0 : i32
    %dma_start3A_34 = tpu.memref_slice %arg2[%dma_start3A_32, %dma_start3A_33] : memref<10000x32xf32, #tpu.memory_space<hbm>> -> memref<10000x32xf32, #tpu.memory_space<hbm>>
    tpu.enqueue_indirect_dma source(%dma_start3A_34 : memref<10000x32xf32, #tpu.memory_space<hbm>>) target(%arg9 : memref<125x32xf32, #tpu.memory_space<vmem>>) offsets(%dma_start3A_31 : memref<125xi32, #tpu.memory_space<vmem>>) semaphore(%arg17 : memref<!tpu.dma_semaphore, #tpu.memory_space<semaphore_mem>>)
    %dma_start3A_35 = arith.constant 0 : i32
    %dma_start3A_36 = arith.constant 0 : i32
    %dma_start3A_37 = tpu.memref_slice %arg8[%dma_start3A_35, %dma_start3A_36] : memref<80x125xi32, #tpu.memory_space<vmem>> -> memref<1x125xi32, #tpu.memory_space<vmem>>
    %dma_start3A_38 = tpu.memref_squeeze %dma_start3A_37 : memref<1x125xi32, #tpu.memory_space<vmem>> -> memref<125xi32, #tpu.memory_space<vmem>>
    %dma_start3A_39 = arith.constant 0 : i32
    %dma_start3A_40 = arith.constant 0 : i32
    %dma_start3A_41 = tpu.memref_slice %arg3[%dma_start3A_39, %dma_start3A_40] : memref<10000x16xf32, #tpu.memory_space<hbm>> -> memref<10000x16xf32, #tpu.memory_space<hbm>>
    tpu.enqueue_indirect_dma source(%dma_start3A_41 : memref<10000x16xf32, #tpu.memory_space<hbm>>) target(%arg10 : memref<125x16xf32, #tpu.memory_space<vmem>>) offsets(%dma_start3A_38 : memref<125xi32, #tpu.memory_space<vmem>>) semaphore(%arg17 : memref<!tpu.dma_semaphore, #tpu.memory_space<semaphore_mem>>)
    %scan3A_42 = arith.constant 0 : i32
    %scan3A_43 = arith.constant 0 : i32
    %scan3A_44 = arith.constant 40 : i32
    %scan3A_45 = arith.addi %scan3A_43, %scan3A_44 : i32
    %scan3A_46 = arith.constant 1 : i32
    %scan3A_47 = scf.for %scan3A_81 = %scan3A_43 to %scan3A_45 step %scan3A_46 iter_args(%scan3A_82 = %scan3A_42) -> (i32)  : i32 {
      %mul3A_83 = arith.constant 2 : i32
      %mul3A_84 = arith.muli %mul3A_83, %scan3A_81 : i32
      %add3A_85 = arith.constant 0 : i32
      %add3A_86 = arith.addi %mul3A_84, %add3A_85 : i32
      %dma_wait3A_87 = arith.constant 0 : i32
      %dma_wait3A_88 = tpu.memref_slice %arg7[%add3A_86, %dma_wait3A_87] : memref<80x125xi32, #tpu.memory_space<vmem>> -> memref<1x125xi32, #tpu.memory_space<vmem>>
      %dma_wait3A_89 = tpu.memref_squeeze %dma_wait3A_88 : memref<1x125xi32, #tpu.memory_space<vmem>> -> memref<125xi32, #tpu.memory_space<vmem>>
      %dma_wait3A_90 = arith.constant 0 : i32
      %dma_wait3A_91 = arith.constant 0 : i32
      %dma_wait3A_92 = tpu.memref_slice %arg2[%dma_wait3A_90, %dma_wait3A_91] : memref<10000x32xf32, #tpu.memory_space<hbm>> -> memref<10000x32xf32, #tpu.memory_space<hbm>>
      tpu.wait_indirect_dma semaphore(%arg17 : memref<!tpu.dma_semaphore, #tpu.memory_space<semaphore_mem>>) src(%dma_wait3A_92 : memref<10000x32xf32, #tpu.memory_space<hbm>>) dst(%arg9 : memref<125x32xf32, #tpu.memory_space<vmem>>)
      %dma_wait3A_93 = arith.constant 0 : i32
      %dma_wait3A_94 = tpu.memref_slice %arg8[%add3A_86, %dma_wait3A_93] : memref<80x125xi32, #tpu.memory_space<vmem>> -> memref<1x125xi32, #tpu.memory_space<vmem>>
      %dma_wait3A_95 = tpu.memref_squeeze %dma_wait3A_94 : memref<1x125xi32, #tpu.memory_space<vmem>> -> memref<125xi32, #tpu.memory_space<vmem>>
      %dma_wait3A_96 = arith.constant 0 : i32
      %dma_wait3A_97 = arith.constant 0 : i32
      %dma_wait3A_98 = tpu.memref_slice %arg3[%dma_wait3A_96, %dma_wait3A_97] : memref<10000x16xf32, #tpu.memory_space<hbm>> -> memref<10000x16xf32, #tpu.memory_space<hbm>>
      tpu.wait_indirect_dma semaphore(%arg17 : memref<!tpu.dma_semaphore, #tpu.memory_space<semaphore_mem>>) src(%dma_wait3A_98 : memref<10000x16xf32, #tpu.memory_space<hbm>>) dst(%arg10 : memref<125x16xf32, #tpu.memory_space<vmem>>)
      %add3A_99 = arith.constant 1 : i32
      %add3A_100 = arith.addi %add3A_86, %add3A_99 : i32
      %min3A = arith.constant 79 : i32
      %min3A_101 = arith.minsi %add3A_100, %min3A : i32
      %dma_start3A_102 = arith.constant 0 : i32
      %dma_start3A_103 = tpu.memref_slice %arg7[%min3A_101, %dma_start3A_102] : memref<80x125xi32, #tpu.memory_space<vmem>> -> memref<1x125xi32, #tpu.memory_space<vmem>>
      %dma_start3A_104 = tpu.memref_squeeze %dma_start3A_103 : memref<1x125xi32, #tpu.memory_space<vmem>> -> memref<125xi32, #tpu.memory_space<vmem>>
      %dma_start3A_105 = arith.constant 0 : i32
      %dma_start3A_106 = arith.constant 0 : i32
      %dma_start3A_107 = tpu.memref_slice %arg2[%dma_start3A_105, %dma_start3A_106] : memref<10000x32xf32, #tpu.memory_space<hbm>> -> memref<10000x32xf32, #tpu.memory_space<hbm>>
      tpu.enqueue_indirect_dma source(%dma_start3A_107 : memref<10000x32xf32, #tpu.memory_space<hbm>>) target(%arg12 : memref<125x32xf32, #tpu.memory_space<vmem>>) offsets(%dma_start3A_104 : memref<125xi32, #tpu.memory_space<vmem>>) semaphore(%arg18 : memref<!tpu.dma_semaphore, #tpu.memory_space<semaphore_mem>>)
      %dma_start3A_108 = arith.constant 0 : i32
      %dma_start3A_109 = tpu.memref_slice %arg8[%min3A_101, %dma_start3A_108] : memref<80x125xi32, #tpu.memory_space<vmem>> -> memref<1x125xi32, #tpu.memory_space<vmem>>
      %dma_start3A_110 = tpu.memref_squeeze %dma_start3A_109 : memref<1x125xi32, #tpu.memory_space<vmem>> -> memref<125xi32, #tpu.memory_space<vmem>>
      %dma_start3A_111 = arith.constant 0 : i32
      %dma_start3A_112 = arith.constant 0 : i32
      %dma_start3A_113 = tpu.memref_slice %arg3[%dma_start3A_111, %dma_start3A_112] : memref<10000x16xf32, #tpu.memory_space<hbm>> -> memref<10000x16xf32, #tpu.memory_space<hbm>>
      tpu.enqueue_indirect_dma source(%dma_start3A_113 : memref<10000x16xf32, #tpu.memory_space<hbm>>) target(%arg13 : memref<125x16xf32, #tpu.memory_space<vmem>>) offsets(%dma_start3A_110 : memref<125xi32, #tpu.memory_space<vmem>>) semaphore(%arg18 : memref<!tpu.dma_semaphore, #tpu.memory_space<semaphore_mem>>)
      %ge3A = arith.constant 2 : i32
      %ge3A_114 = arith.cmpi sge, %add3A_86, %ge3A : i32
      %convert_element_type3A = arith.extui %ge3A_114 : i1 to i32
      %cond3A = arith.constant 0 : i32
      %cond3A_115 = arith.cmpi ne, %convert_element_type3A, %cond3A : i32
      scf.if %cond3A_115 {
        %sub3A = arith.constant 2 : i32
        %sub3A_171 = arith.subi %add3A_86, %sub3A : i32
        %dma_wait3A_172 = arith.constant 0 : i32
        %dma_wait3A_173 = tpu.memref_slice %arg8[%sub3A_171, %dma_wait3A_172] : memref<80x125xi32, #tpu.memory_space<vmem>> -> memref<1x125xi32, #tpu.memory_space<vmem>>
        %dma_wait3A_174 = tpu.memref_squeeze %dma_wait3A_173 : memref<1x125xi32, #tpu.memory_space<vmem>> -> memref<125xi32, #tpu.memory_space<vmem>>
        %dma_wait3A_175 = arith.constant 0 : i32
        %dma_wait3A_176 = arith.constant 0 : i32
        %dma_wait3A_177 = tpu.memref_slice %arg16[%dma_wait3A_175, %dma_wait3A_176] : memref<10240x32xf32, #tpu.memory_space<vmem_shared>> -> memref<10240x32xf32, #tpu.memory_space<vmem_shared>>
        tpu.wait_indirect_dma semaphore(%arg19 : memref<!tpu.dma_semaphore, #tpu.memory_space<semaphore_mem>>) src(%arg11 : memref<125x32xf32, #tpu.memory_space<vmem>>) dst(%dma_wait3A_177 : memref<10240x32xf32, #tpu.memory_space<vmem_shared>>)
      } else {
      }
      %parallel_loop3A = arith.constant 0 : i32
      %parallel_loop3A_116 = arith.constant 125 : i32
      %parallel_loop3A_117 = arith.constant 1 : i32
      scf.for %parallel_loop3A_171 = %parallel_loop3A to %parallel_loop3A_116 step %parallel_loop3A_117  : i32 {
        %parallel_loop3A_172 = arith.index_cast %parallel_loop3A_171 : i32 to index
        %parallel_loop3A_173 = arith.constant 16 : index
        %parallel_loop3A_174 = tpu.vector_load %arg9[%parallel_loop3A_172, %parallel_loop3A_173] {strides = array<i32>} : memref<125x32xf32, #tpu.memory_space<vmem>>, vector<1x16xf32>,
        %parallel_loop3A_175 = vector.shape_cast %parallel_loop3A_174 : vector<1x16xf32> to vector<16xf32>
        %parallel_loop3A_176 = arith.index_cast %parallel_loop3A_171 : i32 to index
        %parallel_loop3A_177 = arith.constant 0 : index
        %parallel_loop3A_178 = tpu.vector_load %arg10[%parallel_loop3A_176, %parallel_loop3A_177] {strides = array<i32>} : memref<125x16xf32, #tpu.memory_space<vmem>>, vector<1x16xf32>,
        %parallel_loop3A_179 = vector.shape_cast %parallel_loop3A_178 : vector<1x16xf32> to vector<16xf32>
        %parallel_loop3A_180 = arith.addf %parallel_loop3A_175, %parallel_loop3A_179 : vector<16xf32>
        %parallel_loop3A_181 = arith.constant 2.000000e-01 : f32
        %parallel_loop3A_182 = vector.broadcast %parallel_loop3A_181 : f32 to vector<16xf32>
        %parallel_loop3A_183 = arith.mulf %parallel_loop3A_182, %parallel_loop3A_180 : vector<16xf32>
        %parallel_loop3A_184 = arith.maximumf %parallel_loop3A_180, %parallel_loop3A_183 : vector<16xf32>
        %parallel_loop3A_185 = math.exp %parallel_loop3A_184 : vector<16xf32>
        %parallel_loop3A_186 = arith.index_cast %parallel_loop3A_171 : i32 to index
        %parallel_loop3A_187 = arith.constant 0 : index
        %parallel_loop3A_188 = tpu.vector_load %arg9[%parallel_loop3A_186, %parallel_loop3A_187] {strides = array<i32>} : memref<125x32xf32, #tpu.memory_space<vmem>>, vector<1x16xf32>,
        %parallel_loop3A_189 = vector.shape_cast %parallel_loop3A_188 : vector<1x16xf32> to vector<16xf32>
        %parallel_loop3A_190 = arith.mulf %parallel_loop3A_189, %parallel_loop3A_185 : vector<16xf32>
        %parallel_loop3A_191 = arith.index_cast %parallel_loop3A_171 : i32 to index
        %parallel_loop3A_192 = arith.constant 0 : index
        %parallel_loop3A_193 = tpu.vector_load %arg11[%parallel_loop3A_191, %parallel_loop3A_192] {strides = array<i32>} : memref<125x32xf32, #tpu.memory_space<vmem>>, vector<1x16xf32>,
        %parallel_loop3A_194 = vector.shape_cast %parallel_loop3A_193 : vector<1x16xf32> to vector<16xf32>
        %parallel_loop3A_195 = vector.shape_cast %parallel_loop3A_190 : vector<16xf32> to vector<1x16xf32>
        tpu.vector_store %arg11[%parallel_loop3A_191, %parallel_loop3A_192], %parallel_loop3A_195 {strides = array<i32>} : memref<125x32xf32, #tpu.memory_space<vmem>>, vector<1x16xf32>,
        %parallel_loop3A_196 = arith.constant 1 : i32
        %parallel_loop3A_197 = vector.broadcast %parallel_loop3A_196 : i32 to vector<16xi32>
        %parallel_loop3A_198 = arith.cmpi slt, %iota3A, %parallel_loop3A_197 : vector<16xi32>
        %parallel_loop3A_199 = arith.constant 0.000000e+00 : f32
        %parallel_loop3A_200 = vector.broadcast %parallel_loop3A_199 : f32 to vector<16xf32>
        %parallel_loop3A_201 = arith.select %parallel_loop3A_198, %parallel_loop3A_185, %parallel_loop3A_200 : vector<16xi1>, vector<16xf32>
        %parallel_loop3A_202 = arith.index_cast %parallel_loop3A_171 : i32 to index
        %parallel_loop3A_203 = arith.constant 16 : index
        %parallel_loop3A_204 = tpu.vector_load %arg11[%parallel_loop3A_202, %parallel_loop3A_203] {strides = array<i32>} : memref<125x32xf32, #tpu.memory_space<vmem>>, vector<1x16xf32>,
        %parallel_loop3A_205 = vector.shape_cast %parallel_loop3A_204 : vector<1x16xf32> to vector<16xf32>
        %parallel_loop3A_206 = vector.shape_cast %parallel_loop3A_201 : vector<16xf32> to vector<1x16xf32>
        tpu.vector_store %arg11[%parallel_loop3A_202, %parallel_loop3A_203], %parallel_loop3A_206 {strides = array<i32>} : memref<125x32xf32, #tpu.memory_space<vmem>>, vector<1x16xf32>,
      } {sc.loop_unroll_factor = 16 : i64, sc.parallel_access}
      %dma_start3A_118 = arith.constant 0 : i32
      %dma_start3A_119 = tpu.memref_slice %arg8[%add3A_86, %dma_start3A_118] : memref<80x125xi32, #tpu.memory_space<vmem>> -> memref<1x125xi32, #tpu.memory_space<vmem>>
      %dma_start3A_120 = tpu.memref_squeeze %dma_start3A_119 : memref<1x125xi32, #tpu.memory_space<vmem>> -> memref<125xi32, #tpu.memory_space<vmem>>
      %dma_start3A_121 = arith.constant 0 : i32
      %dma_start3A_122 = arith.constant 0 : i32
      %dma_start3A_123 = tpu.memref_slice %arg16[%dma_start3A_121, %dma_start3A_122] : memref<10240x32xf32, #tpu.memory_space<vmem_shared>> -> memref<10240x32xf32, #tpu.memory_space<vmem_shared>>
      tpu.enqueue_indirect_dma source(%arg11 : memref<125x32xf32, #tpu.memory_space<vmem>>) target(%dma_start3A_123 : memref<10240x32xf32, #tpu.memory_space<vmem_shared>>) offsets(%dma_start3A_120 : memref<125xi32, #tpu.memory_space<vmem>>) semaphore(%arg19 : memref<!tpu.dma_semaphore, #tpu.memory_space<semaphore_mem>>) {add = true}
      %mul3A_124 = arith.constant 2 : i32
      %mul3A_125 = arith.muli %mul3A_124, %scan3A_81 : i32
      %add3A_126 = arith.constant 1 : i32
      %add3A_127 = arith.addi %mul3A_125, %add3A_126 : i32
      %dma_wait3A_128 = arith.constant 0 : i32
      %dma_wait3A_129 = tpu.memref_slice %arg7[%add3A_127, %dma_wait3A_128] : memref<80x125xi32, #tpu.memory_space<vmem>> -> memref<1x125xi32, #tpu.memory_space<vmem>>
      %dma_wait3A_130 = tpu.memref_squeeze %dma_wait3A_129 : memref<1x125xi32, #tpu.memory_space<vmem>> -> memref<125xi32, #tpu.memory_space<vmem>>
      %dma_wait3A_131 = arith.constant 0 : i32
      %dma_wait3A_132 = arith.constant 0 : i32
      %dma_wait3A_133 = tpu.memref_slice %arg2[%dma_wait3A_131, %dma_wait3A_132] : memref<10000x32xf32, #tpu.memory_space<hbm>> -> memref<10000x32xf32, #tpu.memory_space<hbm>>
      tpu.wait_indirect_dma semaphore(%arg18 : memref<!tpu.dma_semaphore, #tpu.memory_space<semaphore_mem>>) src(%dma_wait3A_133 : memref<10000x32xf32, #tpu.memory_space<hbm>>) dst(%arg12 : memref<125x32xf32, #tpu.memory_space<vmem>>)
      %dma_wait3A_134 = arith.constant 0 : i32
      %dma_wait3A_135 = tpu.memref_slice %arg8[%add3A_127, %dma_wait3A_134] : memref<80x125xi32, #tpu.memory_space<vmem>> -> memref<1x125xi32, #tpu.memory_space<vmem>>
      %dma_wait3A_136 = tpu.memref_squeeze %dma_wait3A_135 : memref<1x125xi32, #tpu.memory_space<vmem>> -> memref<125xi32, #tpu.memory_space<vmem>>
      %dma_wait3A_137 = arith.constant 0 : i32
      %dma_wait3A_138 = arith.constant 0 : i32
      %dma_wait3A_139 = tpu.memref_slice %arg3[%dma_wait3A_137, %dma_wait3A_138] : memref<10000x16xf32, #tpu.memory_space<hbm>> -> memref<10000x16xf32, #tpu.memory_space<hbm>>
      tpu.wait_indirect_dma semaphore(%arg18 : memref<!tpu.dma_semaphore, #tpu.memory_space<semaphore_mem>>) src(%dma_wait3A_139 : memref<10000x16xf32, #tpu.memory_space<hbm>>) dst(%arg13 : memref<125x16xf32, #tpu.memory_space<vmem>>)
      %add3A_140 = arith.constant 1 : i32
      %add3A_141 = arith.addi %add3A_127, %add3A_140 : i32
      %min3A_142 = arith.constant 79 : i32
      %min3A_143 = arith.minsi %add3A_141, %min3A_142 : i32
      %dma_start3A_144 = arith.constant 0 : i32
      %dma_start3A_145 = tpu.memref_slice %arg7[%min3A_143, %dma_start3A_144] : memref<80x125xi32, #tpu.memory_space<vmem>> -> memref<1x125xi32, #tpu.memory_space<vmem>>
      %dma_start3A_146 = tpu.memref_squeeze %dma_start3A_145 : memref<1x125xi32, #tpu.memory_space<vmem>> -> memref<125xi32, #tpu.memory_space<vmem>>
      %dma_start3A_147 = arith.constant 0 : i32
      %dma_start3A_148 = arith.constant 0 : i32
      %dma_start3A_149 = tpu.memref_slice %arg2[%dma_start3A_147, %dma_start3A_148] : memref<10000x32xf32, #tpu.memory_space<hbm>> -> memref<10000x32xf32, #tpu.memory_space<hbm>>
      tpu.enqueue_indirect_dma source(%dma_start3A_149 : memref<10000x32xf32, #tpu.memory_space<hbm>>) target(%arg9 : memref<125x32xf32, #tpu.memory_space<vmem>>) offsets(%dma_start3A_146 : memref<125xi32, #tpu.memory_space<vmem>>) semaphore(%arg17 : memref<!tpu.dma_semaphore, #tpu.memory_space<semaphore_mem>>)
      %dma_start3A_150 = arith.constant 0 : i32
      %dma_start3A_151 = tpu.memref_slice %arg8[%min3A_143, %dma_start3A_150] : memref<80x125xi32, #tpu.memory_space<vmem>> -> memref<1x125xi32, #tpu.memory_space<vmem>>
      %dma_start3A_152 = tpu.memref_squeeze %dma_start3A_151 : memref<1x125xi32, #tpu.memory_space<vmem>> -> memref<125xi32, #tpu.memory_space<vmem>>
      %dma_start3A_153 = arith.constant 0 : i32
      %dma_start3A_154 = arith.constant 0 : i32
      %dma_start3A_155 = tpu.memref_slice %arg3[%dma_start3A_153, %dma_start3A_154] : memref<10000x16xf32, #tpu.memory_space<hbm>> -> memref<10000x16xf32, #tpu.memory_space<hbm>>
      tpu.enqueue_indirect_dma source(%dma_start3A_155 : memref<10000x16xf32, #tpu.memory_space<hbm>>) target(%arg10 : memref<125x16xf32, #tpu.memory_space<vmem>>) offsets(%dma_start3A_152 : memref<125xi32, #tpu.memory_space<vmem>>) semaphore(%arg17 : memref<!tpu.dma_semaphore, #tpu.memory_space<semaphore_mem>>)
      %ge3A_156 = arith.constant 2 : i32
      %ge3A_157 = arith.cmpi sge, %add3A_127, %ge3A_156 : i32
      %convert_element_type3A_158 = arith.extui %ge3A_157 : i1 to i32
      %cond3A_159 = arith.constant 0 : i32
      %cond3A_160 = arith.cmpi ne, %convert_element_type3A_158, %cond3A_159 : i32
      scf.if %cond3A_160 {
        %sub3A = arith.constant 2 : i32
        %sub3A_171 = arith.subi %add3A_127, %sub3A : i32
        %dma_wait3A_172 = arith.constant 0 : i32
        %dma_wait3A_173 = tpu.memref_slice %arg8[%sub3A_171, %dma_wait3A_172] : memref<80x125xi32, #tpu.memory_space<vmem>> -> memref<1x125xi32, #tpu.memory_space<vmem>>
        %dma_wait3A_174 = tpu.memref_squeeze %dma_wait3A_173 : memref<1x125xi32, #tpu.memory_space<vmem>> -> memref<125xi32, #tpu.memory_space<vmem>>
        %dma_wait3A_175 = arith.constant 0 : i32
        %dma_wait3A_176 = arith.constant 0 : i32
        %dma_wait3A_177 = tpu.memref_slice %arg16[%dma_wait3A_175, %dma_wait3A_176] : memref<10240x32xf32, #tpu.memory_space<vmem_shared>> -> memref<10240x32xf32, #tpu.memory_space<vmem_shared>>
        tpu.wait_indirect_dma semaphore(%arg20 : memref<!tpu.dma_semaphore, #tpu.memory_space<semaphore_mem>>) src(%arg14 : memref<125x32xf32, #tpu.memory_space<vmem>>) dst(%dma_wait3A_177 : memref<10240x32xf32, #tpu.memory_space<vmem_shared>>)
      } else {
      }
      %parallel_loop3A_161 = arith.constant 0 : i32
      %parallel_loop3A_162 = arith.constant 125 : i32
      %parallel_loop3A_163 = arith.constant 1 : i32
      scf.for %parallel_loop3A_171 = %parallel_loop3A_161 to %parallel_loop3A_162 step %parallel_loop3A_163  : i32 {
        %parallel_loop3A_172 = arith.index_cast %parallel_loop3A_171 : i32 to index
        %parallel_loop3A_173 = arith.constant 16 : index
        %parallel_loop3A_174 = tpu.vector_load %arg12[%parallel_loop3A_172, %parallel_loop3A_173] {strides = array<i32>} : memref<125x32xf32, #tpu.memory_space<vmem>>, vector<1x16xf32>,
        %parallel_loop3A_175 = vector.shape_cast %parallel_loop3A_174 : vector<1x16xf32> to vector<16xf32>
        %parallel_loop3A_176 = arith.index_cast %parallel_loop3A_171 : i32 to index
        %parallel_loop3A_177 = arith.constant 0 : index
        %parallel_loop3A_178 = tpu.vector_load %arg13[%parallel_loop3A_176, %parallel_loop3A_177] {strides = array<i32>} : memref<125x16xf32, #tpu.memory_space<vmem>>, vector<1x16xf32>,
        %parallel_loop3A_179 = vector.shape_cast %parallel_loop3A_178 : vector<1x16xf32> to vector<16xf32>
        %parallel_loop3A_180 = arith.addf %parallel_loop3A_175, %parallel_loop3A_179 : vector<16xf32>
        %parallel_loop3A_181 = arith.constant 2.000000e-01 : f32
        %parallel_loop3A_182 = vector.broadcast %parallel_loop3A_181 : f32 to vector<16xf32>
        %parallel_loop3A_183 = arith.mulf %parallel_loop3A_182, %parallel_loop3A_180 : vector<16xf32>
        %parallel_loop3A_184 = arith.maximumf %parallel_loop3A_180, %parallel_loop3A_183 : vector<16xf32>
        %parallel_loop3A_185 = math.exp %parallel_loop3A_184 : vector<16xf32>
        %parallel_loop3A_186 = arith.index_cast %parallel_loop3A_171 : i32 to index
        %parallel_loop3A_187 = arith.constant 0 : index
        %parallel_loop3A_188 = tpu.vector_load %arg12[%parallel_loop3A_186, %parallel_loop3A_187] {strides = array<i32>} : memref<125x32xf32, #tpu.memory_space<vmem>>, vector<1x16xf32>,
        %parallel_loop3A_189 = vector.shape_cast %parallel_loop3A_188 : vector<1x16xf32> to vector<16xf32>
        %parallel_loop3A_190 = arith.mulf %parallel_loop3A_189, %parallel_loop3A_185 : vector<16xf32>
        %parallel_loop3A_191 = arith.index_cast %parallel_loop3A_171 : i32 to index
        %parallel_loop3A_192 = arith.constant 0 : index
        %parallel_loop3A_193 = tpu.vector_load %arg14[%parallel_loop3A_191, %parallel_loop3A_192] {strides = array<i32>} : memref<125x32xf32, #tpu.memory_space<vmem>>, vector<1x16xf32>,
        %parallel_loop3A_194 = vector.shape_cast %parallel_loop3A_193 : vector<1x16xf32> to vector<16xf32>
        %parallel_loop3A_195 = vector.shape_cast %parallel_loop3A_190 : vector<16xf32> to vector<1x16xf32>
        tpu.vector_store %arg14[%parallel_loop3A_191, %parallel_loop3A_192], %parallel_loop3A_195 {strides = array<i32>} : memref<125x32xf32, #tpu.memory_space<vmem>>, vector<1x16xf32>,
        %parallel_loop3A_196 = arith.constant 1 : i32
        %parallel_loop3A_197 = vector.broadcast %parallel_loop3A_196 : i32 to vector<16xi32>
        %parallel_loop3A_198 = arith.cmpi slt, %iota3A, %parallel_loop3A_197 : vector<16xi32>
        %parallel_loop3A_199 = arith.constant 0.000000e+00 : f32
        %parallel_loop3A_200 = vector.broadcast %parallel_loop3A_199 : f32 to vector<16xf32>
        %parallel_loop3A_201 = arith.select %parallel_loop3A_198, %parallel_loop3A_185, %parallel_loop3A_200 : vector<16xi1>, vector<16xf32>
        %parallel_loop3A_202 = arith.index_cast %parallel_loop3A_171 : i32 to index
        %parallel_loop3A_203 = arith.constant 16 : index
        %parallel_loop3A_204 = tpu.vector_load %arg14[%parallel_loop3A_202, %parallel_loop3A_203] {strides = array<i32>} : memref<125x32xf32, #tpu.memory_space<vmem>>, vector<1x16xf32>,
        %parallel_loop3A_205 = vector.shape_cast %parallel_loop3A_204 : vector<1x16xf32> to vector<16xf32>
        %parallel_loop3A_206 = vector.shape_cast %parallel_loop3A_201 : vector<16xf32> to vector<1x16xf32>
        tpu.vector_store %arg14[%parallel_loop3A_202, %parallel_loop3A_203], %parallel_loop3A_206 {strides = array<i32>} : memref<125x32xf32, #tpu.memory_space<vmem>>, vector<1x16xf32>,
      } {sc.loop_unroll_factor = 16 : i64, sc.parallel_access}
      %dma_start3A_164 = arith.constant 0 : i32
      %dma_start3A_165 = tpu.memref_slice %arg8[%add3A_127, %dma_start3A_164] : memref<80x125xi32, #tpu.memory_space<vmem>> -> memref<1x125xi32, #tpu.memory_space<vmem>>
      %dma_start3A_166 = tpu.memref_squeeze %dma_start3A_165 : memref<1x125xi32, #tpu.memory_space<vmem>> -> memref<125xi32, #tpu.memory_space<vmem>>
      %dma_start3A_167 = arith.constant 0 : i32
      %dma_start3A_168 = arith.constant 0 : i32
      %dma_start3A_169 = tpu.memref_slice %arg16[%dma_start3A_167, %dma_start3A_168] : memref<10240x32xf32, #tpu.memory_space<vmem_shared>> -> memref<10240x32xf32, #tpu.memory_space<vmem_shared>>
      tpu.enqueue_indirect_dma source(%arg14 : memref<125x32xf32, #tpu.memory_space<vmem>>) target(%dma_start3A_169 : memref<10240x32xf32, #tpu.memory_space<vmem_shared>>) offsets(%dma_start3A_166 : memref<125xi32, #tpu.memory_space<vmem>>) semaphore(%arg20 : memref<!tpu.dma_semaphore, #tpu.memory_space<semaphore_mem>>) {add = true}
      %scan3A_170 = arith.constant 0 : i32
      scf.yield %scan3A_170 : i32
    }
    %scan3A_48 = arith.constant 40 : i32
    %dma_wait3A = arith.constant 78 : i32
    %dma_wait3A_49 = arith.constant 0 : i32
    %dma_wait3A_50 = tpu.memref_slice %arg8[%dma_wait3A, %dma_wait3A_49] : memref<80x125xi32, #tpu.memory_space<vmem>> -> memref<1x125xi32, #tpu.memory_space<vmem>>
    %dma_wait3A_51 = tpu.memref_squeeze %dma_wait3A_50 : memref<1x125xi32, #tpu.memory_space<vmem>> -> memref<125xi32, #tpu.memory_space<vmem>>
    %dma_wait3A_52 = arith.constant 0 : i32
    %dma_wait3A_53 = arith.constant 0 : i32
    %dma_wait3A_54 = tpu.memref_slice %arg16[%dma_wait3A_52, %dma_wait3A_53] : memref<10240x32xf32, #tpu.memory_space<vmem_shared>> -> memref<10240x32xf32, #tpu.memory_space<vmem_shared>>
    tpu.wait_indirect_dma semaphore(%arg19 : memref<!tpu.dma_semaphore, #tpu.memory_space<semaphore_mem>>) src(%arg11 : memref<125x32xf32, #tpu.memory_space<vmem>>) dst(%dma_wait3A_54 : memref<10240x32xf32, #tpu.memory_space<vmem_shared>>)
    %dma_wait3A_55 = arith.constant 79 : i32
    %dma_wait3A_56 = arith.constant 0 : i32
    %dma_wait3A_57 = tpu.memref_slice %arg8[%dma_wait3A_55, %dma_wait3A_56] : memref<80x125xi32, #tpu.memory_space<vmem>> -> memref<1x125xi32, #tpu.memory_space<vmem>>
    %dma_wait3A_58 = tpu.memref_squeeze %dma_wait3A_57 : memref<1x125xi32, #tpu.memory_space<vmem>> -> memref<125xi32, #tpu.memory_space<vmem>>
    %dma_wait3A_59 = arith.constant 0 : i32
    %dma_wait3A_60 = arith.constant 0 : i32
    %dma_wait3A_61 = tpu.memref_slice %arg16[%dma_wait3A_59, %dma_wait3A_60] : memref<10240x32xf32, #tpu.memory_space<vmem_shared>> -> memref<10240x32xf32, #tpu.memory_space<vmem_shared>>
    tpu.wait_indirect_dma semaphore(%arg20 : memref<!tpu.dma_semaphore, #tpu.memory_space<semaphore_mem>>) src(%arg14 : memref<125x32xf32, #tpu.memory_space<vmem>>) dst(%dma_wait3A_61 : memref<10240x32xf32, #tpu.memory_space<vmem_shared>>)
    %dma_wait3A_62 = arith.constant 79 : i32
    %dma_wait3A_63 = arith.constant 0 : i32
    %dma_wait3A_64 = tpu.memref_slice %arg7[%dma_wait3A_62, %dma_wait3A_63] : memref<80x125xi32, #tpu.memory_space<vmem>> -> memref<1x125xi32, #tpu.memory_space<vmem>>
    %dma_wait3A_65 = tpu.memref_squeeze %dma_wait3A_64 : memref<1x125xi32, #tpu.memory_space<vmem>> -> memref<125xi32, #tpu.memory_space<vmem>>
    %dma_wait3A_66 = arith.constant 0 : i32
    %dma_wait3A_67 = arith.constant 0 : i32
    %dma_wait3A_68 = tpu.memref_slice %arg2[%dma_wait3A_66, %dma_wait3A_67] : memref<10000x32xf32, #tpu.memory_space<hbm>> -> memref<10000x32xf32, #tpu.memory_space<hbm>>
    tpu.wait_indirect_dma semaphore(%arg17 : memref<!tpu.dma_semaphore, #tpu.memory_space<semaphore_mem>>) src(%dma_wait3A_68 : memref<10000x32xf32, #tpu.memory_space<hbm>>) dst(%arg9 : memref<125x32xf32, #tpu.memory_space<vmem>>)
    %dma_wait3A_69 = arith.constant 79 : i32
    %dma_wait3A_70 = arith.constant 0 : i32
    %dma_wait3A_71 = tpu.memref_slice %arg8[%dma_wait3A_69, %dma_wait3A_70] : memref<80x125xi32, #tpu.memory_space<vmem>> -> memref<1x125xi32, #tpu.memory_space<vmem>>
    %dma_wait3A_72 = tpu.memref_squeeze %dma_wait3A_71 : memref<1x125xi32, #tpu.memory_space<vmem>> -> memref<125xi32, #tpu.memory_space<vmem>>
    %dma_wait3A_73 = arith.constant 0 : i32
    %dma_wait3A_74 = arith.constant 0 : i32
    %dma_wait3A_75 = tpu.memref_slice %arg3[%dma_wait3A_73, %dma_wait3A_74] : memref<10000x16xf32, #tpu.memory_space<hbm>> -> memref<10000x16xf32, #tpu.memory_space<hbm>>
    tpu.wait_indirect_dma semaphore(%arg17 : memref<!tpu.dma_semaphore, #tpu.memory_space<semaphore_mem>>) src(%dma_wait3A_75 : memref<10000x16xf32, #tpu.memory_space<hbm>>) dst(%arg10 : memref<125x16xf32, #tpu.memory_space<vmem>>)
    %barrier3A_76 = arith.constant 0 : index
    tpu.barrier barrier_id(%barrier3A_76)
    %mul3A_77 = arith.constant 640 : i32
    %mul3A_78 = arith.muli %arg1, %mul3A_77 : i32
    %mul3A_79 = arith.constant 640 : i32
    %mul3A_80 = arith.muli %arg1, %mul3A_79 : i32
    "tpu.region"() ({
      %run_scoped3A = tpu.sem_alloc : memref<!tpu.dma_semaphore, #tpu.memory_space<semaphore_mem>>
      %dma_start3A_81 = arith.constant 0 : i32
      %dma_start3A_82 = tpu.memref_slice %arg6[%arg0, %mul3A_80, %dma_start3A_81] : memref<2x10240x32xf32, #tpu.memory_space<hbm>> -> memref<1x640x32xf32, #tpu.memory_space<hbm>>
      %dma_start3A_83 = tpu.memref_squeeze %dma_start3A_82 : memref<1x640x32xf32, #tpu.memory_space<hbm>> -> memref<640x32xf32, #tpu.memory_space<hbm>>
      %dma_start3A_84 = arith.constant 0 : i32
      %dma_start3A_85 = tpu.memref_slice %arg16[%mul3A_78, %dma_start3A_84] : memref<10240x32xf32, #tpu.memory_space<vmem_shared>> -> memref<640x32xf32, #tpu.memory_space<vmem_shared>>
      tpu.enqueue_dma source(%dma_start3A_85 : memref<640x32xf32, #tpu.memory_space<vmem_shared>>) target(%dma_start3A_83 : memref<640x32xf32, #tpu.memory_space<hbm>>) target_semaphore(%run_scoped3A : memref<!tpu.dma_semaphore, #tpu.memory_space<semaphore_mem>>)
      %dma_wait3A_86 = arith.constant 0 : i32
      %dma_wait3A_87 = tpu.memref_slice %arg6[%arg0, %mul3A_80, %dma_wait3A_86] : memref<2x10240x32xf32, #tpu.memory_space<hbm>> -> memref<1x640x32xf32, #tpu.memory_space<hbm>>
      %dma_wait3A_88 = tpu.memref_squeeze %dma_wait3A_87 : memref<1x640x32xf32, #tpu.memory_space<hbm>> -> memref<640x32xf32, #tpu.memory_space<hbm>>
      %dma_wait3A_89 = arith.constant 0 : i32
      %dma_wait3A_90 = tpu.memref_slice %arg16[%mul3A_78, %dma_wait3A_89] : memref<10240x32xf32, #tpu.memory_space<vmem_shared>> -> memref<640x32xf32, #tpu.memory_space<vmem_shared>>
      tpu.wait_dma2 semaphore(%run_scoped3A : memref<!tpu.dma_semaphore, #tpu.memory_space<semaphore_mem>>) src(%dma_wait3A_90 : memref<640x32xf32, #tpu.memory_space<vmem_shared>>) dst(%dma_wait3A_88 : memref<640x32xf32, #tpu.memory_space<hbm>>)
      tpu.yield
    }) : () -> ()
    return
  }
}

#map = affine_map<(d0, d1) -> (0, 0)>
#map1 = affine_map<(d0, d1) -> (0, 0, 0)>
module attributes {stable_mosaic.version = 14 : i64} {
  func.func @body(%arg0: i32, %arg1: i32, %arg2: memref<10000x80xf32, #tpu.memory_space<hbm>>, %arg3: memref<10000x16xf32, #tpu.memory_space<hbm>>, %arg4: memref<32x80x125xi32, #tpu.memory_space<hbm>>, %arg5: memref<32x80x125xi32, #tpu.memory_space<hbm>>, %arg6: memref<2x10240x80xf32, #tpu.memory_space<hbm>>, %arg7: memref<80x125xi32, #tpu.memory_space<vmem>>, %arg8: memref<80x125xi32, #tpu.memory_space<vmem>>, %arg9: memref<125x80xf32, #tpu.memory_space<vmem>>, %arg10: memref<125x16xf32, #tpu.memory_space<vmem>>, %arg11: memref<125x80xf32, #tpu.memory_space<vmem>>, %arg12: memref<125x80xf32, #tpu.memory_space<vmem>>, %arg13: memref<125x16xf32, #tpu.memory_space<vmem>>, %arg14: memref<125x80xf32, #tpu.memory_space<vmem>>, %arg15: memref<128x80xf32, #tpu.memory_space<vmem>>, %arg16: memref<10240x80xf32, #tpu.memory_space<vmem_shared>>, %arg17: memref<!tpu.dma_semaphore, #tpu.memory_space<semaphore_mem>>, %arg18: memref<!tpu.dma_semaphore, #tpu.memory_space<semaphore_mem>>, %arg19: memref<!tpu.dma_semaphore, #tpu.memory_space<semaphore_mem>>, %arg20: memref<!tpu.dma_semaphore, #tpu.memory_space<semaphore_mem>>) attributes {dimension_semantics = [#tpu.dimension_semantics<core_parallel>, #tpu.dimension_semantics<subcore_parallel>], iteration_bounds = array<i64: 2, 16>, scalar_prefetch = 0 : i64, scratch_operands = 14 : i64, tpu.core_type = #tpu.core_type<sc_vector_subcore>, window_params = [{transform_indices = #map}, {transform_indices = #map}, {transform_indices = #map1}, {transform_indices = #map1}, {transform_indices = #map1}]} {
    %mul3A = arith.constant 2 : i32
    %mul3A_0 = arith.muli %arg1, %mul3A : i32
    %add3A = arith.addi %mul3A_0, %arg0 : i32
    %scan3A = arith.constant 0 : i32
    %scan3A_1 = arith.constant 0 : i32
    %scan3A_2 = arith.constant 128 : i32
    %scan3A_3 = arith.addi %scan3A_1, %scan3A_2 : i32
    %scan3A_4 = arith.constant 1 : i32
    %scan3A_5 = scf.for %scan3A_81 = %scan3A_1 to %scan3A_3 step %scan3A_4 iter_args(%scan3A_82 = %scan3A) -> (i32)  : i32 {
      %broadcast_in_dim3A = arith.constant 0.000000e+00 : f32
      %broadcast_in_dim3A_83 = vector.broadcast %broadcast_in_dim3A : f32 to vector<16xf32>
      %swap3A = arith.index_cast %scan3A_81 : i32 to index
      %swap3A_84 = arith.constant 0 : index
      %swap3A_85 = tpu.vector_load %arg15[%swap3A, %swap3A_84] {strides = array<i32>} : memref<128x80xf32, #tpu.memory_space<vmem>>, vector<1x16xf32>,
      %swap3A_86 = vector.shape_cast %swap3A_85 : vector<1x16xf32> to vector<16xf32>
      %swap3A_87 = vector.shape_cast %broadcast_in_dim3A_83 : vector<16xf32> to vector<1x16xf32>
      tpu.vector_store %arg15[%swap3A, %swap3A_84], %swap3A_87 {strides = array<i32>} : memref<128x80xf32, #tpu.memory_space<vmem>>, vector<1x16xf32>,
      %swap3A_88 = arith.index_cast %scan3A_81 : i32 to index
      %swap3A_89 = arith.constant 16 : index
      %swap3A_90 = tpu.vector_load %arg15[%swap3A_88, %swap3A_89] {strides = array<i32>} : memref<128x80xf32, #tpu.memory_space<vmem>>, vector<1x16xf32>,
      %swap3A_91 = vector.shape_cast %swap3A_90 : vector<1x16xf32> to vector<16xf32>
      %swap3A_92 = vector.shape_cast %broadcast_in_dim3A_83 : vector<16xf32> to vector<1x16xf32>
      tpu.vector_store %arg15[%swap3A_88, %swap3A_89], %swap3A_92 {strides = array<i32>} : memref<128x80xf32, #tpu.memory_space<vmem>>, vector<1x16xf32>,
      %swap3A_93 = arith.index_cast %scan3A_81 : i32 to index
      %swap3A_94 = arith.constant 32 : index
      %swap3A_95 = tpu.vector_load %arg15[%swap3A_93, %swap3A_94] {strides = array<i32>} : memref<128x80xf32, #tpu.memory_space<vmem>>, vector<1x16xf32>,
      %swap3A_96 = vector.shape_cast %swap3A_95 : vector<1x16xf32> to vector<16xf32>
      %swap3A_97 = vector.shape_cast %broadcast_in_dim3A_83 : vector<16xf32> to vector<1x16xf32>
      tpu.vector_store %arg15[%swap3A_93, %swap3A_94], %swap3A_97 {strides = array<i32>} : memref<128x80xf32, #tpu.memory_space<vmem>>, vector<1x16xf32>,
      %swap3A_98 = arith.index_cast %scan3A_81 : i32 to index
      %swap3A_99 = arith.constant 48 : index
      %swap3A_100 = tpu.vector_load %arg15[%swap3A_98, %swap3A_99] {strides = array<i32>} : memref<128x80xf32, #tpu.memory_space<vmem>>, vector<1x16xf32>,
      %swap3A_101 = vector.shape_cast %swap3A_100 : vector<1x16xf32> to vector<16xf32>
      %swap3A_102 = vector.shape_cast %broadcast_in_dim3A_83 : vector<16xf32> to vector<1x16xf32>
      tpu.vector_store %arg15[%swap3A_98, %swap3A_99], %swap3A_102 {strides = array<i32>} : memref<128x80xf32, #tpu.memory_space<vmem>>, vector<1x16xf32>,
      %swap3A_103 = arith.index_cast %scan3A_81 : i32 to index
      %swap3A_104 = arith.constant 64 : index
      %swap3A_105 = tpu.vector_load %arg15[%swap3A_103, %swap3A_104] {strides = array<i32>} : memref<128x80xf32, #tpu.memory_space<vmem>>, vector<1x16xf32>,
      %swap3A_106 = vector.shape_cast %swap3A_105 : vector<1x16xf32> to vector<16xf32>
      %swap3A_107 = vector.shape_cast %broadcast_in_dim3A_83 : vector<16xf32> to vector<1x16xf32>
      tpu.vector_store %arg15[%swap3A_103, %swap3A_104], %swap3A_107 {strides = array<i32>} : memref<128x80xf32, #tpu.memory_space<vmem>>, vector<1x16xf32>,
      %scan3A_108 = arith.constant 0 : i32
      scf.yield %scan3A_108 : i32
    }
    %scan3A_6 = arith.constant 128 : i32
    %mul3A_7 = arith.constant 640 : i32
    %mul3A_8 = arith.muli %arg1, %mul3A_7 : i32
    %add3A_9 = arith.constant 0 : i32
    %add3A_10 = arith.addi %mul3A_8, %add3A_9 : i32
    "tpu.region"() ({
      %run_scoped3A = tpu.sem_alloc : memref<!tpu.dma_semaphore, #tpu.memory_space<semaphore_mem>>
      %dma_start3A_81 = arith.constant 0 : i32
      %dma_start3A_82 = tpu.memref_slice %arg16[%add3A_10, %dma_start3A_81] : memref<10240x80xf32, #tpu.memory_space<vmem_shared>> -> memref<128x80xf32, #tpu.memory_space<vmem_shared>>
      %dma_start3A_83 = arith.constant 0 : i32
      %dma_start3A_84 = tpu.memref_slice %arg16[%add3A_10, %dma_start3A_83] : memref<10240x80xf32, #tpu.memory_space<vmem_shared>> -> memref<128x80xf32, #tpu.memory_space<vmem_shared>>
      tpu.enqueue_dma source(%arg15 : memref<128x80xf32, #tpu.memory_space<vmem>>) target(%dma_start3A_84 : memref<128x80xf32, #tpu.memory_space<vmem_shared>>) target_semaphore(%run_scoped3A : memref<!tpu.dma_semaphore, #tpu.memory_space<semaphore_mem>>)
      %dma_wait3A_85 = arith.constant 0 : i32
      %dma_wait3A_86 = tpu.memref_slice %arg16[%add3A_10, %dma_wait3A_85] : memref<10240x80xf32, #tpu.memory_space<vmem_shared>> -> memref<128x80xf32, #tpu.memory_space<vmem_shared>>
      %dma_wait3A_87 = arith.constant 0 : i32
      %dma_wait3A_88 = tpu.memref_slice %arg16[%add3A_10, %dma_wait3A_87] : memref<10240x80xf32, #tpu.memory_space<vmem_shared>> -> memref<128x80xf32, #tpu.memory_space<vmem_shared>>
      tpu.wait_dma2 semaphore(%run_scoped3A : memref<!tpu.dma_semaphore, #tpu.memory_space<semaphore_mem>>) src(%arg15 : memref<128x80xf32, #tpu.memory_space<vmem>>) dst(%dma_wait3A_88 : memref<128x80xf32, #tpu.memory_space<vmem_shared>>)
      tpu.yield
    }) : () -> ()
    %mul3A_11 = arith.constant 640 : i32
    %mul3A_12 = arith.muli %arg1, %mul3A_11 : i32
    %add3A_13 = arith.constant 128 : i32
    %add3A_14 = arith.addi %mul3A_12, %add3A_13 : i32
    "tpu.region"() ({
      %run_scoped3A = tpu.sem_alloc : memref<!tpu.dma_semaphore, #tpu.memory_space<semaphore_mem>>
      %dma_start3A_81 = arith.constant 0 : i32
      %dma_start3A_82 = tpu.memref_slice %arg16[%add3A_14, %dma_start3A_81] : memref<10240x80xf32, #tpu.memory_space<vmem_shared>> -> memref<128x80xf32, #tpu.memory_space<vmem_shared>>
      %dma_start3A_83 = arith.constant 0 : i32
      %dma_start3A_84 = tpu.memref_slice %arg16[%add3A_14, %dma_start3A_83] : memref<10240x80xf32, #tpu.memory_space<vmem_shared>> -> memref<128x80xf32, #tpu.memory_space<vmem_shared>>
      tpu.enqueue_dma source(%arg15 : memref<128x80xf32, #tpu.memory_space<vmem>>) target(%dma_start3A_84 : memref<128x80xf32, #tpu.memory_space<vmem_shared>>) target_semaphore(%run_scoped3A : memref<!tpu.dma_semaphore, #tpu.memory_space<semaphore_mem>>)
      %dma_wait3A_85 = arith.constant 0 : i32
      %dma_wait3A_86 = tpu.memref_slice %arg16[%add3A_14, %dma_wait3A_85] : memref<10240x80xf32, #tpu.memory_space<vmem_shared>> -> memref<128x80xf32, #tpu.memory_space<vmem_shared>>
      %dma_wait3A_87 = arith.constant 0 : i32
      %dma_wait3A_88 = tpu.memref_slice %arg16[%add3A_14, %dma_wait3A_87] : memref<10240x80xf32, #tpu.memory_space<vmem_shared>> -> memref<128x80xf32, #tpu.memory_space<vmem_shared>>
      tpu.wait_dma2 semaphore(%run_scoped3A : memref<!tpu.dma_semaphore, #tpu.memory_space<semaphore_mem>>) src(%arg15 : memref<128x80xf32, #tpu.memory_space<vmem>>) dst(%dma_wait3A_88 : memref<128x80xf32, #tpu.memory_space<vmem_shared>>)
      tpu.yield
    }) : () -> ()
    %mul3A_15 = arith.constant 640 : i32
    %mul3A_16 = arith.muli %arg1, %mul3A_15 : i32
    %add3A_17 = arith.constant 256 : i32
    %add3A_18 = arith.addi %mul3A_16, %add3A_17 : i32
    "tpu.region"() ({
      %run_scoped3A = tpu.sem_alloc : memref<!tpu.dma_semaphore, #tpu.memory_space<semaphore_mem>>
      %dma_start3A_81 = arith.constant 0 : i32
      %dma_start3A_82 = tpu.memref_slice %arg16[%add3A_18, %dma_start3A_81] : memref<10240x80xf32, #tpu.memory_space<vmem_shared>> -> memref<128x80xf32, #tpu.memory_space<vmem_shared>>
      %dma_start3A_83 = arith.constant 0 : i32
      %dma_start3A_84 = tpu.memref_slice %arg16[%add3A_18, %dma_start3A_83] : memref<10240x80xf32, #tpu.memory_space<vmem_shared>> -> memref<128x80xf32, #tpu.memory_space<vmem_shared>>
      tpu.enqueue_dma source(%arg15 : memref<128x80xf32, #tpu.memory_space<vmem>>) target(%dma_start3A_84 : memref<128x80xf32, #tpu.memory_space<vmem_shared>>) target_semaphore(%run_scoped3A : memref<!tpu.dma_semaphore, #tpu.memory_space<semaphore_mem>>)
      %dma_wait3A_85 = arith.constant 0 : i32
      %dma_wait3A_86 = tpu.memref_slice %arg16[%add3A_18, %dma_wait3A_85] : memref<10240x80xf32, #tpu.memory_space<vmem_shared>> -> memref<128x80xf32, #tpu.memory_space<vmem_shared>>
      %dma_wait3A_87 = arith.constant 0 : i32
      %dma_wait3A_88 = tpu.memref_slice %arg16[%add3A_18, %dma_wait3A_87] : memref<10240x80xf32, #tpu.memory_space<vmem_shared>> -> memref<128x80xf32, #tpu.memory_space<vmem_shared>>
      tpu.wait_dma2 semaphore(%run_scoped3A : memref<!tpu.dma_semaphore, #tpu.memory_space<semaphore_mem>>) src(%arg15 : memref<128x80xf32, #tpu.memory_space<vmem>>) dst(%dma_wait3A_88 : memref<128x80xf32, #tpu.memory_space<vmem_shared>>)
      tpu.yield
    }) : () -> ()
    %mul3A_19 = arith.constant 640 : i32
    %mul3A_20 = arith.muli %arg1, %mul3A_19 : i32
    %add3A_21 = arith.constant 384 : i32
    %add3A_22 = arith.addi %mul3A_20, %add3A_21 : i32
    "tpu.region"() ({
      %run_scoped3A = tpu.sem_alloc : memref<!tpu.dma_semaphore, #tpu.memory_space<semaphore_mem>>
      %dma_start3A_81 = arith.constant 0 : i32
      %dma_start3A_82 = tpu.memref_slice %arg16[%add3A_22, %dma_start3A_81] : memref<10240x80xf32, #tpu.memory_space<vmem_shared>> -> memref<128x80xf32, #tpu.memory_space<vmem_shared>>
      %dma_start3A_83 = arith.constant 0 : i32
      %dma_start3A_84 = tpu.memref_slice %arg16[%add3A_22, %dma_start3A_83] : memref<10240x80xf32, #tpu.memory_space<vmem_shared>> -> memref<128x80xf32, #tpu.memory_space<vmem_shared>>
      tpu.enqueue_dma source(%arg15 : memref<128x80xf32, #tpu.memory_space<vmem>>) target(%dma_start3A_84 : memref<128x80xf32, #tpu.memory_space<vmem_shared>>) target_semaphore(%run_scoped3A : memref<!tpu.dma_semaphore, #tpu.memory_space<semaphore_mem>>)
      %dma_wait3A_85 = arith.constant 0 : i32
      %dma_wait3A_86 = tpu.memref_slice %arg16[%add3A_22, %dma_wait3A_85] : memref<10240x80xf32, #tpu.memory_space<vmem_shared>> -> memref<128x80xf32, #tpu.memory_space<vmem_shared>>
      %dma_wait3A_87 = arith.constant 0 : i32
      %dma_wait3A_88 = tpu.memref_slice %arg16[%add3A_22, %dma_wait3A_87] : memref<10240x80xf32, #tpu.memory_space<vmem_shared>> -> memref<128x80xf32, #tpu.memory_space<vmem_shared>>
      tpu.wait_dma2 semaphore(%run_scoped3A : memref<!tpu.dma_semaphore, #tpu.memory_space<semaphore_mem>>) src(%arg15 : memref<128x80xf32, #tpu.memory_space<vmem>>) dst(%dma_wait3A_88 : memref<128x80xf32, #tpu.memory_space<vmem_shared>>)
      tpu.yield
    }) : () -> ()
    %mul3A_23 = arith.constant 640 : i32
    %mul3A_24 = arith.muli %arg1, %mul3A_23 : i32
    %add3A_25 = arith.constant 512 : i32
    %add3A_26 = arith.addi %mul3A_24, %add3A_25 : i32
    "tpu.region"() ({
      %run_scoped3A = tpu.sem_alloc : memref<!tpu.dma_semaphore, #tpu.memory_space<semaphore_mem>>
      %dma_start3A_81 = arith.constant 0 : i32
      %dma_start3A_82 = tpu.memref_slice %arg16[%add3A_26, %dma_start3A_81] : memref<10240x80xf32, #tpu.memory_space<vmem_shared>> -> memref<128x80xf32, #tpu.memory_space<vmem_shared>>
      %dma_start3A_83 = arith.constant 0 : i32
      %dma_start3A_84 = tpu.memref_slice %arg16[%add3A_26, %dma_start3A_83] : memref<10240x80xf32, #tpu.memory_space<vmem_shared>> -> memref<128x80xf32, #tpu.memory_space<vmem_shared>>
      tpu.enqueue_dma source(%arg15 : memref<128x80xf32, #tpu.memory_space<vmem>>) target(%dma_start3A_84 : memref<128x80xf32, #tpu.memory_space<vmem_shared>>) target_semaphore(%run_scoped3A : memref<!tpu.dma_semaphore, #tpu.memory_space<semaphore_mem>>)
      %dma_wait3A_85 = arith.constant 0 : i32
      %dma_wait3A_86 = tpu.memref_slice %arg16[%add3A_26, %dma_wait3A_85] : memref<10240x80xf32, #tpu.memory_space<vmem_shared>> -> memref<128x80xf32, #tpu.memory_space<vmem_shared>>
      %dma_wait3A_87 = arith.constant 0 : i32
      %dma_wait3A_88 = tpu.memref_slice %arg16[%add3A_26, %dma_wait3A_87] : memref<10240x80xf32, #tpu.memory_space<vmem_shared>> -> memref<128x80xf32, #tpu.memory_space<vmem_shared>>
      tpu.wait_dma2 semaphore(%run_scoped3A : memref<!tpu.dma_semaphore, #tpu.memory_space<semaphore_mem>>) src(%arg15 : memref<128x80xf32, #tpu.memory_space<vmem>>) dst(%dma_wait3A_88 : memref<128x80xf32, #tpu.memory_space<vmem_shared>>)
      tpu.yield
    }) : () -> ()
    %barrier3A = arith.constant 0 : index
    tpu.barrier barrier_id(%barrier3A)
    "tpu.region"() ({
      %run_scoped3A = tpu.sem_alloc : memref<!tpu.dma_semaphore, #tpu.memory_space<semaphore_mem>>
      %dma_start3A_81 = arith.constant 0 : i32
      %dma_start3A_82 = arith.constant 0 : i32
      %dma_start3A_83 = tpu.memref_slice %arg4[%add3A, %dma_start3A_81, %dma_start3A_82] : memref<32x80x125xi32, #tpu.memory_space<hbm>> -> memref<1x80x125xi32, #tpu.memory_space<hbm>>
      %dma_start3A_84 = tpu.memref_squeeze %dma_start3A_83 : memref<1x80x125xi32, #tpu.memory_space<hbm>> -> memref<80x125xi32, #tpu.memory_space<hbm>>
      %dma_start3A_85 = arith.constant 0 : i32
      %dma_start3A_86 = arith.constant 0 : i32
      %dma_start3A_87 = tpu.memref_slice %arg4[%add3A, %dma_start3A_85, %dma_start3A_86] : memref<32x80x125xi32, #tpu.memory_space<hbm>> -> memref<1x80x125xi32, #tpu.memory_space<hbm>>
      %dma_start3A_88 = tpu.memref_squeeze %dma_start3A_87 : memref<1x80x125xi32, #tpu.memory_space<hbm>> -> memref<80x125xi32, #tpu.memory_space<hbm>>
      tpu.enqueue_dma source(%dma_start3A_88 : memref<80x125xi32, #tpu.memory_space<hbm>>) target(%arg7 : memref<80x125xi32, #tpu.memory_space<vmem>>) target_semaphore(%run_scoped3A : memref<!tpu.dma_semaphore, #tpu.memory_space<semaphore_mem>>)
      %dma_wait3A_89 = arith.constant 0 : i32
      %dma_wait3A_90 = arith.constant 0 : i32
      %dma_wait3A_91 = tpu.memref_slice %arg4[%add3A, %dma_wait3A_89, %dma_wait3A_90] : memref<32x80x125xi32, #tpu.memory_space<hbm>> -> memref<1x80x125xi32, #tpu.memory_space<hbm>>
      %dma_wait3A_92 = tpu.memref_squeeze %dma_wait3A_91 : memref<1x80x125xi32, #tpu.memory_space<hbm>> -> memref<80x125xi32, #tpu.memory_space<hbm>>
      %dma_wait3A_93 = arith.constant 0 : i32
      %dma_wait3A_94 = arith.constant 0 : i32
      %dma_wait3A_95 = tpu.memref_slice %arg4[%add3A, %dma_wait3A_93, %dma_wait3A_94] : memref<32x80x125xi32, #tpu.memory_space<hbm>> -> memref<1x80x125xi32, #tpu.memory_space<hbm>>
      %dma_wait3A_96 = tpu.memref_squeeze %dma_wait3A_95 : memref<1x80x125xi32, #tpu.memory_space<hbm>> -> memref<80x125xi32, #tpu.memory_space<hbm>>
      tpu.wait_dma2 semaphore(%run_scoped3A : memref<!tpu.dma_semaphore, #tpu.memory_space<semaphore_mem>>) src(%dma_wait3A_96 : memref<80x125xi32, #tpu.memory_space<hbm>>) dst(%arg7 : memref<80x125xi32, #tpu.memory_space<vmem>>)
      tpu.yield
    }) : () -> ()
    "tpu.region"() ({
      %run_scoped3A = tpu.sem_alloc : memref<!tpu.dma_semaphore, #tpu.memory_space<semaphore_mem>>
      %dma_start3A_81 = arith.constant 0 : i32
      %dma_start3A_82 = arith.constant 0 : i32
      %dma_start3A_83 = tpu.memref_slice %arg5[%add3A, %dma_start3A_81, %dma_start3A_82] : memref<32x80x125xi32, #tpu.memory_space<hbm>> -> memref<1x80x125xi32, #tpu.memory_space<hbm>>
      %dma_start3A_84 = tpu.memref_squeeze %dma_start3A_83 : memref<1x80x125xi32, #tpu.memory_space<hbm>> -> memref<80x125xi32, #tpu.memory_space<hbm>>
      %dma_start3A_85 = arith.constant 0 : i32
      %dma_start3A_86 = arith.constant 0 : i32
      %dma_start3A_87 = tpu.memref_slice %arg5[%add3A, %dma_start3A_85, %dma_start3A_86] : memref<32x80x125xi32, #tpu.memory_space<hbm>> -> memref<1x80x125xi32, #tpu.memory_space<hbm>>
      %dma_start3A_88 = tpu.memref_squeeze %dma_start3A_87 : memref<1x80x125xi32, #tpu.memory_space<hbm>> -> memref<80x125xi32, #tpu.memory_space<hbm>>
      tpu.enqueue_dma source(%dma_start3A_88 : memref<80x125xi32, #tpu.memory_space<hbm>>) target(%arg8 : memref<80x125xi32, #tpu.memory_space<vmem>>) target_semaphore(%run_scoped3A : memref<!tpu.dma_semaphore, #tpu.memory_space<semaphore_mem>>)
      %dma_wait3A_89 = arith.constant 0 : i32
      %dma_wait3A_90 = arith.constant 0 : i32
      %dma_wait3A_91 = tpu.memref_slice %arg5[%add3A, %dma_wait3A_89, %dma_wait3A_90] : memref<32x80x125xi32, #tpu.memory_space<hbm>> -> memref<1x80x125xi32, #tpu.memory_space<hbm>>
      %dma_wait3A_92 = tpu.memref_squeeze %dma_wait3A_91 : memref<1x80x125xi32, #tpu.memory_space<hbm>> -> memref<80x125xi32, #tpu.memory_space<hbm>>
      %dma_wait3A_93 = arith.constant 0 : i32
      %dma_wait3A_94 = arith.constant 0 : i32
      %dma_wait3A_95 = tpu.memref_slice %arg5[%add3A, %dma_wait3A_93, %dma_wait3A_94] : memref<32x80x125xi32, #tpu.memory_space<hbm>> -> memref<1x80x125xi32, #tpu.memory_space<hbm>>
      %dma_wait3A_96 = tpu.memref_squeeze %dma_wait3A_95 : memref<1x80x125xi32, #tpu.memory_space<hbm>> -> memref<80x125xi32, #tpu.memory_space<hbm>>
      tpu.wait_dma2 semaphore(%run_scoped3A : memref<!tpu.dma_semaphore, #tpu.memory_space<semaphore_mem>>) src(%dma_wait3A_96 : memref<80x125xi32, #tpu.memory_space<hbm>>) dst(%arg8 : memref<80x125xi32, #tpu.memory_space<vmem>>)
      tpu.yield
    }) : () -> ()
    %iota3A = tpu.iota {dimensions = array<i32: 0>} : vector<16xi32>
    %shift_right_arithmetic3A = arith.constant 3 : i32
    %shift_right_arithmetic3A_27 = vector.broadcast %shift_right_arithmetic3A : i32 to vector<16xi32>
    %shift_right_arithmetic3A_28 = arith.shrsi %iota3A, %shift_right_arithmetic3A_27 : vector<16xi32>
    %dma_start3A = arith.constant 0 : i32
    %dma_start3A_29 = arith.constant 0 : i32
    %dma_start3A_30 = tpu.memref_slice %arg7[%dma_start3A, %dma_start3A_29] : memref<80x125xi32, #tpu.memory_space<vmem>> -> memref<1x125xi32, #tpu.memory_space<vmem>>
    %dma_start3A_31 = tpu.memref_squeeze %dma_start3A_30 : memref<1x125xi32, #tpu.memory_space<vmem>> -> memref<125xi32, #tpu.memory_space<vmem>>
    %dma_start3A_32 = arith.constant 0 : i32
    %dma_start3A_33 = arith.constant 0 : i32
    %dma_start3A_34 = tpu.memref_slice %arg2[%dma_start3A_32, %dma_start3A_33] : memref<10000x80xf32, #tpu.memory_space<hbm>> -> memref<10000x80xf32, #tpu.memory_space<hbm>>
    tpu.enqueue_indirect_dma source(%dma_start3A_34 : memref<10000x80xf32, #tpu.memory_space<hbm>>) target(%arg9 : memref<125x80xf32, #tpu.memory_space<vmem>>) offsets(%dma_start3A_31 : memref<125xi32, #tpu.memory_space<vmem>>) semaphore(%arg17 : memref<!tpu.dma_semaphore, #tpu.memory_space<semaphore_mem>>)
    %dma_start3A_35 = arith.constant 0 : i32
    %dma_start3A_36 = arith.constant 0 : i32
    %dma_start3A_37 = tpu.memref_slice %arg8[%dma_start3A_35, %dma_start3A_36] : memref<80x125xi32, #tpu.memory_space<vmem>> -> memref<1x125xi32, #tpu.memory_space<vmem>>
    %dma_start3A_38 = tpu.memref_squeeze %dma_start3A_37 : memref<1x125xi32, #tpu.memory_space<vmem>> -> memref<125xi32, #tpu.memory_space<vmem>>
    %dma_start3A_39 = arith.constant 0 : i32
    %dma_start3A_40 = arith.constant 0 : i32
    %dma_start3A_41 = tpu.memref_slice %arg3[%dma_start3A_39, %dma_start3A_40] : memref<10000x16xf32, #tpu.memory_space<hbm>> -> memref<10000x16xf32, #tpu.memory_space<hbm>>
    tpu.enqueue_indirect_dma source(%dma_start3A_41 : memref<10000x16xf32, #tpu.memory_space<hbm>>) target(%arg10 : memref<125x16xf32, #tpu.memory_space<vmem>>) offsets(%dma_start3A_38 : memref<125xi32, #tpu.memory_space<vmem>>) semaphore(%arg17 : memref<!tpu.dma_semaphore, #tpu.memory_space<semaphore_mem>>)
    %scan3A_42 = arith.constant 0 : i32
    %scan3A_43 = arith.constant 0 : i32
    %scan3A_44 = arith.constant 40 : i32
    %scan3A_45 = arith.addi %scan3A_43, %scan3A_44 : i32
    %scan3A_46 = arith.constant 1 : i32
    %scan3A_47 = scf.for %scan3A_81 = %scan3A_43 to %scan3A_45 step %scan3A_46 iter_args(%scan3A_82 = %scan3A_42) -> (i32)  : i32 {
      %mul3A_83 = arith.constant 2 : i32
      %mul3A_84 = arith.muli %mul3A_83, %scan3A_81 : i32
      %add3A_85 = arith.constant 0 : i32
      %add3A_86 = arith.addi %mul3A_84, %add3A_85 : i32
      %dma_wait3A_87 = arith.constant 0 : i32
      %dma_wait3A_88 = tpu.memref_slice %arg7[%add3A_86, %dma_wait3A_87] : memref<80x125xi32, #tpu.memory_space<vmem>> -> memref<1x125xi32, #tpu.memory_space<vmem>>
      %dma_wait3A_89 = tpu.memref_squeeze %dma_wait3A_88 : memref<1x125xi32, #tpu.memory_space<vmem>> -> memref<125xi32, #tpu.memory_space<vmem>>
      %dma_wait3A_90 = arith.constant 0 : i32
      %dma_wait3A_91 = arith.constant 0 : i32
      %dma_wait3A_92 = tpu.memref_slice %arg2[%dma_wait3A_90, %dma_wait3A_91] : memref<10000x80xf32, #tpu.memory_space<hbm>> -> memref<10000x80xf32, #tpu.memory_space<hbm>>
      tpu.wait_indirect_dma semaphore(%arg17 : memref<!tpu.dma_semaphore, #tpu.memory_space<semaphore_mem>>) src(%dma_wait3A_92 : memref<10000x80xf32, #tpu.memory_space<hbm>>) dst(%arg9 : memref<125x80xf32, #tpu.memory_space<vmem>>)
      %dma_wait3A_93 = arith.constant 0 : i32
      %dma_wait3A_94 = tpu.memref_slice %arg8[%add3A_86, %dma_wait3A_93] : memref<80x125xi32, #tpu.memory_space<vmem>> -> memref<1x125xi32, #tpu.memory_space<vmem>>
      %dma_wait3A_95 = tpu.memref_squeeze %dma_wait3A_94 : memref<1x125xi32, #tpu.memory_space<vmem>> -> memref<125xi32, #tpu.memory_space<vmem>>
      %dma_wait3A_96 = arith.constant 0 : i32
      %dma_wait3A_97 = arith.constant 0 : i32
      %dma_wait3A_98 = tpu.memref_slice %arg3[%dma_wait3A_96, %dma_wait3A_97] : memref<10000x16xf32, #tpu.memory_space<hbm>> -> memref<10000x16xf32, #tpu.memory_space<hbm>>
      tpu.wait_indirect_dma semaphore(%arg17 : memref<!tpu.dma_semaphore, #tpu.memory_space<semaphore_mem>>) src(%dma_wait3A_98 : memref<10000x16xf32, #tpu.memory_space<hbm>>) dst(%arg10 : memref<125x16xf32, #tpu.memory_space<vmem>>)
      %add3A_99 = arith.constant 1 : i32
      %add3A_100 = arith.addi %add3A_86, %add3A_99 : i32
      %min3A = arith.constant 79 : i32
      %min3A_101 = arith.minsi %add3A_100, %min3A : i32
      %dma_start3A_102 = arith.constant 0 : i32
      %dma_start3A_103 = tpu.memref_slice %arg7[%min3A_101, %dma_start3A_102] : memref<80x125xi32, #tpu.memory_space<vmem>> -> memref<1x125xi32, #tpu.memory_space<vmem>>
      %dma_start3A_104 = tpu.memref_squeeze %dma_start3A_103 : memref<1x125xi32, #tpu.memory_space<vmem>> -> memref<125xi32, #tpu.memory_space<vmem>>
      %dma_start3A_105 = arith.constant 0 : i32
      %dma_start3A_106 = arith.constant 0 : i32
      %dma_start3A_107 = tpu.memref_slice %arg2[%dma_start3A_105, %dma_start3A_106] : memref<10000x80xf32, #tpu.memory_space<hbm>> -> memref<10000x80xf32, #tpu.memory_space<hbm>>
      tpu.enqueue_indirect_dma source(%dma_start3A_107 : memref<10000x80xf32, #tpu.memory_space<hbm>>) target(%arg12 : memref<125x80xf32, #tpu.memory_space<vmem>>) offsets(%dma_start3A_104 : memref<125xi32, #tpu.memory_space<vmem>>) semaphore(%arg18 : memref<!tpu.dma_semaphore, #tpu.memory_space<semaphore_mem>>)
      %dma_start3A_108 = arith.constant 0 : i32
      %dma_start3A_109 = tpu.memref_slice %arg8[%min3A_101, %dma_start3A_108] : memref<80x125xi32, #tpu.memory_space<vmem>> -> memref<1x125xi32, #tpu.memory_space<vmem>>
      %dma_start3A_110 = tpu.memref_squeeze %dma_start3A_109 : memref<1x125xi32, #tpu.memory_space<vmem>> -> memref<125xi32, #tpu.memory_space<vmem>>
      %dma_start3A_111 = arith.constant 0 : i32
      %dma_start3A_112 = arith.constant 0 : i32
      %dma_start3A_113 = tpu.memref_slice %arg3[%dma_start3A_111, %dma_start3A_112] : memref<10000x16xf32, #tpu.memory_space<hbm>> -> memref<10000x16xf32, #tpu.memory_space<hbm>>
      tpu.enqueue_indirect_dma source(%dma_start3A_113 : memref<10000x16xf32, #tpu.memory_space<hbm>>) target(%arg13 : memref<125x16xf32, #tpu.memory_space<vmem>>) offsets(%dma_start3A_110 : memref<125xi32, #tpu.memory_space<vmem>>) semaphore(%arg18 : memref<!tpu.dma_semaphore, #tpu.memory_space<semaphore_mem>>)
      %ge3A = arith.constant 2 : i32
      %ge3A_114 = arith.cmpi sge, %add3A_86, %ge3A : i32
      %convert_element_type3A = arith.extui %ge3A_114 : i1 to i32
      %cond3A = arith.constant 0 : i32
      %cond3A_115 = arith.cmpi ne, %convert_element_type3A, %cond3A : i32
      scf.if %cond3A_115 {
        %sub3A = arith.constant 2 : i32
        %sub3A_171 = arith.subi %add3A_86, %sub3A : i32
        %dma_wait3A_172 = arith.constant 0 : i32
        %dma_wait3A_173 = tpu.memref_slice %arg8[%sub3A_171, %dma_wait3A_172] : memref<80x125xi32, #tpu.memory_space<vmem>> -> memref<1x125xi32, #tpu.memory_space<vmem>>
        %dma_wait3A_174 = tpu.memref_squeeze %dma_wait3A_173 : memref<1x125xi32, #tpu.memory_space<vmem>> -> memref<125xi32, #tpu.memory_space<vmem>>
        %dma_wait3A_175 = arith.constant 0 : i32
        %dma_wait3A_176 = arith.constant 0 : i32
        %dma_wait3A_177 = tpu.memref_slice %arg16[%dma_wait3A_175, %dma_wait3A_176] : memref<10240x80xf32, #tpu.memory_space<vmem_shared>> -> memref<10240x80xf32, #tpu.memory_space<vmem_shared>>
        tpu.wait_indirect_dma semaphore(%arg19 : memref<!tpu.dma_semaphore, #tpu.memory_space<semaphore_mem>>) src(%arg11 : memref<125x80xf32, #tpu.memory_space<vmem>>) dst(%dma_wait3A_177 : memref<10240x80xf32, #tpu.memory_space<vmem_shared>>)
      } else {
      }
      %parallel_loop3A = arith.constant 0 : i32
      %parallel_loop3A_116 = arith.constant 125 : i32
      %parallel_loop3A_117 = arith.constant 1 : i32
      scf.for %parallel_loop3A_171 = %parallel_loop3A to %parallel_loop3A_116 step %parallel_loop3A_117  : i32 {
        %parallel_loop3A_172 = arith.index_cast %parallel_loop3A_171 : i32 to index
        %parallel_loop3A_173 = arith.constant 64 : index
        %parallel_loop3A_174 = tpu.vector_load %arg9[%parallel_loop3A_172, %parallel_loop3A_173] {strides = array<i32>} : memref<125x80xf32, #tpu.memory_space<vmem>>, vector<1x16xf32>,
        %parallel_loop3A_175 = vector.shape_cast %parallel_loop3A_174 : vector<1x16xf32> to vector<16xf32>
        %parallel_loop3A_176 = arith.index_cast %parallel_loop3A_171 : i32 to index
        %parallel_loop3A_177 = arith.constant 0 : index
        %parallel_loop3A_178 = tpu.vector_load %arg10[%parallel_loop3A_176, %parallel_loop3A_177] {strides = array<i32>} : memref<125x16xf32, #tpu.memory_space<vmem>>, vector<1x16xf32>,
        %parallel_loop3A_179 = vector.shape_cast %parallel_loop3A_178 : vector<1x16xf32> to vector<16xf32>
        %parallel_loop3A_180 = arith.addf %parallel_loop3A_175, %parallel_loop3A_179 : vector<16xf32>
        %parallel_loop3A_181 = arith.constant 2.000000e-01 : f32
        %parallel_loop3A_182 = vector.broadcast %parallel_loop3A_181 : f32 to vector<16xf32>
        %parallel_loop3A_183 = arith.mulf %parallel_loop3A_182, %parallel_loop3A_180 : vector<16xf32>
        %parallel_loop3A_184 = arith.maximumf %parallel_loop3A_180, %parallel_loop3A_183 : vector<16xf32>
        %parallel_loop3A_185 = math.exp %parallel_loop3A_184 : vector<16xf32>
        %parallel_loop3A_186 = arith.constant 0 : i32
        %parallel_loop3A_187 = vector.broadcast %parallel_loop3A_186 : i32 to vector<16xi32>
        %parallel_loop3A_188 = arith.addi %shift_right_arithmetic3A_28, %parallel_loop3A_187 : vector<16xi32>
        %parallel_loop3A_189 = vector.shape_cast %parallel_loop3A_188 : vector<16xi32> to vector<16x1xi32>
        %parallel_loop3A_190 = vector.shape_cast %parallel_loop3A_189 : vector<16x1xi32> to vector<16xi32>
        %parallel_loop3A_191 = tpu.dynamic_gather %parallel_loop3A_185[%parallel_loop3A_190] in [0] : vector<16xf32>, vector<16xi32> -> vector<16xf32>
        %parallel_loop3A_192 = arith.index_cast %parallel_loop3A_171 : i32 to index
        %parallel_loop3A_193 = arith.constant 0 : index
        %parallel_loop3A_194 = tpu.vector_load %arg9[%parallel_loop3A_192, %parallel_loop3A_193] {strides = array<i32>} : memref<125x80xf32, #tpu.memory_space<vmem>>, vector<1x16xf32>,
        %parallel_loop3A_195 = vector.shape_cast %parallel_loop3A_194 : vector<1x16xf32> to vector<16xf32>
        %parallel_loop3A_196 = arith.mulf %parallel_loop3A_195, %parallel_loop3A_191 : vector<16xf32>
        %parallel_loop3A_197 = arith.index_cast %parallel_loop3A_171 : i32 to index
        %parallel_loop3A_198 = arith.constant 0 : index
        %parallel_loop3A_199 = tpu.vector_load %arg11[%parallel_loop3A_197, %parallel_loop3A_198] {strides = array<i32>} : memref<125x80xf32, #tpu.memory_space<vmem>>, vector<1x16xf32>,
        %parallel_loop3A_200 = vector.shape_cast %parallel_loop3A_199 : vector<1x16xf32> to vector<16xf32>
        %parallel_loop3A_201 = vector.shape_cast %parallel_loop3A_196 : vector<16xf32> to vector<1x16xf32>
        tpu.vector_store %arg11[%parallel_loop3A_197, %parallel_loop3A_198], %parallel_loop3A_201 {strides = array<i32>} : memref<125x80xf32, #tpu.memory_space<vmem>>, vector<1x16xf32>,
        %parallel_loop3A_202 = arith.constant 2 : i32
        %parallel_loop3A_203 = vector.broadcast %parallel_loop3A_202 : i32 to vector<16xi32>
        %parallel_loop3A_204 = arith.addi %shift_right_arithmetic3A_28, %parallel_loop3A_203 : vector<16xi32>
        %parallel_loop3A_205 = vector.shape_cast %parallel_loop3A_204 : vector<16xi32> to vector<16x1xi32>
        %parallel_loop3A_206 = vector.shape_cast %parallel_loop3A_205 : vector<16x1xi32> to vector<16xi32>
        %parallel_loop3A_207 = tpu.dynamic_gather %parallel_loop3A_185[%parallel_loop3A_206] in [0] : vector<16xf32>, vector<16xi32> -> vector<16xf32>
        %parallel_loop3A_208 = arith.index_cast %parallel_loop3A_171 : i32 to index
        %parallel_loop3A_209 = arith.constant 16 : index
        %parallel_loop3A_210 = tpu.vector_load %arg9[%parallel_loop3A_208, %parallel_loop3A_209] {strides = array<i32>} : memref<125x80xf32, #tpu.memory_space<vmem>>, vector<1x16xf32>,
        %parallel_loop3A_211 = vector.shape_cast %parallel_loop3A_210 : vector<1x16xf32> to vector<16xf32>
        %parallel_loop3A_212 = arith.mulf %parallel_loop3A_211, %parallel_loop3A_207 : vector<16xf32>
        %parallel_loop3A_213 = arith.index_cast %parallel_loop3A_171 : i32 to index
        %parallel_loop3A_214 = arith.constant 16 : index
        %parallel_loop3A_215 = tpu.vector_load %arg11[%parallel_loop3A_213, %parallel_loop3A_214] {strides = array<i32>} : memref<125x80xf32, #tpu.memory_space<vmem>>, vector<1x16xf32>,
        %parallel_loop3A_216 = vector.shape_cast %parallel_loop3A_215 : vector<1x16xf32> to vector<16xf32>
        %parallel_loop3A_217 = vector.shape_cast %parallel_loop3A_212 : vector<16xf32> to vector<1x16xf32>
        tpu.vector_store %arg11[%parallel_loop3A_213, %parallel_loop3A_214], %parallel_loop3A_217 {strides = array<i32>} : memref<125x80xf32, #tpu.memory_space<vmem>>, vector<1x16xf32>,
        %parallel_loop3A_218 = arith.constant 4 : i32
        %parallel_loop3A_219 = vector.broadcast %parallel_loop3A_218 : i32 to vector<16xi32>
        %parallel_loop3A_220 = arith.addi %shift_right_arithmetic3A_28, %parallel_loop3A_219 : vector<16xi32>
        %parallel_loop3A_221 = vector.shape_cast %parallel_loop3A_220 : vector<16xi32> to vector<16x1xi32>
        %parallel_loop3A_222 = vector.shape_cast %parallel_loop3A_221 : vector<16x1xi32> to vector<16xi32>
        %parallel_loop3A_223 = tpu.dynamic_gather %parallel_loop3A_185[%parallel_loop3A_222] in [0] : vector<16xf32>, vector<16xi32> -> vector<16xf32>
        %parallel_loop3A_224 = arith.index_cast %parallel_loop3A_171 : i32 to index
        %parallel_loop3A_225 = arith.constant 32 : index
        %parallel_loop3A_226 = tpu.vector_load %arg9[%parallel_loop3A_224, %parallel_loop3A_225] {strides = array<i32>} : memref<125x80xf32, #tpu.memory_space<vmem>>, vector<1x16xf32>,
        %parallel_loop3A_227 = vector.shape_cast %parallel_loop3A_226 : vector<1x16xf32> to vector<16xf32>
        %parallel_loop3A_228 = arith.mulf %parallel_loop3A_227, %parallel_loop3A_223 : vector<16xf32>
        %parallel_loop3A_229 = arith.index_cast %parallel_loop3A_171 : i32 to index
        %parallel_loop3A_230 = arith.constant 32 : index
        %parallel_loop3A_231 = tpu.vector_load %arg11[%parallel_loop3A_229, %parallel_loop3A_230] {strides = array<i32>} : memref<125x80xf32, #tpu.memory_space<vmem>>, vector<1x16xf32>,
        %parallel_loop3A_232 = vector.shape_cast %parallel_loop3A_231 : vector<1x16xf32> to vector<16xf32>
        %parallel_loop3A_233 = vector.shape_cast %parallel_loop3A_228 : vector<16xf32> to vector<1x16xf32>
        tpu.vector_store %arg11[%parallel_loop3A_229, %parallel_loop3A_230], %parallel_loop3A_233 {strides = array<i32>} : memref<125x80xf32, #tpu.memory_space<vmem>>, vector<1x16xf32>,
        %parallel_loop3A_234 = arith.constant 6 : i32
        %parallel_loop3A_235 = vector.broadcast %parallel_loop3A_234 : i32 to vector<16xi32>
        %parallel_loop3A_236 = arith.addi %shift_right_arithmetic3A_28, %parallel_loop3A_235 : vector<16xi32>
        %parallel_loop3A_237 = vector.shape_cast %parallel_loop3A_236 : vector<16xi32> to vector<16x1xi32>
        %parallel_loop3A_238 = vector.shape_cast %parallel_loop3A_237 : vector<16x1xi32> to vector<16xi32>
        %parallel_loop3A_239 = tpu.dynamic_gather %parallel_loop3A_185[%parallel_loop3A_238] in [0] : vector<16xf32>, vector<16xi32> -> vector<16xf32>
        %parallel_loop3A_240 = arith.index_cast %parallel_loop3A_171 : i32 to index
        %parallel_loop3A_241 = arith.constant 48 : index
        %parallel_loop3A_242 = tpu.vector_load %arg9[%parallel_loop3A_240, %parallel_loop3A_241] {strides = array<i32>} : memref<125x80xf32, #tpu.memory_space<vmem>>, vector<1x16xf32>,
        %parallel_loop3A_243 = vector.shape_cast %parallel_loop3A_242 : vector<1x16xf32> to vector<16xf32>
        %parallel_loop3A_244 = arith.mulf %parallel_loop3A_243, %parallel_loop3A_239 : vector<16xf32>
        %parallel_loop3A_245 = arith.index_cast %parallel_loop3A_171 : i32 to index
        %parallel_loop3A_246 = arith.constant 48 : index
        %parallel_loop3A_247 = tpu.vector_load %arg11[%parallel_loop3A_245, %parallel_loop3A_246] {strides = array<i32>} : memref<125x80xf32, #tpu.memory_space<vmem>>, vector<1x16xf32>,
        %parallel_loop3A_248 = vector.shape_cast %parallel_loop3A_247 : vector<1x16xf32> to vector<16xf32>
        %parallel_loop3A_249 = vector.shape_cast %parallel_loop3A_244 : vector<16xf32> to vector<1x16xf32>
        tpu.vector_store %arg11[%parallel_loop3A_245, %parallel_loop3A_246], %parallel_loop3A_249 {strides = array<i32>} : memref<125x80xf32, #tpu.memory_space<vmem>>, vector<1x16xf32>,
        %parallel_loop3A_250 = arith.constant 8 : i32
        %parallel_loop3A_251 = vector.broadcast %parallel_loop3A_250 : i32 to vector<16xi32>
        %parallel_loop3A_252 = arith.cmpi slt, %iota3A, %parallel_loop3A_251 : vector<16xi32>
        %parallel_loop3A_253 = arith.constant 0.000000e+00 : f32
        %parallel_loop3A_254 = vector.broadcast %parallel_loop3A_253 : f32 to vector<16xf32>
        %parallel_loop3A_255 = arith.select %parallel_loop3A_252, %parallel_loop3A_185, %parallel_loop3A_254 : vector<16xi1>, vector<16xf32>
        %parallel_loop3A_256 = arith.index_cast %parallel_loop3A_171 : i32 to index
        %parallel_loop3A_257 = arith.constant 64 : index
        %parallel_loop3A_258 = tpu.vector_load %arg11[%parallel_loop3A_256, %parallel_loop3A_257] {strides = array<i32>} : memref<125x80xf32, #tpu.memory_space<vmem>>, vector<1x16xf32>,
        %parallel_loop3A_259 = vector.shape_cast %parallel_loop3A_258 : vector<1x16xf32> to vector<16xf32>
        %parallel_loop3A_260 = vector.shape_cast %parallel_loop3A_255 : vector<16xf32> to vector<1x16xf32>
        tpu.vector_store %arg11[%parallel_loop3A_256, %parallel_loop3A_257], %parallel_loop3A_260 {strides = array<i32>} : memref<125x80xf32, #tpu.memory_space<vmem>>, vector<1x16xf32>,
      } {sc.loop_unroll_factor = 8 : i64, sc.parallel_access}
      %dma_start3A_118 = arith.constant 0 : i32
      %dma_start3A_119 = tpu.memref_slice %arg8[%add3A_86, %dma_start3A_118] : memref<80x125xi32, #tpu.memory_space<vmem>> -> memref<1x125xi32, #tpu.memory_space<vmem>>
      %dma_start3A_120 = tpu.memref_squeeze %dma_start3A_119 : memref<1x125xi32, #tpu.memory_space<vmem>> -> memref<125xi32, #tpu.memory_space<vmem>>
      %dma_start3A_121 = arith.constant 0 : i32
      %dma_start3A_122 = arith.constant 0 : i32
      %dma_start3A_123 = tpu.memref_slice %arg16[%dma_start3A_121, %dma_start3A_122] : memref<10240x80xf32, #tpu.memory_space<vmem_shared>> -> memref<10240x80xf32, #tpu.memory_space<vmem_shared>>
      tpu.enqueue_indirect_dma source(%arg11 : memref<125x80xf32, #tpu.memory_space<vmem>>) target(%dma_start3A_123 : memref<10240x80xf32, #tpu.memory_space<vmem_shared>>) offsets(%dma_start3A_120 : memref<125xi32, #tpu.memory_space<vmem>>) semaphore(%arg19 : memref<!tpu.dma_semaphore, #tpu.memory_space<semaphore_mem>>) {add = true}
      %mul3A_124 = arith.constant 2 : i32
      %mul3A_125 = arith.muli %mul3A_124, %scan3A_81 : i32
      %add3A_126 = arith.constant 1 : i32
      %add3A_127 = arith.addi %mul3A_125, %add3A_126 : i32
      %dma_wait3A_128 = arith.constant 0 : i32
      %dma_wait3A_129 = tpu.memref_slice %arg7[%add3A_127, %dma_wait3A_128] : memref<80x125xi32, #tpu.memory_space<vmem>> -> memref<1x125xi32, #tpu.memory_space<vmem>>
      %dma_wait3A_130 = tpu.memref_squeeze %dma_wait3A_129 : memref<1x125xi32, #tpu.memory_space<vmem>> -> memref<125xi32, #tpu.memory_space<vmem>>
      %dma_wait3A_131 = arith.constant 0 : i32
      %dma_wait3A_132 = arith.constant 0 : i32
      %dma_wait3A_133 = tpu.memref_slice %arg2[%dma_wait3A_131, %dma_wait3A_132] : memref<10000x80xf32, #tpu.memory_space<hbm>> -> memref<10000x80xf32, #tpu.memory_space<hbm>>
      tpu.wait_indirect_dma semaphore(%arg18 : memref<!tpu.dma_semaphore, #tpu.memory_space<semaphore_mem>>) src(%dma_wait3A_133 : memref<10000x80xf32, #tpu.memory_space<hbm>>) dst(%arg12 : memref<125x80xf32, #tpu.memory_space<vmem>>)
      %dma_wait3A_134 = arith.constant 0 : i32
      %dma_wait3A_135 = tpu.memref_slice %arg8[%add3A_127, %dma_wait3A_134] : memref<80x125xi32, #tpu.memory_space<vmem>> -> memref<1x125xi32, #tpu.memory_space<vmem>>
      %dma_wait3A_136 = tpu.memref_squeeze %dma_wait3A_135 : memref<1x125xi32, #tpu.memory_space<vmem>> -> memref<125xi32, #tpu.memory_space<vmem>>
      %dma_wait3A_137 = arith.constant 0 : i32
      %dma_wait3A_138 = arith.constant 0 : i32
      %dma_wait3A_139 = tpu.memref_slice %arg3[%dma_wait3A_137, %dma_wait3A_138] : memref<10000x16xf32, #tpu.memory_space<hbm>> -> memref<10000x16xf32, #tpu.memory_space<hbm>>
      tpu.wait_indirect_dma semaphore(%arg18 : memref<!tpu.dma_semaphore, #tpu.memory_space<semaphore_mem>>) src(%dma_wait3A_139 : memref<10000x16xf32, #tpu.memory_space<hbm>>) dst(%arg13 : memref<125x16xf32, #tpu.memory_space<vmem>>)
      %add3A_140 = arith.constant 1 : i32
      %add3A_141 = arith.addi %add3A_127, %add3A_140 : i32
      %min3A_142 = arith.constant 79 : i32
      %min3A_143 = arith.minsi %add3A_141, %min3A_142 : i32
      %dma_start3A_144 = arith.constant 0 : i32
      %dma_start3A_145 = tpu.memref_slice %arg7[%min3A_143, %dma_start3A_144] : memref<80x125xi32, #tpu.memory_space<vmem>> -> memref<1x125xi32, #tpu.memory_space<vmem>>
      %dma_start3A_146 = tpu.memref_squeeze %dma_start3A_145 : memref<1x125xi32, #tpu.memory_space<vmem>> -> memref<125xi32, #tpu.memory_space<vmem>>
      %dma_start3A_147 = arith.constant 0 : i32
      %dma_start3A_148 = arith.constant 0 : i32
      %dma_start3A_149 = tpu.memref_slice %arg2[%dma_start3A_147, %dma_start3A_148] : memref<10000x80xf32, #tpu.memory_space<hbm>> -> memref<10000x80xf32, #tpu.memory_space<hbm>>
      tpu.enqueue_indirect_dma source(%dma_start3A_149 : memref<10000x80xf32, #tpu.memory_space<hbm>>) target(%arg9 : memref<125x80xf32, #tpu.memory_space<vmem>>) offsets(%dma_start3A_146 : memref<125xi32, #tpu.memory_space<vmem>>) semaphore(%arg17 : memref<!tpu.dma_semaphore, #tpu.memory_space<semaphore_mem>>)
      %dma_start3A_150 = arith.constant 0 : i32
      %dma_start3A_151 = tpu.memref_slice %arg8[%min3A_143, %dma_start3A_150] : memref<80x125xi32, #tpu.memory_space<vmem>> -> memref<1x125xi32, #tpu.memory_space<vmem>>
      %dma_start3A_152 = tpu.memref_squeeze %dma_start3A_151 : memref<1x125xi32, #tpu.memory_space<vmem>> -> memref<125xi32, #tpu.memory_space<vmem>>
      %dma_start3A_153 = arith.constant 0 : i32
      %dma_start3A_154 = arith.constant 0 : i32
      %dma_start3A_155 = tpu.memref_slice %arg3[%dma_start3A_153, %dma_start3A_154] : memref<10000x16xf32, #tpu.memory_space<hbm>> -> memref<10000x16xf32, #tpu.memory_space<hbm>>
      tpu.enqueue_indirect_dma source(%dma_start3A_155 : memref<10000x16xf32, #tpu.memory_space<hbm>>) target(%arg10 : memref<125x16xf32, #tpu.memory_space<vmem>>) offsets(%dma_start3A_152 : memref<125xi32, #tpu.memory_space<vmem>>) semaphore(%arg17 : memref<!tpu.dma_semaphore, #tpu.memory_space<semaphore_mem>>)
      %ge3A_156 = arith.constant 2 : i32
      %ge3A_157 = arith.cmpi sge, %add3A_127, %ge3A_156 : i32
      %convert_element_type3A_158 = arith.extui %ge3A_157 : i1 to i32
      %cond3A_159 = arith.constant 0 : i32
      %cond3A_160 = arith.cmpi ne, %convert_element_type3A_158, %cond3A_159 : i32
      scf.if %cond3A_160 {
        %sub3A = arith.constant 2 : i32
        %sub3A_171 = arith.subi %add3A_127, %sub3A : i32
        %dma_wait3A_172 = arith.constant 0 : i32
        %dma_wait3A_173 = tpu.memref_slice %arg8[%sub3A_171, %dma_wait3A_172] : memref<80x125xi32, #tpu.memory_space<vmem>> -> memref<1x125xi32, #tpu.memory_space<vmem>>
        %dma_wait3A_174 = tpu.memref_squeeze %dma_wait3A_173 : memref<1x125xi32, #tpu.memory_space<vmem>> -> memref<125xi32, #tpu.memory_space<vmem>>
        %dma_wait3A_175 = arith.constant 0 : i32
        %dma_wait3A_176 = arith.constant 0 : i32
        %dma_wait3A_177 = tpu.memref_slice %arg16[%dma_wait3A_175, %dma_wait3A_176] : memref<10240x80xf32, #tpu.memory_space<vmem_shared>> -> memref<10240x80xf32, #tpu.memory_space<vmem_shared>>
        tpu.wait_indirect_dma semaphore(%arg20 : memref<!tpu.dma_semaphore, #tpu.memory_space<semaphore_mem>>) src(%arg14 : memref<125x80xf32, #tpu.memory_space<vmem>>) dst(%dma_wait3A_177 : memref<10240x80xf32, #tpu.memory_space<vmem_shared>>)
      } else {
      }
      %parallel_loop3A_161 = arith.constant 0 : i32
      %parallel_loop3A_162 = arith.constant 125 : i32
      %parallel_loop3A_163 = arith.constant 1 : i32
      scf.for %parallel_loop3A_171 = %parallel_loop3A_161 to %parallel_loop3A_162 step %parallel_loop3A_163  : i32 {
        %parallel_loop3A_172 = arith.index_cast %parallel_loop3A_171 : i32 to index
        %parallel_loop3A_173 = arith.constant 64 : index
        %parallel_loop3A_174 = tpu.vector_load %arg12[%parallel_loop3A_172, %parallel_loop3A_173] {strides = array<i32>} : memref<125x80xf32, #tpu.memory_space<vmem>>, vector<1x16xf32>,
        %parallel_loop3A_175 = vector.shape_cast %parallel_loop3A_174 : vector<1x16xf32> to vector<16xf32>
        %parallel_loop3A_176 = arith.index_cast %parallel_loop3A_171 : i32 to index
        %parallel_loop3A_177 = arith.constant 0 : index
        %parallel_loop3A_178 = tpu.vector_load %arg13[%parallel_loop3A_176, %parallel_loop3A_177] {strides = array<i32>} : memref<125x16xf32, #tpu.memory_space<vmem>>, vector<1x16xf32>,
        %parallel_loop3A_179 = vector.shape_cast %parallel_loop3A_178 : vector<1x16xf32> to vector<16xf32>
        %parallel_loop3A_180 = arith.addf %parallel_loop3A_175, %parallel_loop3A_179 : vector<16xf32>
        %parallel_loop3A_181 = arith.constant 2.000000e-01 : f32
        %parallel_loop3A_182 = vector.broadcast %parallel_loop3A_181 : f32 to vector<16xf32>
        %parallel_loop3A_183 = arith.mulf %parallel_loop3A_182, %parallel_loop3A_180 : vector<16xf32>
        %parallel_loop3A_184 = arith.maximumf %parallel_loop3A_180, %parallel_loop3A_183 : vector<16xf32>
        %parallel_loop3A_185 = math.exp %parallel_loop3A_184 : vector<16xf32>
        %parallel_loop3A_186 = arith.constant 0 : i32
        %parallel_loop3A_187 = vector.broadcast %parallel_loop3A_186 : i32 to vector<16xi32>
        %parallel_loop3A_188 = arith.addi %shift_right_arithmetic3A_28, %parallel_loop3A_187 : vector<16xi32>
        %parallel_loop3A_189 = vector.shape_cast %parallel_loop3A_188 : vector<16xi32> to vector<16x1xi32>
        %parallel_loop3A_190 = vector.shape_cast %parallel_loop3A_189 : vector<16x1xi32> to vector<16xi32>
        %parallel_loop3A_191 = tpu.dynamic_gather %parallel_loop3A_185[%parallel_loop3A_190] in [0] : vector<16xf32>, vector<16xi32> -> vector<16xf32>
        %parallel_loop3A_192 = arith.index_cast %parallel_loop3A_171 : i32 to index
        %parallel_loop3A_193 = arith.constant 0 : index
        %parallel_loop3A_194 = tpu.vector_load %arg12[%parallel_loop3A_192, %parallel_loop3A_193] {strides = array<i32>} : memref<125x80xf32, #tpu.memory_space<vmem>>, vector<1x16xf32>,
        %parallel_loop3A_195 = vector.shape_cast %parallel_loop3A_194 : vector<1x16xf32> to vector<16xf32>
        %parallel_loop3A_196 = arith.mulf %parallel_loop3A_195, %parallel_loop3A_191 : vector<16xf32>
        %parallel_loop3A_197 = arith.index_cast %parallel_loop3A_171 : i32 to index
        %parallel_loop3A_198 = arith.constant 0 : index
        %parallel_loop3A_199 = tpu.vector_load %arg14[%parallel_loop3A_197, %parallel_loop3A_198] {strides = array<i32>} : memref<125x80xf32, #tpu.memory_space<vmem>>, vector<1x16xf32>,
        %parallel_loop3A_200 = vector.shape_cast %parallel_loop3A_199 : vector<1x16xf32> to vector<16xf32>
        %parallel_loop3A_201 = vector.shape_cast %parallel_loop3A_196 : vector<16xf32> to vector<1x16xf32>
        tpu.vector_store %arg14[%parallel_loop3A_197, %parallel_loop3A_198], %parallel_loop3A_201 {strides = array<i32>} : memref<125x80xf32, #tpu.memory_space<vmem>>, vector<1x16xf32>,
        %parallel_loop3A_202 = arith.constant 2 : i32
        %parallel_loop3A_203 = vector.broadcast %parallel_loop3A_202 : i32 to vector<16xi32>
        %parallel_loop3A_204 = arith.addi %shift_right_arithmetic3A_28, %parallel_loop3A_203 : vector<16xi32>
        %parallel_loop3A_205 = vector.shape_cast %parallel_loop3A_204 : vector<16xi32> to vector<16x1xi32>
        %parallel_loop3A_206 = vector.shape_cast %parallel_loop3A_205 : vector<16x1xi32> to vector<16xi32>
        %parallel_loop3A_207 = tpu.dynamic_gather %parallel_loop3A_185[%parallel_loop3A_206] in [0] : vector<16xf32>, vector<16xi32> -> vector<16xf32>
        %parallel_loop3A_208 = arith.index_cast %parallel_loop3A_171 : i32 to index
        %parallel_loop3A_209 = arith.constant 16 : index
        %parallel_loop3A_210 = tpu.vector_load %arg12[%parallel_loop3A_208, %parallel_loop3A_209] {strides = array<i32>} : memref<125x80xf32, #tpu.memory_space<vmem>>, vector<1x16xf32>,
        %parallel_loop3A_211 = vector.shape_cast %parallel_loop3A_210 : vector<1x16xf32> to vector<16xf32>
        %parallel_loop3A_212 = arith.mulf %parallel_loop3A_211, %parallel_loop3A_207 : vector<16xf32>
        %parallel_loop3A_213 = arith.index_cast %parallel_loop3A_171 : i32 to index
        %parallel_loop3A_214 = arith.constant 16 : index
        %parallel_loop3A_215 = tpu.vector_load %arg14[%parallel_loop3A_213, %parallel_loop3A_214] {strides = array<i32>} : memref<125x80xf32, #tpu.memory_space<vmem>>, vector<1x16xf32>,
        %parallel_loop3A_216 = vector.shape_cast %parallel_loop3A_215 : vector<1x16xf32> to vector<16xf32>
        %parallel_loop3A_217 = vector.shape_cast %parallel_loop3A_212 : vector<16xf32> to vector<1x16xf32>
        tpu.vector_store %arg14[%parallel_loop3A_213, %parallel_loop3A_214], %parallel_loop3A_217 {strides = array<i32>} : memref<125x80xf32, #tpu.memory_space<vmem>>, vector<1x16xf32>,
        %parallel_loop3A_218 = arith.constant 4 : i32
        %parallel_loop3A_219 = vector.broadcast %parallel_loop3A_218 : i32 to vector<16xi32>
        %parallel_loop3A_220 = arith.addi %shift_right_arithmetic3A_28, %parallel_loop3A_219 : vector<16xi32>
        %parallel_loop3A_221 = vector.shape_cast %parallel_loop3A_220 : vector<16xi32> to vector<16x1xi32>
        %parallel_loop3A_222 = vector.shape_cast %parallel_loop3A_221 : vector<16x1xi32> to vector<16xi32>
        %parallel_loop3A_223 = tpu.dynamic_gather %parallel_loop3A_185[%parallel_loop3A_222] in [0] : vector<16xf32>, vector<16xi32> -> vector<16xf32>
        %parallel_loop3A_224 = arith.index_cast %parallel_loop3A_171 : i32 to index
        %parallel_loop3A_225 = arith.constant 32 : index
        %parallel_loop3A_226 = tpu.vector_load %arg12[%parallel_loop3A_224, %parallel_loop3A_225] {strides = array<i32>} : memref<125x80xf32, #tpu.memory_space<vmem>>, vector<1x16xf32>,
        %parallel_loop3A_227 = vector.shape_cast %parallel_loop3A_226 : vector<1x16xf32> to vector<16xf32>
        %parallel_loop3A_228 = arith.mulf %parallel_loop3A_227, %parallel_loop3A_223 : vector<16xf32>
        %parallel_loop3A_229 = arith.index_cast %parallel_loop3A_171 : i32 to index
        %parallel_loop3A_230 = arith.constant 32 : index
        %parallel_loop3A_231 = tpu.vector_load %arg14[%parallel_loop3A_229, %parallel_loop3A_230] {strides = array<i32>} : memref<125x80xf32, #tpu.memory_space<vmem>>, vector<1x16xf32>,
        %parallel_loop3A_232 = vector.shape_cast %parallel_loop3A_231 : vector<1x16xf32> to vector<16xf32>
        %parallel_loop3A_233 = vector.shape_cast %parallel_loop3A_228 : vector<16xf32> to vector<1x16xf32>
        tpu.vector_store %arg14[%parallel_loop3A_229, %parallel_loop3A_230], %parallel_loop3A_233 {strides = array<i32>} : memref<125x80xf32, #tpu.memory_space<vmem>>, vector<1x16xf32>,
        %parallel_loop3A_234 = arith.constant 6 : i32
        %parallel_loop3A_235 = vector.broadcast %parallel_loop3A_234 : i32 to vector<16xi32>
        %parallel_loop3A_236 = arith.addi %shift_right_arithmetic3A_28, %parallel_loop3A_235 : vector<16xi32>
        %parallel_loop3A_237 = vector.shape_cast %parallel_loop3A_236 : vector<16xi32> to vector<16x1xi32>
        %parallel_loop3A_238 = vector.shape_cast %parallel_loop3A_237 : vector<16x1xi32> to vector<16xi32>
        %parallel_loop3A_239 = tpu.dynamic_gather %parallel_loop3A_185[%parallel_loop3A_238] in [0] : vector<16xf32>, vector<16xi32> -> vector<16xf32>
        %parallel_loop3A_240 = arith.index_cast %parallel_loop3A_171 : i32 to index
        %parallel_loop3A_241 = arith.constant 48 : index
        %parallel_loop3A_242 = tpu.vector_load %arg12[%parallel_loop3A_240, %parallel_loop3A_241] {strides = array<i32>} : memref<125x80xf32, #tpu.memory_space<vmem>>, vector<1x16xf32>,
        %parallel_loop3A_243 = vector.shape_cast %parallel_loop3A_242 : vector<1x16xf32> to vector<16xf32>
        %parallel_loop3A_244 = arith.mulf %parallel_loop3A_243, %parallel_loop3A_239 : vector<16xf32>
        %parallel_loop3A_245 = arith.index_cast %parallel_loop3A_171 : i32 to index
        %parallel_loop3A_246 = arith.constant 48 : index
        %parallel_loop3A_247 = tpu.vector_load %arg14[%parallel_loop3A_245, %parallel_loop3A_246] {strides = array<i32>} : memref<125x80xf32, #tpu.memory_space<vmem>>, vector<1x16xf32>,
        %parallel_loop3A_248 = vector.shape_cast %parallel_loop3A_247 : vector<1x16xf32> to vector<16xf32>
        %parallel_loop3A_249 = vector.shape_cast %parallel_loop3A_244 : vector<16xf32> to vector<1x16xf32>
        tpu.vector_store %arg14[%parallel_loop3A_245, %parallel_loop3A_246], %parallel_loop3A_249 {strides = array<i32>} : memref<125x80xf32, #tpu.memory_space<vmem>>, vector<1x16xf32>,
        %parallel_loop3A_250 = arith.constant 8 : i32
        %parallel_loop3A_251 = vector.broadcast %parallel_loop3A_250 : i32 to vector<16xi32>
        %parallel_loop3A_252 = arith.cmpi slt, %iota3A, %parallel_loop3A_251 : vector<16xi32>
        %parallel_loop3A_253 = arith.constant 0.000000e+00 : f32
        %parallel_loop3A_254 = vector.broadcast %parallel_loop3A_253 : f32 to vector<16xf32>
        %parallel_loop3A_255 = arith.select %parallel_loop3A_252, %parallel_loop3A_185, %parallel_loop3A_254 : vector<16xi1>, vector<16xf32>
        %parallel_loop3A_256 = arith.index_cast %parallel_loop3A_171 : i32 to index
        %parallel_loop3A_257 = arith.constant 64 : index
        %parallel_loop3A_258 = tpu.vector_load %arg14[%parallel_loop3A_256, %parallel_loop3A_257] {strides = array<i32>} : memref<125x80xf32, #tpu.memory_space<vmem>>, vector<1x16xf32>,
        %parallel_loop3A_259 = vector.shape_cast %parallel_loop3A_258 : vector<1x16xf32> to vector<16xf32>
        %parallel_loop3A_260 = vector.shape_cast %parallel_loop3A_255 : vector<16xf32> to vector<1x16xf32>
        tpu.vector_store %arg14[%parallel_loop3A_256, %parallel_loop3A_257], %parallel_loop3A_260 {strides = array<i32>} : memref<125x80xf32, #tpu.memory_space<vmem>>, vector<1x16xf32>,
      } {sc.loop_unroll_factor = 8 : i64, sc.parallel_access}
      %dma_start3A_164 = arith.constant 0 : i32
      %dma_start3A_165 = tpu.memref_slice %arg8[%add3A_127, %dma_start3A_164] : memref<80x125xi32, #tpu.memory_space<vmem>> -> memref<1x125xi32, #tpu.memory_space<vmem>>
      %dma_start3A_166 = tpu.memref_squeeze %dma_start3A_165 : memref<1x125xi32, #tpu.memory_space<vmem>> -> memref<125xi32, #tpu.memory_space<vmem>>
      %dma_start3A_167 = arith.constant 0 : i32
      %dma_start3A_168 = arith.constant 0 : i32
      %dma_start3A_169 = tpu.memref_slice %arg16[%dma_start3A_167, %dma_start3A_168] : memref<10240x80xf32, #tpu.memory_space<vmem_shared>> -> memref<10240x80xf32, #tpu.memory_space<vmem_shared>>
      tpu.enqueue_indirect_dma source(%arg14 : memref<125x80xf32, #tpu.memory_space<vmem>>) target(%dma_start3A_169 : memref<10240x80xf32, #tpu.memory_space<vmem_shared>>) offsets(%dma_start3A_166 : memref<125xi32, #tpu.memory_space<vmem>>) semaphore(%arg20 : memref<!tpu.dma_semaphore, #tpu.memory_space<semaphore_mem>>) {add = true}
      %scan3A_170 = arith.constant 0 : i32
      scf.yield %scan3A_170 : i32
    }
    %scan3A_48 = arith.constant 40 : i32
    %dma_wait3A = arith.constant 78 : i32
    %dma_wait3A_49 = arith.constant 0 : i32
    %dma_wait3A_50 = tpu.memref_slice %arg8[%dma_wait3A, %dma_wait3A_49] : memref<80x125xi32, #tpu.memory_space<vmem>> -> memref<1x125xi32, #tpu.memory_space<vmem>>
    %dma_wait3A_51 = tpu.memref_squeeze %dma_wait3A_50 : memref<1x125xi32, #tpu.memory_space<vmem>> -> memref<125xi32, #tpu.memory_space<vmem>>
    %dma_wait3A_52 = arith.constant 0 : i32
    %dma_wait3A_53 = arith.constant 0 : i32
    %dma_wait3A_54 = tpu.memref_slice %arg16[%dma_wait3A_52, %dma_wait3A_53] : memref<10240x80xf32, #tpu.memory_space<vmem_shared>> -> memref<10240x80xf32, #tpu.memory_space<vmem_shared>>
    tpu.wait_indirect_dma semaphore(%arg19 : memref<!tpu.dma_semaphore, #tpu.memory_space<semaphore_mem>>) src(%arg11 : memref<125x80xf32, #tpu.memory_space<vmem>>) dst(%dma_wait3A_54 : memref<10240x80xf32, #tpu.memory_space<vmem_shared>>)
    %dma_wait3A_55 = arith.constant 79 : i32
    %dma_wait3A_56 = arith.constant 0 : i32
    %dma_wait3A_57 = tpu.memref_slice %arg8[%dma_wait3A_55, %dma_wait3A_56] : memref<80x125xi32, #tpu.memory_space<vmem>> -> memref<1x125xi32, #tpu.memory_space<vmem>>
    %dma_wait3A_58 = tpu.memref_squeeze %dma_wait3A_57 : memref<1x125xi32, #tpu.memory_space<vmem>> -> memref<125xi32, #tpu.memory_space<vmem>>
    %dma_wait3A_59 = arith.constant 0 : i32
    %dma_wait3A_60 = arith.constant 0 : i32
    %dma_wait3A_61 = tpu.memref_slice %arg16[%dma_wait3A_59, %dma_wait3A_60] : memref<10240x80xf32, #tpu.memory_space<vmem_shared>> -> memref<10240x80xf32, #tpu.memory_space<vmem_shared>>
    tpu.wait_indirect_dma semaphore(%arg20 : memref<!tpu.dma_semaphore, #tpu.memory_space<semaphore_mem>>) src(%arg14 : memref<125x80xf32, #tpu.memory_space<vmem>>) dst(%dma_wait3A_61 : memref<10240x80xf32, #tpu.memory_space<vmem_shared>>)
    %dma_wait3A_62 = arith.constant 79 : i32
    %dma_wait3A_63 = arith.constant 0 : i32
    %dma_wait3A_64 = tpu.memref_slice %arg7[%dma_wait3A_62, %dma_wait3A_63] : memref<80x125xi32, #tpu.memory_space<vmem>> -> memref<1x125xi32, #tpu.memory_space<vmem>>
    %dma_wait3A_65 = tpu.memref_squeeze %dma_wait3A_64 : memref<1x125xi32, #tpu.memory_space<vmem>> -> memref<125xi32, #tpu.memory_space<vmem>>
    %dma_wait3A_66 = arith.constant 0 : i32
    %dma_wait3A_67 = arith.constant 0 : i32
    %dma_wait3A_68 = tpu.memref_slice %arg2[%dma_wait3A_66, %dma_wait3A_67] : memref<10000x80xf32, #tpu.memory_space<hbm>> -> memref<10000x80xf32, #tpu.memory_space<hbm>>
    tpu.wait_indirect_dma semaphore(%arg17 : memref<!tpu.dma_semaphore, #tpu.memory_space<semaphore_mem>>) src(%dma_wait3A_68 : memref<10000x80xf32, #tpu.memory_space<hbm>>) dst(%arg9 : memref<125x80xf32, #tpu.memory_space<vmem>>)
    %dma_wait3A_69 = arith.constant 79 : i32
    %dma_wait3A_70 = arith.constant 0 : i32
    %dma_wait3A_71 = tpu.memref_slice %arg8[%dma_wait3A_69, %dma_wait3A_70] : memref<80x125xi32, #tpu.memory_space<vmem>> -> memref<1x125xi32, #tpu.memory_space<vmem>>
    %dma_wait3A_72 = tpu.memref_squeeze %dma_wait3A_71 : memref<1x125xi32, #tpu.memory_space<vmem>> -> memref<125xi32, #tpu.memory_space<vmem>>
    %dma_wait3A_73 = arith.constant 0 : i32
    %dma_wait3A_74 = arith.constant 0 : i32
    %dma_wait3A_75 = tpu.memref_slice %arg3[%dma_wait3A_73, %dma_wait3A_74] : memref<10000x16xf32, #tpu.memory_space<hbm>> -> memref<10000x16xf32, #tpu.memory_space<hbm>>
    tpu.wait_indirect_dma semaphore(%arg17 : memref<!tpu.dma_semaphore, #tpu.memory_space<semaphore_mem>>) src(%dma_wait3A_75 : memref<10000x16xf32, #tpu.memory_space<hbm>>) dst(%arg10 : memref<125x16xf32, #tpu.memory_space<vmem>>)
    %barrier3A_76 = arith.constant 0 : index
    tpu.barrier barrier_id(%barrier3A_76)
    %mul3A_77 = arith.constant 640 : i32
    %mul3A_78 = arith.muli %arg1, %mul3A_77 : i32
    %mul3A_79 = arith.constant 640 : i32
    %mul3A_80 = arith.muli %arg1, %mul3A_79 : i32
    "tpu.region"() ({
      %run_scoped3A = tpu.sem_alloc : memref<!tpu.dma_semaphore, #tpu.memory_space<semaphore_mem>>
      %dma_start3A_81 = arith.constant 0 : i32
      %dma_start3A_82 = tpu.memref_slice %arg6[%arg0, %mul3A_80, %dma_start3A_81] : memref<2x10240x80xf32, #tpu.memory_space<hbm>> -> memref<1x640x80xf32, #tpu.memory_space<hbm>>
      %dma_start3A_83 = tpu.memref_squeeze %dma_start3A_82 : memref<1x640x80xf32, #tpu.memory_space<hbm>> -> memref<640x80xf32, #tpu.memory_space<hbm>>
      %dma_start3A_84 = arith.constant 0 : i32
      %dma_start3A_85 = tpu.memref_slice %arg16[%mul3A_78, %dma_start3A_84] : memref<10240x80xf32, #tpu.memory_space<vmem_shared>> -> memref<640x80xf32, #tpu.memory_space<vmem_shared>>
      tpu.enqueue_dma source(%dma_start3A_85 : memref<640x80xf32, #tpu.memory_space<vmem_shared>>) target(%dma_start3A_83 : memref<640x80xf32, #tpu.memory_space<hbm>>) target_semaphore(%run_scoped3A : memref<!tpu.dma_semaphore, #tpu.memory_space<semaphore_mem>>)
      %dma_wait3A_86 = arith.constant 0 : i32
      %dma_wait3A_87 = tpu.memref_slice %arg6[%arg0, %mul3A_80, %dma_wait3A_86] : memref<2x10240x80xf32, #tpu.memory_space<hbm>> -> memref<1x640x80xf32, #tpu.memory_space<hbm>>
      %dma_wait3A_88 = tpu.memref_squeeze %dma_wait3A_87 : memref<1x640x80xf32, #tpu.memory_space<hbm>> -> memref<640x80xf32, #tpu.memory_space<hbm>>
      %dma_wait3A_89 = arith.constant 0 : i32
      %dma_wait3A_90 = tpu.memref_slice %arg16[%mul3A_78, %dma_wait3A_89] : memref<10240x80xf32, #tpu.memory_space<vmem_shared>> -> memref<640x80xf32, #tpu.memory_space<vmem_shared>>
      tpu.wait_dma2 semaphore(%run_scoped3A : memref<!tpu.dma_semaphore, #tpu.memory_space<semaphore_mem>>) src(%dma_wait3A_90 : memref<640x80xf32, #tpu.memory_space<vmem_shared>>) dst(%dma_wait3A_88 : memref<640x80xf32, #tpu.memory_space<hbm>>)
      tpu.yield
    }) : () -> ()
    return
  }
}

module attributes {stable_mosaic.version = 14 : i64} {
  func.func @_tc_pre1(%arg0: i32, %arg1: memref<2000x128xf32, #tpu.memory_space<vmem>>, %arg2: memref<128x64xf32, #tpu.memory_space<vmem>>, %arg3: memref<64x16xf32, #tpu.memory_space<vmem>>, %arg4: memref<2000x80xf32, #tpu.memory_space<vmem>>, %arg5: memref<2000x16xf32, #tpu.memory_space<vmem>>) attributes {dimension_semantics = [#tpu.dimension_semantics<arbitrary>], iteration_bounds = array<i64: 5>, scalar_prefetch = 0 : i64, scratch_operands = 0 : i64, tpu.core_type = #tpu.core_type<tc>, window_params = [{transform_indices = @transform_0, window_bounds = array<i64: 2000, 128>}, {pipeline_mode = #tpu.pipeline_mode<synchronous>, transform_indices = @transform_1, window_bounds = array<i64: 128, 64>}, {pipeline_mode = #tpu.pipeline_mode<synchronous>, transform_indices = @transform_2, window_bounds = array<i64: 64, 16>}, {transform_indices = @transform_3, window_bounds = array<i64: 2000, 80>}, {transform_indices = @transform_4, window_bounds = array<i64: 2000, 16>}]} {
    %get3A = arith.constant 0 : index
    %get3A_0 = arith.constant 0 : index
    %get3A_1 = vector.load %arg1[%get3A, %get3A_0] : memref<2000x128xf32, #tpu.memory_space<vmem>>, vector<2000x128xf32>
    %get3A_2 = arith.constant 0 : index
    %get3A_3 = arith.constant 0 : index
    %get3A_4 = vector.load %arg2[%get3A_2, %get3A_3] : memref<128x64xf32, #tpu.memory_space<vmem>>, vector<128x64xf32>
    %dot_general3A = arith.constant dense<0.000000e+00> : vector<2000x64xf32>
    %dot_general3A_5 = tpu.matmul %get3A_1, %get3A_4, %dot_general3A {dimension_numbers = #tpu.dot_dimension_numbers<[1], [0], [0], [1], [0, 0, 1, 1], [], []>, transpose_lhs_hint = false} : vector<2000x128xf32>, vector<128x64xf32>, vector<2000x64xf32> -> vector<2000x64xf32>
    %get3A_6 = arith.constant 0 : index
    %get3A_7 = arith.constant 0 : index
    %get3A_8 = vector.load %arg3[%get3A_6, %get3A_7] : memref<64x16xf32, #tpu.memory_space<vmem>>, vector<64x16xf32>
    %dot_general3A_9 = arith.constant dense<0.000000e+00> : vector<2000x16xf32>
    %dot_general3A_10 = tpu.matmul %dot_general3A_5, %get3A_8, %dot_general3A_9 {dimension_numbers = #tpu.dot_dimension_numbers<[1], [0], [0], [1], [0, 0, 1, 1], [], []>, transpose_lhs_hint = false} : vector<2000x64xf32>, vector<64x16xf32>, vector<2000x16xf32> -> vector<2000x16xf32>
    %broadcast_in_dim3A = arith.constant 0.000000e+00 : f32
    %broadcast_in_dim3A_11 = vector.broadcast %broadcast_in_dim3A : f32 to vector<2000x8xf32>
    %slice3A = vector.extract_strided_slice %dot_general3A_10 {offsets = [0, 0], sizes = [2000, 8], strides = [1, 1]} : vector<2000x16xf32> to vector<2000x8xf32>
    %concatenate3A = tpu.concatenate %dot_general3A_5, %slice3A, %broadcast_in_dim3A_11 in 1 : vector<2000x64xf32>, vector<2000x8xf32>, vector<2000x8xf32> -> vector<2000x80xf32>
    %swap3A = arith.constant 0 : index
    %swap3A_12 = arith.constant 0 : index
    %swap3A_13 = vector.load %arg4[%swap3A, %swap3A_12] : memref<2000x80xf32, #tpu.memory_space<vmem>>, vector<2000x80xf32>
    tpu.vector_store %arg4[%swap3A, %swap3A_12], %concatenate3A {strides = array<i32>} : memref<2000x80xf32, #tpu.memory_space<vmem>>, vector<2000x80xf32>,
    %slice3A_14 = vector.extract_strided_slice %dot_general3A_10 {offsets = [0, 8], sizes = [2000, 8], strides = [1, 1]} : vector<2000x16xf32> to vector<2000x8xf32>
    %concatenate3A_15 = tpu.concatenate %slice3A_14, %broadcast_in_dim3A_11 in 1 : vector<2000x8xf32>, vector<2000x8xf32> -> vector<2000x16xf32>
    %swap3A_16 = arith.constant 0 : index
    %swap3A_17 = arith.constant 0 : index
    %swap3A_18 = vector.load %arg5[%swap3A_16, %swap3A_17] : memref<2000x16xf32, #tpu.memory_space<vmem>>, vector<2000x16xf32>
    tpu.vector_store %arg5[%swap3A_16, %swap3A_17], %concatenate3A_15 {strides = array<i32>} : memref<2000x16xf32, #tpu.memory_space<vmem>>, vector<2000x16xf32>,
    return
  }
  func.func @transform_0(%arg0: i32) -> (i32, i32) {
    %c0_i32 = arith.constant 0 : i32
    %c0_i32_0 = arith.constant 0 : i32
    return %arg0, %c0_i32 : i32, i32
  }
  func.func @transform_1(%arg0: i32) -> (i32, i32) {
    %c0_i32 = arith.constant 0 : i32
    %c0_i32_0 = arith.constant 0 : i32
    %c0_i32_1 = arith.constant 0 : i32
    return %c0_i32, %c0_i32_0 : i32, i32
  }
  func.func @transform_2(%arg0: i32) -> (i32, i32) {
    %c0_i32 = arith.constant 0 : i32
    %c0_i32_0 = arith.constant 0 : i32
    %c0_i32_1 = arith.constant 0 : i32
    return %c0_i32, %c0_i32_0 : i32, i32
  }
  func.func @transform_3(%arg0: i32) -> (i32, i32) {
    %c0_i32 = arith.constant 0 : i32
    %c0_i32_0 = arith.constant 0 : i32
    return %arg0, %c0_i32 : i32, i32
  }
  func.func @transform_4(%arg0: i32) -> (i32, i32) {
    %c0_i32 = arith.constant 0 : i32
    %c0_i32_0 = arith.constant 0 : i32
    return %arg0, %c0_i32 : i32, i32
  }
}

module attributes {stable_mosaic.version = 14 : i64} {
  func.func @_tc_mid(%arg0: i32, %arg1: memref<2x2000x80xf32, #tpu.memory_space<vmem>>, %arg2: memref<1x64xf32, #tpu.memory_space<vmem>>, %arg3: memref<8x64xf32, #tpu.memory_space<vmem>>, %arg4: memref<64x16xf32, #tpu.memory_space<vmem>>, %arg5: memref<16x2xf32, #tpu.memory_space<vmem>>, %arg6: memref<2000x32xf32, #tpu.memory_space<vmem>>, %arg7: memref<2000x16xf32, #tpu.memory_space<vmem>>) attributes {dimension_semantics = [#tpu.dimension_semantics<arbitrary>], iteration_bounds = array<i64: 5>, scalar_prefetch = 0 : i64, scratch_operands = 0 : i64, tpu.core_type = #tpu.core_type<tc>, window_params = [{transform_indices = @transform_0, window_bounds = array<i64: 2, 2000, 80>}, {pipeline_mode = #tpu.pipeline_mode<synchronous>, transform_indices = @transform_1, window_bounds = array<i64: 1, 64>}, {pipeline_mode = #tpu.pipeline_mode<synchronous>, transform_indices = @transform_2, window_bounds = array<i64: 8, 64>}, {pipeline_mode = #tpu.pipeline_mode<synchronous>, transform_indices = @transform_3, window_bounds = array<i64: 64, 16>}, {pipeline_mode = #tpu.pipeline_mode<synchronous>, transform_indices = @transform_4, window_bounds = array<i64: 16, 2>}, {transform_indices = @transform_5, window_bounds = array<i64: 2000, 32>}, {transform_indices = @transform_6, window_bounds = array<i64: 2000, 16>}]} {
    %get3A = arith.constant 0 : index
    %get3A_0 = arith.constant 0 : index
    %get3A_1 = arith.constant 0 : index
    %get3A_2 = vector.load %arg1[%get3A, %get3A_0, %get3A_1] : memref<2x2000x80xf32, #tpu.memory_space<vmem>>, vector<1x2000x80xf32>
    %get3A_3 = vector.shape_cast %get3A_2 : vector<1x2000x80xf32> to vector<2000x80xf32>
    %get3A_4 = arith.constant 1 : index
    %get3A_5 = arith.constant 0 : index
    %get3A_6 = arith.constant 0 : index
    %get3A_7 = vector.load %arg1[%get3A_4, %get3A_5, %get3A_6] : memref<2x2000x80xf32, #tpu.memory_space<vmem>>, vector<1x2000x80xf32>
    %get3A_8 = vector.shape_cast %get3A_7 : vector<1x2000x80xf32> to vector<2000x80xf32>
    %add3A = arith.addf %get3A_3, %get3A_8 : vector<2000x80xf32>
    %slice3A = vector.extract_strided_slice %add3A {offsets = [0, 0], sizes = [2000, 64], strides = [1, 1]} : vector<2000x80xf32> to vector<2000x64xf32>
    %slice3A_9 = vector.extract_strided_slice %add3A {offsets = [0, 64], sizes = [2000, 8], strides = [1, 1]} : vector<2000x80xf32> to vector<2000x8xf32>
    %get3A_10 = arith.constant 0 : index
    %get3A_11 = arith.constant 0 : index
    %get3A_12 = vector.load %arg3[%get3A_10, %get3A_11] : memref<8x64xf32, #tpu.memory_space<vmem>>, vector<8x64xf32>
    %dot_general3A = arith.constant dense<0.000000e+00> : vector<2000x64xf32>
    %dot_general3A_13 = tpu.matmul %slice3A_9, %get3A_12, %dot_general3A {dimension_numbers = #tpu.dot_dimension_numbers<[1], [0], [0], [1], [0, 0, 1, 1], [], []>, transpose_lhs_hint = false} : vector<2000x8xf32>, vector<8x64xf32>, vector<2000x64xf32> -> vector<2000x64xf32>
    %add3A_14 = arith.constant 9.99999971E-10 : f32
    %add3A_15 = vector.broadcast %add3A_14 : f32 to vector<2000x64xf32>
    %add3A_16 = arith.addf %dot_general3A_13, %add3A_15 : vector<2000x64xf32>
    %div3A = arith.divf %slice3A, %add3A_16 : vector<2000x64xf32>
    %get3A_17 = arith.constant 0 : index
    %get3A_18 = arith.constant 0 : index
    %get3A_19 = vector.load %arg2[%get3A_17, %get3A_18] : memref<1x64xf32, #tpu.memory_space<vmem>>, vector<1x64xf32>
    %add3A_20 = vector.broadcast %get3A_19 : vector<1x64xf32> to vector<2000x64xf32>
    %add3A_21 = arith.addf %div3A, %add3A_20 : vector<2000x64xf32>
    %gt3A = arith.constant 0.000000e+00 : f32
    %gt3A_22 = vector.broadcast %gt3A : f32 to vector<2000x64xf32>
    %gt3A_23 = arith.cmpf ogt, %add3A_21, %gt3A_22 : vector<2000x64xf32>
    %min3A = arith.constant 0.000000e+00 : f32
    %min3A_24 = vector.broadcast %min3A : f32 to vector<2000x64xf32>
    %min3A_25 = arith.minimumf %add3A_21, %min3A_24 : vector<2000x64xf32>
    %exp3A = math.exp %min3A_25 : vector<2000x64xf32>
    %sub3A = arith.constant 1.000000e+00 : f32
    %sub3A_26 = vector.broadcast %sub3A : f32 to vector<2000x64xf32>
    %sub3A_27 = arith.subf %exp3A, %sub3A_26 : vector<2000x64xf32>
    %select_n3A = arith.select %gt3A_23, %add3A_21, %sub3A_27 : vector<2000x64xi1>, vector<2000x64xf32>
    %get3A_28 = arith.constant 0 : index
    %get3A_29 = arith.constant 0 : index
    %get3A_30 = vector.load %arg4[%get3A_28, %get3A_29] : memref<64x16xf32, #tpu.memory_space<vmem>>, vector<64x16xf32>
    %dot_general3A_31 = arith.constant dense<0.000000e+00> : vector<2000x16xf32>
    %dot_general3A_32 = tpu.matmul %select_n3A, %get3A_30, %dot_general3A_31 {dimension_numbers = #tpu.dot_dimension_numbers<[1], [0], [0], [1], [0, 0, 1, 1], [], []>, transpose_lhs_hint = false} : vector<2000x64xf32>, vector<64x16xf32>, vector<2000x16xf32> -> vector<2000x16xf32>
    %get3A_33 = arith.constant 0 : index
    %get3A_34 = arith.constant 0 : index
    %get3A_35 = vector.load %arg5[%get3A_33, %get3A_34] : memref<16x2xf32, #tpu.memory_space<vmem>>, vector<16x2xf32>
    %dot_general3A_36 = arith.constant dense<0.000000e+00> : vector<2000x2xf32>
    %dot_general3A_37 = tpu.matmul %dot_general3A_32, %get3A_35, %dot_general3A_36 {dimension_numbers = #tpu.dot_dimension_numbers<[1], [0], [0], [1], [0, 0, 1, 1], [], []>, transpose_lhs_hint = false} : vector<2000x16xf32>, vector<16x2xf32>, vector<2000x2xf32> -> vector<2000x2xf32>
    %broadcast_in_dim3A = arith.constant 1.000000e+00 : f32
    %broadcast_in_dim3A_38 = vector.broadcast %broadcast_in_dim3A : f32 to vector<1x16xf32>
    %slice3A_39 = vector.extract_strided_slice %dot_general3A_37 {offsets = [0, 0], sizes = [2000, 1], strides = [1, 1]} : vector<2000x2xf32> to vector<2000x1xf32>
    %mul3A = vector.broadcast %slice3A_39 : vector<2000x1xf32> to vector<2000x16xf32>
    %mul3A_40 = vector.broadcast %broadcast_in_dim3A_38 : vector<1x16xf32> to vector<2000x16xf32>
    %mul3A_41 = arith.mulf %mul3A, %mul3A_40 : vector<2000x16xf32>
    %concatenate3A = tpu.concatenate %dot_general3A_32, %mul3A_41 in 1 : vector<2000x16xf32>, vector<2000x16xf32> -> vector<2000x32xf32>
    %swap3A = arith.constant 0 : index
    %swap3A_42 = arith.constant 0 : index
    %swap3A_43 = vector.load %arg6[%swap3A, %swap3A_42] : memref<2000x32xf32, #tpu.memory_space<vmem>>, vector<2000x32xf32>
    tpu.vector_store %arg6[%swap3A, %swap3A_42], %concatenate3A {strides = array<i32>} : memref<2000x32xf32, #tpu.memory_space<vmem>>, vector<2000x32xf32>,
    %slice3A_44 = vector.extract_strided_slice %dot_general3A_37 {offsets = [0, 1], sizes = [2000, 1], strides = [1, 1]} : vector<2000x2xf32> to vector<2000x1xf32>
    %mul3A_45 = vector.broadcast %slice3A_44 : vector<2000x1xf32> to vector<2000x16xf32>
    %mul3A_46 = vector.broadcast %broadcast_in_dim3A_38 : vector<1x16xf32> to vector<2000x16xf32>
    %mul3A_47 = arith.mulf %mul3A_45, %mul3A_46 : vector<2000x16xf32>
    %swap3A_48 = arith.constant 0 : index
    %swap3A_49 = arith.constant 0 : index
    %swap3A_50 = vector.load %arg7[%swap3A_48, %swap3A_49] : memref<2000x16xf32, #tpu.memory_space<vmem>>, vector<2000x16xf32>
    tpu.vector_store %arg7[%swap3A_48, %swap3A_49], %mul3A_47 {strides = array<i32>} : memref<2000x16xf32, #tpu.memory_space<vmem>>, vector<2000x16xf32>,
    return
  }
  func.func @transform_0(%arg0: i32) -> (i32, i32, i32) {
    %c0_i32 = arith.constant 0 : i32
    %c0_i32_0 = arith.constant 0 : i32
    %c0_i32_1 = arith.constant 0 : i32
    return %c0_i32, %arg0, %c0_i32_0 : i32, i32, i32
  }
  func.func @transform_1(%arg0: i32) -> (i32, i32) {
    %c0_i32 = arith.constant 0 : i32
    %c0_i32_0 = arith.constant 0 : i32
    %c0_i32_1 = arith.constant 0 : i32
    return %c0_i32, %c0_i32_0 : i32, i32
  }
  func.func @transform_2(%arg0: i32) -> (i32, i32) {
    %c0_i32 = arith.constant 0 : i32
    %c0_i32_0 = arith.constant 0 : i32
    %c0_i32_1 = arith.constant 0 : i32
    return %c0_i32, %c0_i32_0 : i32, i32
  }
  func.func @transform_3(%arg0: i32) -> (i32, i32) {
    %c0_i32 = arith.constant 0 : i32
    %c0_i32_0 = arith.constant 0 : i32
    %c0_i32_1 = arith.constant 0 : i32
    return %c0_i32, %c0_i32_0 : i32, i32
  }
  func.func @transform_4(%arg0: i32) -> (i32, i32) {
    %c0_i32 = arith.constant 0 : i32
    %c0_i32_0 = arith.constant 0 : i32
    %c0_i32_1 = arith.constant 0 : i32
    return %c0_i32, %c0_i32_0 : i32, i32
  }
  func.func @transform_5(%arg0: i32) -> (i32, i32) {
    %c0_i32 = arith.constant 0 : i32
    %c0_i32_0 = arith.constant 0 : i32
    return %arg0, %c0_i32 : i32, i32
  }
  func.func @transform_6(%arg0: i32) -> (i32, i32) {
    %c0_i32 = arith.constant 0 : i32
    %c0_i32_0 = arith.constant 0 : i32
    return %arg0, %c0_i32 : i32, i32
  }
}

module attributes {stable_mosaic.version = 14 : i64} {
  func.func @_tc_post(%arg0: i32, %arg1: memref<2x2000x32xf32, #tpu.memory_space<vmem>>, %arg2: memref<1x16xf32, #tpu.memory_space<vmem>>, %arg3: memref<2000x16xf32, #tpu.memory_space<vmem>>) attributes {dimension_semantics = [#tpu.dimension_semantics<arbitrary>], iteration_bounds = array<i64: 5>, scalar_prefetch = 0 : i64, scratch_operands = 0 : i64, tpu.core_type = #tpu.core_type<tc>, window_params = [{transform_indices = @transform_0, window_bounds = array<i64: 2, 2000, 32>}, {pipeline_mode = #tpu.pipeline_mode<synchronous>, transform_indices = @transform_1, window_bounds = array<i64: 1, 16>}, {transform_indices = @transform_2, window_bounds = array<i64: 2000, 16>}]} {
    %get3A = arith.constant 0 : index
    %get3A_0 = arith.constant 0 : index
    %get3A_1 = arith.constant 0 : index
    %get3A_2 = vector.load %arg1[%get3A, %get3A_0, %get3A_1] : memref<2x2000x32xf32, #tpu.memory_space<vmem>>, vector<1x2000x32xf32>
    %get3A_3 = vector.shape_cast %get3A_2 : vector<1x2000x32xf32> to vector<2000x32xf32>
    %get3A_4 = arith.constant 1 : index
    %get3A_5 = arith.constant 0 : index
    %get3A_6 = arith.constant 0 : index
    %get3A_7 = vector.load %arg1[%get3A_4, %get3A_5, %get3A_6] : memref<2x2000x32xf32, #tpu.memory_space<vmem>>, vector<1x2000x32xf32>
    %get3A_8 = vector.shape_cast %get3A_7 : vector<1x2000x32xf32> to vector<2000x32xf32>
    %add3A = arith.addf %get3A_3, %get3A_8 : vector<2000x32xf32>
    %slice3A = vector.extract_strided_slice %add3A {offsets = [0, 0], sizes = [2000, 16], strides = [1, 1]} : vector<2000x32xf32> to vector<2000x16xf32>
    %slice3A_9 = vector.extract_strided_slice %add3A {offsets = [0, 16], sizes = [2000, 1], strides = [1, 1]} : vector<2000x32xf32> to vector<2000x1xf32>
    %add3A_10 = arith.constant 9.99999971E-10 : f32
    %add3A_11 = vector.broadcast %add3A_10 : f32 to vector<2000x1xf32>
    %add3A_12 = arith.addf %slice3A_9, %add3A_11 : vector<2000x1xf32>
    %div3A = vector.broadcast %add3A_12 : vector<2000x1xf32> to vector<2000x16xf32>
    %div3A_13 = arith.divf %slice3A, %div3A : vector<2000x16xf32>
    %get3A_14 = arith.constant 0 : index
    %get3A_15 = arith.constant 0 : index
    %get3A_16 = vector.load %arg2[%get3A_14, %get3A_15] : memref<1x16xf32, #tpu.memory_space<vmem>>, vector<1x16xf32>
    %add3A_17 = vector.broadcast %get3A_16 : vector<1x16xf32> to vector<2000x16xf32>
    %add3A_18 = arith.addf %div3A_13, %add3A_17 : vector<2000x16xf32>
    %swap3A = arith.constant 0 : index
    %swap3A_19 = arith.constant 0 : index
    %swap3A_20 = vector.load %arg3[%swap3A, %swap3A_19] : memref<2000x16xf32, #tpu.memory_space<vmem>>, vector<2000x16xf32>
    tpu.vector_store %arg3[%swap3A, %swap3A_19], %add3A_18 {strides = array<i32>} : memref<2000x16xf32, #tpu.memory_space<vmem>>, vector<2000x16xf32>,
    return
  }
  func.func @transform_0(%arg0: i32) -> (i32, i32, i32) {
    %c0_i32 = arith.constant 0 : i32
    %c0_i32_0 = arith.constant 0 : i32
    %c0_i32_1 = arith.constant 0 : i32
    return %c0_i32, %arg0, %c0_i32_0 : i32, i32, i32
  }
  func.func @transform_1(%arg0: i32) -> (i32, i32) {
    %c0_i32 = arith.constant 0 : i32
    %c0_i32_0 = arith.constant 0 : i32
    %c0_i32_1 = arith.constant 0 : i32
    return %c0_i32, %c0_i32_0 : i32, i32
  }
  func.func @transform_2(%arg0: i32) -> (i32, i32) {
    %c0_i32 = arith.constant 0 : i32
    %c0_i32_0 = arith.constant 0 : i32
    return %arg0, %c0_i32 : i32, i32
  }
}

</mosaic_0001>

<sc_bundles>
// kernel: kernel.10.cloned.1.call-start
scs
__scs_entry_jumppad:
0x0: {  	(pc) =	sbr.rel $0x88, $3  }
0x1: {  	(tag) =	ssettag $0x0;
	lr =	simm.s32 $0x1  }
0x2: {  	[smem:$0x3F97] =	sst lr;
	_ =	strace $0xD0000000  }
0x3: {  	_ = 	snop  }
0x4: {  	_ = 	snop  }
0x5: {  	_ = 	snop  }
0x6: {  	_ = 	snop  }
0x7: {  	_ = 	snop  }
__scs_overlays_trampoline_lowered:
0x8: {  	[smem:$0x3FA6] =	sst s0  }
0x9: {  	[smem:$0x3FA7] =	sst s1  }
0xa: {  	[smem:$0x3FA8] =	sst s2  }
0xb: {  	[smem:$0x3FA9] =	sst s3  }
0xc: {  	[smem:$0x3FAA] =	sst s4  }
0xd: {  	[smem:$0x3FAB] =	sst s5  }
0xe: {  	[smem:$0x3FAC] =	sst s6  }
0xf: {  	[smem:$0x3FAD] =	sst s7  }
0x10: {  	[smem:$0x3FAE] =	sst s8  }
0x11: {  	[smem:$0x3FAF] =	sst s9;
	s0 =	simm.s32 @!p0 $0x0  }
0x12: {  	s1 =	sld [smem:$0x3F95];
	s0 =	simm.s32 @p0 $0x1  }
0x13: {  	[smem:$0x3FB0] =	sst s0;
	s0 =	simm.s32 @!p1 $0x0  }
0x14: {  	s2 =	sld [smem:$0x3F94];
	s0 =	simm.s32 @p1 $0x1  }
0x15: {  	[smem:$0x3FB1] =	sst s0;
	s0 =	simm.s32 @!p2 $0x0  }
0x16: {  	s3 =	sld [smem:$0x3FDB];
	s0 =	simm.s32 @p2 $0x1  }
0x17: {  	s4 =	simm.s32 $0x1BF5;
	[smem:$0x3FB3] =	sst s0  }
0x18: {  	s0 =	sld [smem:$0x3F96];
	_ =	swait.ge [sflag:s4], $0x0  }
0x19: {  	s7 =	sld [smem:$0x3F97]  }
0x1a: {  	s8 =	sadd.s32 $0xFFFFE003, lr  }
0x1b: {  	s9 =	sadd.s32 $0xFFFFFEF7, lr;
	s5 =	simm.s32 $0xFFFFFFFF;
	p2 =	slt.u32 s8, $0xFFFFF086  }
0x1c: {  	p1 =	slt.u32 s9, $0xF7A;
	s5 =	simm.s32 @!p2 $0x0  }
0x1d: {  	s5 =	simm.s32 @p1 $0x1;
	p0 =	seq.s32 s7, s2  }
0x1e: {  	s7 =	smul.u32 @!p0 $0xF7A, s2;
	p2 =	seq.s32 @!p0 s5, $0x0  }
0x1f: {  	s9 =	smul.u32 $0xF7A, s1;
	s8 =	simm.s32 @!p0 $0x1BF5;
	p2 =	por !p2, p0  }
0x20: {  	[sflag:s8] =	ssyncset.s32 @!p0 $0xFFFFF086;
	s6 =	sadd.s32 @!p0 s3, s7;
	s7 =	simm.s32 @!p0 $0x108  }
0x21: {  	s3 =	sadd.s32 s3, s9;
	s6 =	sadd.s32 @!p0 $0x88, s6;
	s7 =	simm.s32 @p2 $0x1082  }
0x22: {  	[simem:s7], [sflag:s8] =	dma.local @!p0 [hbm:s6], $0xF7A  }
0x23: {  	s9 =	sor.u32 $0xD0000000, s2;
	s6 =	simm.s32 $0x108;
	_ =	swait.ge @!p0 [sflag:s8], $0x0  }
0x24: {  	s3 =	sadd.s32 $0x88, s3;
	s6 =	simm.s32 @!p1 $0x1082;
	[sflag:s4] =	ssyncset.s32 $0xFFFFF086  }
0x25: {  	[simem:s6], [sflag:s4] =	dma.local [hbm:s3], $0xF7A  }
0x26: {  	[smem:$0x3F97] =	sst s1;
	(tag) =	ssettag s2;
	_ =	strace s9  }
0x27: {  	s1 =	sld [smem:$0x3FA7]  }
0x28: {  	s2 =	sld [smem:$0x3FA8]  }
0x29: {  	s4 =	sld [smem:$0x3FAA]  }
0x2a: {  	p0 =	seq.s32 s5, $0x0;
	s5 =	sld [smem:$0x3FAB]  }
0x2b: {  	s6 =	sld [smem:$0x3FAC]  }
0x2c: {  	s7 =	sld [smem:$0x3FAD]  }
0x2d: {  	s3 =	simm.s32 $0x108;
	s8 =	sld [smem:$0x3FAE]  }
0x2e: {  	s3 =	simm.s32 @!p0 $0x1082;
	s9 =	sld [smem:$0x3FAF]  }
0x2f: {  	lr =	sadd.s32 s0, s3;
	s0 =	sld [smem:$0x3FA6]  }
0x30: {  	s3 =	sld [smem:$0x3FA9]  }
0x31: {  	[smem:$0x3FB2] =	sst s10  }
0x32: {  	s10 =	sld [smem:$0x3FB0];
	_ =	sdelay $0x3  }
0x33: {  	p0 =	seq.s32 s10, $0x1;
	s10 =	sld [smem:$0x3FB2];
	_ =	sdelay $0x3  }
0x34: {  	[smem:$0x3FB2] =	sst s10  }
0x35: {  	s10 =	sld [smem:$0x3FB1];
	_ =	sdelay $0x3  }
0x36: {  	p1 =	seq.s32 s10, $0x1;
	s10 =	sld [smem:$0x3FB2];
	_ =	sdelay $0x3  }
0x37: {  	[smem:$0x3FB2] =	sst s10  }
0x38: {  	s10 =	sld [smem:$0x3FB3]  }
0x39: {  	_ = 	snop;
	(pc) =	sbr.ind lr, $3  }
0x3a: {  	_ = 	snop  }
0x3b: {  	_ = 	snop  }
0x3c: {  	p2 =	seq.s32 s10, $0x1;
	s10 =	sld [smem:$0x3FB2]  }
0x3d: {  	_ =	shalt  }
0x3e: {  	_ =	shalt  }
0x3f: {  	_ =	shalt  }
0x40: {  	_ =	shalt  }
0x41: {  	_ =	shalt  }
0x42: {  	_ =	shalt  }
0x43: {  	_ =	shalt  }
0x44: {  	_ =	shalt  }
0x45: {  	_ =	shalt  }
0x46: {  	_ =	shalt  }
0x47: {  	_ =	shalt  }
0x48: {  	_ =	shalt  }
0x49: {  	_ =	shalt  }
0x4a: {  	_ =	shalt  }
0x4b: {  	_ =	shalt  }
0x4c: {  	_ =	shalt  }
0x4d: {  	_ =	shalt  }
0x4e: {  	_ =	shalt  }
0x4f: {  	_ =	shalt  }
0x50: {  	_ =	shalt  }
0x51: {  	_ =	shalt  }
0x52: {  	_ =	shalt  }
0x53: {  	_ =	shalt  }
0x54: {  	_ =	shalt  }
0x55: {  	_ =	shalt  }
0x56: {  	_ =	shalt  }
0x57: {  	_ =	shalt  }
0x58: {  	_ =	shalt  }
0x59: {  	_ =	shalt  }
0x5a: {  	_ =	shalt  }
0x5b: {  	_ =	shalt  }
0x5c: {  	_ =	shalt  }
0x5d: {  	_ =	shalt  }
0x5e: {  	_ =	shalt  }
0x5f: {  	_ =	shalt  }
0x60: {  	_ =	shalt  }
0x61: {  	_ =	shalt  }
0x62: {  	_ =	shalt  }
0x63: {  	_ =	shalt  }
0x64: {  	_ =	shalt  }
0x65: {  	_ =	shalt  }
0x66: {  	_ =	shalt  }
0x67: {  	_ =	shalt  }
0x68: {  	_ =	shalt  }
0x69: {  	_ =	shalt  }
0x6a: {  	_ =	shalt  }
0x6b: {  	_ =	shalt  }
0x6c: {  	_ =	shalt  }
0x6d: {  	_ =	shalt  }
0x6e: {  	_ =	shalt  }
0x6f: {  	_ =	shalt  }
0x70: {  	_ =	shalt  }
0x71: {  	_ =	shalt  }
0x72: {  	_ =	shalt  }
0x73: {  	_ =	shalt  }
0x74: {  	_ =	shalt  }
0x75: {  	_ =	shalt  }
0x76: {  	_ =	shalt  }
0x77: {  	_ =	shalt  }
0x78: {  	_ =	shalt  }
0x79: {  	_ =	shalt  }
0x7a: {  	_ =	shalt  }
0x7b: {  	_ =	shalt  }
0x7c: {  	_ =	shalt  }
0x7d: {  	_ =	shalt  }
0x7e: {  	_ =	shalt  }
0x7f: {  	_ =	shalt  }
0x80: {  	_ =	shalt  }
0x81: {  	_ =	shalt  }
0x82: {  	_ =	shalt  }
0x83: {  	_ =	shalt  }
0x84: {  	_ =	shalt  }
0x85: {  	_ =	shalt  }
0x86: {  	_ =	shalt  }
0x87: {  	_ =	shalt  }
.Lfunc_end0:
.L_simem_size_0:
called_computation.1_lowered:
.L_overlay_start_0:
0x88: {  	s2 =	sld [smem:$0x3FD9]  }
0x89: {  	s3 =	sld [smem:$0x3FFE];
	_ =	sdelay $0x1  }
0x8a: {  	s1 =	srdreg.scid  }
0x8b: {  	s0 =	sand.u32 $0x1, s1  }
0x8c: {  	s17 =	sshll.u32 s0, $0xA;
	s2 =	sadd.s32 s3, s2  }
0x8d: {  	s2 =	sadd.s32 s2, s17  }
0x8e: {  	[smem:$0x3FBE] =	sst s2  }
0x8f: {  	_ = 	snop  }
0x90: {  	s2 =	sld [smem:$0x3FD0];
	(tm) =	ssettm $0x1  }
0x91: {  	s18 =	sld [smem:$0x3FFB];
	_ =	sdelay $0x3  }
0x92: {  	_ =	strace s18  }
0x93: {  	s3 =	sld [smem:$0x3FFC];
	_ =	sdelay $0x3  }
0x94: {  	_ =	strace s3  }
0x95: {  	s3 =	sld [smem:$0x3FFD];
	_ =	sdelay $0x3  }
0x96: {  	_ =	strace s3  }
0x97: {  	_ =	strace $0x8FFFFFFF  }
0x98: {  	s19 =	sld [smem:$0x3FDB];
	_ =	sdelay $0x1  }
0x99: {  	s4 =	simm.s32 $_scs_section_size  }
0x9a: {  	s5 =	simm.s32 $_size__tile_overlayer_lowered;
	s6 =	simm.s32 $_tile_overlayer_lowered  }
0x9b: {  	s22 =	simm.s32 $0x1BFF;
	s21 =	sshll.u32 s6, $0x1;
	s3 =	sadd.s32 s4, s19  }
0x9c: {  	s7 =	simm.s32 $0x0;
	s20 =	sshll.u32 s5, $0x1;
	s5 =	sadd.s32 s21, s3  }
0x9d: {  	[timem:s7], [sflag:s22] =	dma.local [hbm:s5], s20  }
0x9e: {  	_ =	swait.ge [sflag:s22], s20  }
0x9f: {  	s4 =	ssub.s32 $0x0, s20;
	[sflag:s22] =	ssyncset.done $0x0  }
0xa0: {  	[sflag:s22] =	ssyncadd.s32 s4;
	_ =	sdelay $0x1  }
0xa1: {  	s23 =	simm.s32 $0x1B8B  }
0xa2: {  	_ =	swait.ge [sflag:s23], $0x1  }
0xa3: {  	[sflag:s23] =	ssyncset.done $0x0  }
0xa4: {  	s25 =	simm.s32 $0x1B8E;
	s24 =	sld [smem:$0x3FFE];
	[sflag:s23] =	ssyncadd.s32 $0xFFFFFFFF  }
0xa5: {  	s26 =	simm.s32 $execute0_lowered;
	[smem:$0x3FD2] =	sst s25  }
0xa6: {  	s5 =	sshll.u32 s26, $0x1;
	_ =	strace $0x80000049;
	[dreg:$0x1] =	wrdreg $0xFFFFFFFF  }
0xa7: {  	s28 =	simm.s32 $_size_execute0_lowered;
	s3 =	sadd.s32 s3, s5;
	[dreg:$0x0] =	wrdreg $0x0  }
0xa8: {  	s5 =	sshll.u32 s28, $0x1;
	[dreg:$0x2] =	wrdreg s3  }
0xa9: {  	[dreg:$0x3] =	wrdreg s5  }
0xaa: {  	[dreg:$0x4] =	wrdreg $0xC0  }
0xab: {  	_ =	task [dreg:s7], $0x5FFFF  }
0xac: {  	[dreg:$0x1] =	wrdreg $0xFFFFFFFF  }
0xad: {  	[dreg:$0x0] =	wrdreg $0x60  }
0xae: {  	[dreg:$0x2] =	wrdreg s24  }
0xaf: {  	[dreg:$0x3] =	wrdreg s2  }
0xb0: {  	[dreg:$0x4] =	wrdreg $0xAE200  }
0xb1: {  	[dreg:$0x5] =	wrdreg $0x9  }
0xb2: {  	_ =	task.clear_ibuf [dreg:s7], $0x6FFFF;
	_ =	strace $0x90000049  }
0xb3: {  	s29 =	simm.s32 $0x9;
	_ =	strace $0x8000004B  }
0xb4: {  	_ =	swait.ge [sflag:s29], $0x1  }
0xb5: {  	[sflag:s29] =	ssyncadd.s32 $0xFFFFFFFF  }
0xb6: {  	_ =	strace $0x9000004B  }
0xb7: {  	_ =	sfence  }
0xb8: {  	s30 =	sld [smem:$0x0];
	_ =	sdelay $0x2  }
0xb9: {  	s31 =	sshll.u32 s1, $0xD;
	s1 =	sshrl.u32 s1, $0x2  }
0xba: {  	s3 =	sand.u32 $0x4000, s31;
	s1 =	sadd.s32 s1, s30  }
0xbb: {  	s0 =	sor.u32 s3, s0;
	s1 =	sshll.u32 s1, $0x11  }
0xbc: {  	s0 =	sor.u32 s1, s0  }
0xbd: {  	s0 =	sadd.s32 $0x8F2B, s0  }
0xbe: {  	[sflag:s0] =	ssyncadd.remote.s32 $0x1  }
0xbf: {  	_ =	sfence.sel $0xFFFF  }
0xc0: {  	[dreg:$0x0] =	wrdreg $0xFFFFFFFF;
	(pc) =	sbr.abs _section_cstart, $3  }
0xc1: {  	[dreg:$0x1] =	wrdreg $0xFFFFFFFF  }
0xc2: {  	_ =	task.clear_ibuf [dreg:s7], $0x2FFFF;
	_ =	strace $0x9FFFFFFF  }
0xc3: {  	(tm) =	ssettm $0x7FFFFFFF  }
tec
execute0_lowered:
.L_overlay_start_1:
0x0: {  	(tag) =	ssettag $0x1  }
0x1: {  	s0 =	srdreg.scid  }
0x2: {  	s5 =	stileid.u32;
	s1 =	rddreg [dreg:$0x0]  }
0x3: {  	s2 =	rddreg [dreg:$0x1];
	s15 =	simm.s32 $0x9E20;
	s16 =	simm.s32 $0x5  }
0x4: {  	s18 =	simm.s32 $0x7D;
	s19 =	simm.s32 $0x5000;
	s20 =	simm.s32 $0x5FA0  }
0x5: {  	s21 =	simm.s32 $0x1;
	s28 =	simm.s32 $0x3;
	s29 =	simm.s32 $0x4  }
0x6: {  	s0 =	sand.u32 $0x1, s0;
	s3 =	sshll.u32 s5, $0x1;
	s7 =	smul.u32 $0x5000, s5  }
0x7: {  	s9 =	smul.u32 $0x14000, s5;
	s5 =	sadd.s32 $0x15800, s1;
	s4 =	sor.u32 s0, s3  }
0x8: {  	s3 =	rddreg [dreg:$0x2];
	s8 =	smul.u32 $0x50000, s0;
	s0 =	ssub.s32 $0x2, s0  }
0x9: {  	s6 =	smul.u32 $0x500, s4;
	s4 =	simm.s32 $0x0;
	s23 =	sshrl.u32 s9, $0x2  }
0xa: {  	s24 =	sshrl.u32 s0, $0x1;
	[smem:$0x7FF] =	sst s4;
	s22 =	sadd.s32 s7, s8  }
0xb: {  	s8 =	sadd.s32 s23, s3;
	s0 =	ssub.s32 s0, s24;
	s23 =	simm.s32 $0x86B0  }
0xc: {  	s24 =	simm.s32 $0x6770;
	_ =	strace $0x8000004A;
	s10 =	sadd.s32 s6, s1  }
0xd: {  	s6 =	sshrl.u32 s22, $0x3;
	s25 =	sadd.s32 $0x1000, s8;
	s26 =	sadd.s32 $0x2000, s8  }
0xe: {  	s30 =	sadd.s32 $0x3000, s8;
	s31 =	sadd.s32 $0x4000, s8;
	[dreg:$0x4] =	wrdreg s25  }
0xf: {  	s14 =	smax.u32 s0, $0x1;
	s22 =	simm.s32 $0x7710;
	[dreg:$0x5] =	wrdreg s26  }
0x10: {  	s1 =	sadd.s32 s6, s1;
	s6 =	sadd.s32 s7, s3;
	[dreg:$0x6] =	wrdreg s30  }
0x11: {  	[dreg:$0x7] =	wrdreg s31;
	s11 =	sadd.s32 $0xB800, s10;
	s12 =	sadd.s32 $0x1800, s10  }
0x12: {  	v0 =	vimm.f32 $0.0e+00;
	vm0 =	vmmov $0x1;
	s25 =	simm.s32 $0x2;
	s26 =	simm.s32 $0x8E80;
	s13 =	sadd.s32 $0x1F600, s1  }
.LBB2_1:
0x13: {  	s0 =	simm.s32 $0x80;
	s1 =	simm.s32 $0x0  }
.LBB2_2:
0x14: {  	p0 =	sne.s32 s0, $0x3F80;
	[tilespmem:s1+$0x9E20] =	vst v0;
	s7 =	smov.u32 s0;
	s0 =	sadd.s32 $0x80, s0  }
.Ltmp0:
0x15: {  	[tilespmem:s1+$0x9E30] =	vst v0;
	(pc) =	sbr.rel @p0 .LBB2_2-.Ltmp0, $2  }
0x16: {  	_ =	sdelay $0x2  }
0x17: {  	s1 =	sshra.s32 s7, $0x2  }
0x18: {  	[tilespmem:s1+$0x9E20] =	vst v0  }
0x19: {  	[tilespmem:s1+$0x9E30] =	vst v0  }
0x1a: {  	[spmem:s6] =	stream.linear.scatter [tilespmem:s15], [sflag:$0x5], $0x1000, $0x38;
	[tilespmem:$0xFE20] =	vst v63  }
0x1b: {  	_ =	swait.ge [sflag:s16], $0x1000  }
0x1c: {  	[sflag:s16] =	ssyncset.done $0x0  }
0x1d: {  	s0 =	rddreg [dreg:$0x4];
	[sflag:s16] =	ssyncadd.s32 $0xFFFFF000  }
0x1e: {  	[spmem:s0] =	stream.linear.scatter [tilespmem:s15], [sflag:$0x5], $0x1000, $0x38;
	[tilespmem:$0xFE20] =	vst v63  }
0x1f: {  	_ =	swait.ge [sflag:s16], $0x1000  }
0x20: {  	[sflag:s16] =	ssyncset.done $0x0  }
0x21: {  	s9 =	rddreg [dreg:$0x5];
	[sflag:s16] =	ssyncadd.s32 $0xFFFFF000  }
0x22: {  	[spmem:s9] =	stream.linear.scatter [tilespmem:s15], [sflag:$0x5], $0x1000, $0x38;
	[tilespmem:$0xFE20] =	vst v63  }
0x23: {  	_ =	swait.ge [sflag:s16], $0x1000  }
0x24: {  	[sflag:s16] =	ssyncset.done $0x0  }
0x25: {  	s10 =	rddreg [dreg:$0x6];
	[sflag:s16] =	ssyncadd.s32 $0xFFFFF000  }
0x26: {  	[spmem:s10] =	stream.linear.scatter [tilespmem:s15], [sflag:$0x5], $0x1000, $0x38;
	[tilespmem:$0xFE20] =	vst v63  }
0x27: {  	_ =	swait.ge [sflag:s16], $0x1000  }
0x28: {  	[sflag:s16] =	ssyncset.done $0x0  }
0x29: {  	s17 =	rddreg [dreg:$0x7];
	[sflag:s16] =	ssyncadd.s32 $0xFFFFF000  }
0x2a: {  	[spmem:s17] =	stream.linear.scatter [tilespmem:s15], [sflag:$0x5], $0x1000, $0x38;
	[tilespmem:$0xFE20] =	vst v63  }
0x2b: {  	_ =	swait.ge [sflag:s16], $0x1000  }
0x2c: {  	[sflag:s16] =	ssyncset.done $0x0  }
0x2d: {  	[sflag:s16] =	ssyncadd.s32 $0xFFFFF000  }
0x2e: {  	s30 =	simm.s32 $0x0;
	[bflag:$0x0] =	sbarrier.arrive $0xFFFF  }
0x2f: {  	[tilespmem:s30], [sflag:$0x5] =	stream.linear.gather [hbm4b:s11+s30], $0x2800, $0x38;
	[tilespmem:$0xFE20] =	vst v63  }
0x30: {  	_ =	swait.ge [sflag:s16], $0x2800  }
0x31: {  	[sflag:s16] =	ssyncset.done $0x0  }
0x32: {  	s31 =	simm.s32 $0x2800;
	[sflag:s16] =	ssyncadd.s32 $0xFFFFD800  }
0x33: {  	[tilespmem:s31], [sflag:$0x5] =	stream.linear.gather [hbm4b:s12+s30], $0x2800, $0x38;
	[tilespmem:$0xFE20] =	vst v63  }
0x34: {  	_ =	swait.ge [sflag:s16], $0x2800  }
0x35: {  	[sflag:s16] =	ssyncset.done $0x0  }
0x36: {  	[sflag:s16] =	ssyncadd.s32 $0xFFFFD800  }
0x37: {  	[tilespmem:s19], [sflag:$0x1] =	stream.indirect.gather [hbm4b:s5+s18], $0x20, s30, s18, $0xb8;
	[tilespmem:$0xFE20] =	vst v63  }
0x38: {  	_ = 	snop  }
0x39: {  	[tilespmem:s20], [sflag:$0x1] =	stream.indirect.gather [hbm4b:s2+s18], $0x10, s31, s18, $0xb8;
	[tilespmem:$0xFE20] =	vst v63  }
.LBB2_4:
0x3a: {  	_ =	swait.ge [sflag:s21], $0xFA0  }
0x3b: {  	[sflag:s21] =	ssyncset.done $0x0  }
0x3c: {  	[sflag:s21] =	ssyncadd.s32 $0xFFFFF060  }
0x3d: {  	_ =	swait.ge [sflag:s21], $0x7D0  }
0x3e: {  	s0 =	sshllo.u32 s30, $0x1;
	[sflag:s21] =	ssyncset.done $0x0  }
0x3f: {  	s31 =	sshll.u32 s0, $0x7;
	[sflag:s21] =	ssyncadd.s32 $0xFFFFF830  }
0x40: {  	[tilespmem:s22], [sflag:$0x2] =	stream.indirect.gather [hbm4b:s5+s18], $0x20, s31, s18, $0xb8;
	[tilespmem:$0xFE20] =	vst v63  }
0x41: {  	p0 =	seq.s32 s30, $0x0;
	s0 =	sadd.s32 $0x2800, s31  }
0x42: {  	[tilespmem:s23], [sflag:$0x2] =	stream.indirect.gather [hbm4b:s2+s18], $0x10, s0, s18, $0xb8;
	[tilespmem:$0xFE20] =	vst v63  }
0x43: {  	s0 =	simm.s32 @!p0 $0x3  }
0x44: {  	_ =	swait.ge @!p0 [sflag:s0], $0xFA0  }
0x45: {  	[sflag:s0] =	ssyncset.done @!p0 $0x0  }
0x46: {  	s9 =	simm.s32 $0x5100;
	[sflag:s0] =	ssyncadd.s32 @!p0 $0xFFFFF060  }
0x47: {  	s1 =	simm.s32 $0x6020;
	v1 =	vld [tilespmem:s9+$0xF0]  }
0x48: {  	v2 =	vld [tilespmem:s1+$0x70]  }
0x49: {  	v3 =	vld [tilespmem:s1+$0xFFFFFF80]  }
0x4a: {  	v4 =	vld [tilespmem:s9+$0xFFFFFF30]  }
0x4b: {  	v5 =	vld [tilespmem:s1+$0xFFFFFF90]  }
0x4c: {  	v6 =	vld [tilespmem:s9+$0xFFFFFF50]  }
0x4d: {  	v7 =	vld [tilespmem:s1+$0xFFFFFFA0]  }
0x4e: {  	v8 =	vld [tilespmem:s1+$0xFFFFFFB0]  }
0x4f: {  	v10 =	vld [tilespmem:s9+$0xFFFFFF90]  }
0x50: {  	v11 =	vld [tilespmem:s1+$0xFFFFFFC0];
	v1 =	vadd.f32 v2, v1  }
0x51: {  	v2 =	vld [tilespmem:s9+$0xFFFFFF70]  }
0x52: {  	v13 =	vld [tilespmem:s9+$0xFFFFFFF0];
	v4 =	vadd.f32 v5, v4;
	v9 =	vmul.f32 $2.000000030e-01, v1  }
0x53: {  	v14 =	vld [tilespmem:s1+$0xFFFFFFF0]  }
0x54: {  	v5 =	vld [tilespmem:s1+$0xFFFFFFD0];
	v6 =	vadd.f32 v7, v6;
	v12 =	vmul.f32 $2.000000030e-01, v4;
	v1 =	vmax.f32 v1, v9  }
0x55: {  	v7 =	vld [tilespmem:s9+$0xFFFFFFD0];
	v1 =	vmul.f32 $1.442695020e+00, v1  }
0x56: {  	v9 =	vld [tilespmem:s9+$0xFFFFFFB0];
	v4 =	vmax.f32 v4, v12;
	v2 =	vadd.f32 v8, v2;
	v8 =	vmul.f32 $2.000000030e-01, v6  }
0x57: {  	v4 =	vmul.f32 $1.442695020e+00, v4;
	(erf) = vpow2.f32 v1;
	v1 =	vld [tilespmem:s1+$0xFFFFFFE0]  }
0x58: {  	v6 =	vmax.f32 v6, v8;
	v8 =	vadd.f32 v11, v10;
	v10 =	vld [tilespmem:s9+$0x10]  }
0x59: {  	(erf) = vpow2.f32 v4;
	v4 =	vld [tilespmem:s1+$0x0]  }
0x5a: {  	v20 =	vld [tilespmem:s9+$0xFFFFFF10];
	v12 =	vmul.f32 $2.000000030e-01, v2  }
0x5b: {  	v5 =	vadd.f32 v5, v9;
	v9 =	vld [tilespmem:s9+$0xE0];
	v11 =	vmul.f32 $2.000000030e-01, v8  }
0x5c: {  	v6 =	vmul.f32 $1.442695020e+00, v6;
	v2 =	vmax.f32 v2, v12;
	v12 =	vld [tilespmem:s9+$0x30];
	v1 =	vadd.f32 v1, v7  }
0x5d: {  	v2 =	vmul.f32 $1.442695020e+00, v2;
	v8 =	vmax.f32 v8, v11;
	v11 =	vld [tilespmem:s1+$0x10];
	v7 =	vmul.f32 $2.000000030e-01, v5  }
0x5e: {  	(erf) = vpow2.f32 v6;
	v4 =	vadd.f32 v4, v10;
	v10 =	vld [tilespmem:s9+$0x70];
	v6 =	vmul.f32 $2.000000030e-01, v1  }
0x5f: {  	v8 =	vmul.f32 $1.442695020e+00, v8;
	v5 =	vmax.f32 v5, v7;
	v7 =	vadd.f32 v14, v13;
	v13 =	vld [tilespmem:s9+$0x50]  }
0x60: {  	(erf) = vpow2.f32 v2;
	v1 =	vmax.f32 v1, v6;
	v6 =	vld [tilespmem:s1+$0x20]  }
0x61: {  	(erf) = vpow2.f32 v8;
	v8 =	vld [tilespmem:s1+$0x30];
	v2 =	vpop (erf);
	v14 =	vmul.f32 $2.000000030e-01, v7  }
0x62: {  	v18 =	vld [tilespmem:s1+$0x60];
	v5 =	vmul.f32 $1.442695020e+00, v5;
	v11 =	vadd.f32 v11, v12;
	v9 =	vmul.f32 v2, v9  }
0x63: {  	v12 =	vld [tilespmem:s9+$0x90];
	v1 =	vmul.f32 $1.442695020e+00, v1;
	v7 =	vmax.f32 v7, v14;
	v14 =	vmul.f32 $2.000000030e-01, v4  }
0x64: {  	v3 =	vadd.f32 v3, v20;
	(erf) = vpow2.f32 v5;
	v5 =	vmul.f32 $1.442695020e+00, v7;
	v7 =	vld [tilespmem:s1+$0x40]  }
0x65: {  	v4 =	vmax.f32 v4, v14;
	v14 =	vmul.f32 $2.000000030e-01, v11;
	v6 =	vadd.f32 v6, v13;
	v13 =	vld [tilespmem:s9+$0xB0]  }
0x66: {  	v15 =	vpop (erf);
	(erf) = vpow2.f32 v1;
	v8 =	vadd.f32 v8, v10;
	v1 =	vmul.f32 $1.442695020e+00, v4;
	v4 =	vld [tilespmem:s1+$0x50]  }
0x67: {  	v10 =	vld [tilespmem:s9+$0xD0];
	(erf) = vpow2.f32 v5;
	v11 =	vmax.f32 v11, v14;
	v14 =	vmul.f32 $2.000000030e-01, v6  }
0x68: {  	v2 =	vnsel vm0, $0x0, v2;
	v17 =	vpop (erf);
	v11 =	vmul.f32 $1.442695020e+00, v11;
	(erf) = vpow2.f32 v1  }
0x69: {  	s0 =	simm.s32 $0x6870;
	v7 =	vadd.f32 v7, v12;
	v6 =	vmax.f32 v6, v14;
	v14 =	vmul.f32 $2.000000030e-01, v8  }
0x6a: {  	v16 =	vnsel vm0, $0x0, v15;
	[tilespmem:s0+$0xF0] =	vst v2;
	v5 =	vnsel vm0, $0x0, v17;
	v19 =	vpop (erf);
	(erf) = vpow2.f32 v11  }
0x6b: {  	[tilespmem:s0+$0xE0] =	vst v9;
	v11 =	vld [tilespmem:s9+$0xFFFFFF20];
	v2 =	vadd.f32 v4, v13;
	v8 =	vmax.f32 v8, v14;
	v14 =	vmul.f32 $2.000000030e-01, v7  }
0x6c: {  	v9 =	vpop (erf);
	v12 =	vnsel vm0, $0x0, v19;
	v10 =	vadd.f32 v18, v10;
	[tilespmem:s0+$0xFFFFFF30] =	vst v16;
	v16 =	vld [tilespmem:s9+$0xFFFFFF80];
	v6 =	vmul.f32 $1.442695020e+00, v6  }
0x6d: {  	v4 =	vld [tilespmem:s9+$0xFFFFFF40];
	v13 =	vnsel vm0, $0x0, v9;
	[tilespmem:s0+$0xFFFFFF50] =	vst v5;
	v8 =	vmul.f32 $1.442695020e+00, v8;
	v5 =	vmul.f32 $2.000000030e-01, v2  }
0x6e: {  	v63 =	vld [tilespmem:s9+$0x0];
	v62 =	vmul.f32 $2.000000030e-01, v10;
	(erf) = vpow2.f32 v6;
	v7 =	vmax.f32 v7, v14  }
0x6f: {  	v6 =	vld [tilespmem:s9+$0xFFFFFF60];
	(erf) = vpow2.f32 v8;
	v7 =	vmul.f32 $1.442695020e+00, v7;
	v2 =	vmax.f32 v2, v5;
	v14 =	vpop (erf)  }
0x70: {  	[tilespmem:s0+$0xFFFFFF90] =	vst v13;
	v13 =	vld [tilespmem:s9+$0xFFFFFFC0];
	v5 =	vmul.f32 $2.000000030e-01, v3;
	v11 =	vmul.f32 v15, v11;
	v18 =	vnsel vm0, $0x0, v14  }
0x71: {  	[tilespmem:s0+$0xFFFFFF70] =	vst v12;
	v10 =	vmax.f32 v10, v62;
	v8 =	vld [tilespmem:s9+$0xFFFFFFA0];
	v9 =	vmul.f32 v9, v16;
	v2 =	vmul.f32 $1.442695020e+00, v2  }
0x72: {  	v15 =	vld [tilespmem:s9+$0xFFFFFFE0];
	v12 =	vpop (erf);
	(erf) = vpow2.f32 v7;
	v3 =	vmax.f32 v3, v5;
	v5 =	vmul.f32 $1.442695020e+00, v10;
	[tilespmem:s0+$0xFFFFFF20] =	vst v11  }
0x73: {  	v1 =	vld [tilespmem:s9+$0xFFFFFF00];
	[tilespmem:s0+$0xFFFFFFB0] =	vst v18;
	v11 =	vmul.f32 $1.442695020e+00, v3;
	v18 =	vpop (erf);
	(erf) = vpow2.f32 v2  }
0x74: {  	v10 =	vld [tilespmem:s9+$0x20];
	[tilespmem:s0+$0xFFFFFF80] =	vst v9;
	v6 =	vmul.f32 v19, v6;
	v2 =	vnsel vm0, $0x0, v18  }
0x75: {  	v4 =	vmul.f32 v17, v4;
	v17 =	vpop (erf);
	(erf) = vpow2.f32 v5;
	[tilespmem:s0+$0xFFFFFFF0] =	vst v2;
	v2 =	vld [tilespmem:s9+$0x40]  }
0x76: {  	v7 =	vld [tilespmem:s9+$0x60];
	[tilespmem:s0+$0xFFFFFF60] =	vst v6;
	v6 =	vmul.f32 v14, v8;
	v19 =	vpop (erf);
	(erf) = vpow2.f32 v11  }
0x77: {  	v21 =	vnsel vm0, $0x0, v12;
	[tilespmem:s0+$0xFFFFFF40] =	vst v4;
	v8 =	vld [tilespmem:s9+$0x80];
	v14 =	vmul.f32 v12, v13;
	v15 =	vmul.f32 v18, v15;
	v11 =	vpop (erf)  }
0x78: {  	s17 =	sshll.u32 s30, $0x1;
	v9 =	vld [tilespmem:s9+$0xA0];
	[tilespmem:s0+$0xFFFFFFD0] =	vst v21;
	v3 =	vnsel vm0, $0x0, v17;
	v13 =	vmul.f32 v17, v63;
	v4 =	vnsel vm0, $0x0, v19;
	v16 =	vpop (erf)  }
0x79: {  	s8 =	simm.s32 $0x0;
	s7 =	simm.s32 $0x66A0;
	[tilespmem:s0+$0xFFFFFFA0] =	vst v6;
	v12 =	vmul.f32 v19, v10;
	v10 =	vld [tilespmem:s9+$0xC0];
	s9 =	simm.s32 $0x5300;
	v5 =	vnsel vm0, $0x0, v11;
	v6 =	vnsel vm0, $0x0, v16  }
.LBB2_5:
0x7a: {  	v17 =	vld [tilespmem:s9+$0xF0];
	[tilespmem:s0+$0xFFFFFFC0] =	vst v14;
	v11 =	vmul.f32 v11, v2;
	s1 =	sadd.s32 $0x100, s1  }
0x7b: {  	s8 =	sadd.s32 $0x10, s8;
	v14 =	vld [tilespmem:s1+$0x70];
	[tilespmem:s0+$0xFFFFFFE0] =	vst v15;
	v7 =	vmul.f32 v16, v7;
	v15 =	vpop (erf)  }
0x7c: {  	p1 =	slt.u32 s8, $0x60;
	v2 =	vld [tilespmem:s1+$0xFFFFFF80];
	[tilespmem:s0+$0x0] =	vst v13;
	v8 =	vmul.f32 v15, v8;
	v13 =	vnsel vm0, $0x0, v15;
	v15 =	vpop (erf)  }
0x7d: {  	v16 =	vld [tilespmem:s9+$0xFFFFFF30];
	[tilespmem:s0+$0x20] =	vst v12;
	v9 =	vmul.f32 v15, v9;
	v12 =	vnsel vm0, $0x0, v15  }
0x7e: {  	v15 =	vld [tilespmem:s1+$0xFFFFFF90];
	[tilespmem:s0+$0x40] =	vst v11;
	v11 =	vpop (erf)  }
0x7f: {  	v18 =	vld [tilespmem:s9+$0xFFFFFF50];
	[tilespmem:s0+$0x60] =	vst v7;
	v7 =	vmul.f32 v11, v10;
	v10 =	vnsel vm0, $0x0, v11;
	v11 =	vpop (erf)  }
0x80: {  	v19 =	vld [tilespmem:s1+$0xFFFFFFA0];
	v14 =	vadd.f32 v14, v17;
	v1 =	vmul.f32 v11, v1;
	v11 =	vnsel vm0, $0x0, v11;
	[tilespmem:s0+$0x80] =	vst v8  }
0x81: {  	v8 =	vld [tilespmem:s9+$0xFFFFFF70];
	[tilespmem:s0+$0xA0] =	vst v9  }
0x82: {  	v9 =	vld [tilespmem:s1+$0xFFFFFFB0];
	v17 =	vmul.f32 $2.000000030e-01, v14;
	[tilespmem:s0+$0xFFFFFF00] =	vst v1  }
0x83: {  	v1 =	vadd.f32 v15, v16;
	v15 =	vld [tilespmem:s9+$0xFFFFFF90];
	[tilespmem:s0+$0xC0] =	vst v7  }
0x84: {  	v7 =	vld [tilespmem:s1+$0xFFFFFFC0];
	v14 =	vmax.f32 v14, v17;
	[tilespmem:s0+$0xFFFFFF10] =	vst v11  }
0x85: {  	v11 =	vmul.f32 $2.000000030e-01, v1;
	v16 =	vadd.f32 v19, v18;
	v17 =	vld [tilespmem:s9+$0xFFFFFFB0];
	v14 =	vmul.f32 $1.442695020e+00, v14;
	[tilespmem:s0+$0x10] =	vst v3  }
0x86: {  	v3 =	vld [tilespmem:s1+$0xFFFFFFD0];
	[tilespmem:s0+$0x30] =	vst v4  }
0x87: {  	v4 =	vmul.f32 $2.000000030e-01, v16;
	v8 =	vadd.f32 v9, v8;
	v9 =	vld [tilespmem:s9+$0xFFFFFFD0];
	(erf) = vpow2.f32 v14;
	[tilespmem:s0+$0x50] =	vst v5  }
0x88: {  	v1 =	vmax.f32 v1, v11;
	v5 =	vld [tilespmem:s1+$0xFFFFFFE0];
	[tilespmem:s0+$0x70] =	vst v6  }
0x89: {  	v4 =	vmax.f32 v16, v4;
	v6 =	vmul.f32 $2.000000030e-01, v8;
	v7 =	vadd.f32 v7, v15;
	v11 =	vld [tilespmem:s9+$0xFFFFFFF0];
	[tilespmem:s0+$0x90] =	vst v13  }
0x8a: {  	v1 =	vmul.f32 $1.442695020e+00, v1;
	v4 =	vmul.f32 $1.442695020e+00, v4;
	v13 =	vld [tilespmem:s1+$0xFFFFFFF0];
	[tilespmem:s0+$0xB0] =	vst v12  }
0x8b: {  	v6 =	vmax.f32 v8, v6;
	v8 =	vmul.f32 $2.000000030e-01, v7;
	v3 =	vadd.f32 v3, v17;
	v12 =	vld [tilespmem:s9+$0x10];
	[tilespmem:s0+$0xD0] =	vst v10  }
0x8c: {  	v6 =	vmul.f32 $1.442695020e+00, v6;
	v10 =	vld [tilespmem:s9+$0xE0];
	(erf) = vpow2.f32 v1  }
0x8d: {  	v1 =	vmax.f32 v7, v8;
	v7 =	vmul.f32 $2.000000030e-01, v3;
	v5 =	vadd.f32 v5, v9;
	v8 =	vld [tilespmem:s1+$0x0]  }
0x8e: {  	v1 =	vmul.f32 $1.442695020e+00, v1;
	v9 =	vld [tilespmem:s9+$0x30];
	(erf) = vpow2.f32 v4  }
0x8f: {  	v3 =	vmax.f32 v3, v7;
	v4 =	vmul.f32 $2.000000030e-01, v5;
	v7 =	vadd.f32 v13, v11;
	v11 =	vld [tilespmem:s1+$0x10]  }
0x90: {  	v3 =	vmul.f32 $1.442695020e+00, v3;
	v13 =	vld [tilespmem:s9+$0x50];
	(erf) = vpow2.f32 v6;
	v6 =	vpop (erf)  }
0x91: {  	v4 =	vmax.f32 v5, v4;
	v5 =	vmul.f32 $2.000000030e-01, v7;
	v14 =	vld [tilespmem:s1+$0x20];
	v10 =	vmul.f32 v6, v10  }
0x92: {  	s0 =	sadd.s32 $0x200, s0;
	v4 =	vmul.f32 $1.442695020e+00, v4;
	v8 =	vadd.f32 v8, v12;
	v12 =	vld [tilespmem:s9+$0x70];
	(erf) = vpow2.f32 v1  }
0x93: {  	s10 =	simm.s32 $0x0;
	v6 =	vnsel vm0, $0x0, v6;
	v1 =	vmax.f32 v7, v5;
	v5 =	vld [tilespmem:s1+$0x30];
	[tilespmem:s0+$0xE0] =	vst v10;
	(erf) = vpow2.f32 v3  }
0x94: {  	v1 =	vmul.f32 $1.442695020e+00, v1;
	v3 =	vmul.f32 $2.000000030e-01, v8;
	v7 =	vadd.f32 v11, v9;
	v9 =	vld [tilespmem:s9+$0x90];
	[tilespmem:s0+$0xF0] =	vst v6  }
0x95: {  	v6 =	vld [tilespmem:s1+$0x40];
	v10 =	vpop (erf);
	(erf) = vpow2.f32 v4  }
0x96: {  	v3 =	vmax.f32 v8, v3;
	v4 =	vmul.f32 $2.000000030e-01, v7;
	v8 =	vadd.f32 v14, v13;
	v11 =	vld [tilespmem:s9+$0xB0]  }
0x97: {  	v13 =	vnsel vm0, $0x0, v10;
	v3 =	vmul.f32 $1.442695020e+00, v3;
	v14 =	vld [tilespmem:s1+$0x50];
	v15 =	vpop (erf);
	(erf) = vpow2.f32 v1  }
0x98: {  	v1 =	vmax.f32 v7, v4;
	v4 =	vmul.f32 $2.000000030e-01, v8;
	v5 =	vadd.f32 v5, v12;
	v7 =	vld [tilespmem:s9+$0xD0]  }
0x99: {  	v12 =	vnsel vm0, $0x0, v15;
	v16 =	vmul.f32 $1.442695020e+00, v1;
	v17 =	vld [tilespmem:s1+$0x60];
	v18 =	vpop (erf);
	(erf) = vpow2.f32 v3  }
0x9a: {  	v3 =	vld [tilespmem:s9+$0xFFFFFF10];
	v4 =	vmax.f32 v8, v4;
	v8 =	vmul.f32 $2.000000030e-01, v5;
	v6 =	vadd.f32 v6, v9  }
0x9b: {  	v9 =	vnsel vm0, $0x0, v18;
	v1 =	vld [tilespmem:s9+$0xFFFFFF00];
	v4 =	vmul.f32 $1.442695020e+00, v4;
	v19 =	vpop (erf);
	(erf) = vpow2.f32 v16  }
0x9c: {  	v16 =	vld [tilespmem:s9+$0xFFFFFF20];
	[tilespmem:s0+$0xFFFFFF30] =	vst v13;
	v5 =	vmax.f32 v5, v8;
	v8 =	vmul.f32 $2.000000030e-01, v6;
	v11 =	vadd.f32 v14, v11;
	v13 =	vpop (erf)  }
0x9d: {  	v14 =	vld [tilespmem:s9+$0xFFFFFF40];
	[tilespmem:s0+$0xFFFFFF50] =	vst v12;
	v12 =	vnsel vm0, $0x0, v19;
	v5 =	vmul.f32 $1.442695020e+00, v5;
	(erf) = vpow2.f32 v4  }
0x9e: {  	v4 =	vld [tilespmem:s9+$0xFFFFFF60];
	[tilespmem:s0+$0xFFFFFF70] =	vst v9;
	v6 =	vmax.f32 v6, v8;
	v8 =	vmul.f32 $2.000000030e-01, v11;
	v7 =	vadd.f32 v17, v7;
	v9 =	vpop (erf)  }
0x9f: {  	v2 =	vadd.f32 v2, v3;
	v17 =	vld [tilespmem:s9+$0xFFFFFF80];
	[tilespmem:s0+$0xFFFFFF90] =	vst v12;
	v3 =	vmul.f32 $1.442695020e+00, v6;
	(erf) = vpow2.f32 v5  }
0xa0: {  	v6 =	vnsel vm0, $0x0, v13;
	v5 =	vld [tilespmem:s9+$0xFFFFFFA0];
	v8 =	vmax.f32 v11, v8;
	v11 =	vmul.f32 $2.000000030e-01, v7;
	v12 =	vpop (erf)  }
0xa1: {  	v22 =	vnsel vm0, $0x0, v9;
	v20 =	vmul.f32 $2.000000030e-01, v2;
	[tilespmem:s0+$0xFFFFFFB0] =	vst v6;
	v6 =	vld [tilespmem:s9+$0xFFFFFFC0];
	v8 =	vmul.f32 $1.442695020e+00, v8  }
0xa2: {  	v10 =	vmul.f32 v10, v16;
	[tilespmem:s0+$0xFFFFFFD0] =	vst v22;
	v16 =	vld [tilespmem:s9+$0xFFFFFFE0];
	v7 =	vmax.f32 v7, v11;
	v21 =	vpop (erf);
	(erf) = vpow2.f32 v3  }
0xa3: {  	v2 =	vmax.f32 v2, v20;
	v20 =	vld [tilespmem:s9+$0x0];
	v7 =	vmul.f32 $1.442695020e+00, v7;
	(erf) = vpow2.f32 v8  }
0xa4: {  	v8 =	vmul.f32 $1.442695020e+00, v2;
	[tilespmem:s0+$0xFFFFFF20] =	vst v10;
	v10 =	vmul.f32 v15, v14;
	v2 =	vnsel vm0, $0x0, v12;
	v22 =	vld [tilespmem:s9+$0x20];
	v23 =	vpop (erf)  }
.Ltmp1:
0xa5: {  	v3 =	vnsel vm0, $0x0, v21;
	v14 =	vmul.f32 v18, v4;
	[tilespmem:s0+$0xFFFFFFF0] =	vst v2;
	v2 =	vld [tilespmem:s9+$0x40];
	(erf) = vpow2.f32 v7;
	(pc) =	sbr.rel @p1 .LBB2_5-.Ltmp1, $4  }
0xa6: {  	v4 =	vnsel vm0, $0x0, v23;
	[tilespmem:s0+$0xFFFFFF40] =	vst v10;
	v10 =	vmul.f32 v19, v17;
	v7 =	vld [tilespmem:s9+$0x60];
	(erf) = vpow2.f32 v8;
	v11 =	vpop (erf)  }
0xa7: {  	v17 =	vmul.f32 v13, v5;
	[tilespmem:s0+$0xFFFFFF60] =	vst v14;
	v14 =	vmul.f32 v9, v6;
	v5 =	vnsel vm0, $0x0, v11;
	v8 =	vld [tilespmem:s9+$0x80]  }
0xa8: {  	v15 =	vmul.f32 v12, v16;
	[tilespmem:s0+$0xFFFFFF80] =	vst v10;
	v13 =	vmul.f32 v21, v20;
	v9 =	vld [tilespmem:s9+$0xA0];
	v16 =	vpop (erf)  }
0xa9: {  	[tilespmem:s0+$0xFFFFFFA0] =	vst v17;
	v12 =	vmul.f32 v23, v22;
	v6 =	vnsel vm0, $0x0, v16;
	v10 =	vld [tilespmem:s9+$0xC0];
	s9 =	sadd.s32 $0x200, s9  }
0xaa: {  	[tilespmem:s0+$0xFFFFFFC0] =	vst v14  }
0xab: {  	[tilespmem:s0+$0xFFFFFFE0] =	vst v15  }
0xac: {  	[tilespmem:s0+$0x0] =	vst v13  }
0xad: {  	[tilespmem:s0+$0x10] =	vst v3  }
0xae: {  	[tilespmem:s0+$0x30] =	vst v4  }
0xaf: {  	[tilespmem:s0+$0x50] =	vst v5  }
0xb0: {  	v2 =	vmul.f32 v11, v2;
	[tilespmem:s0+$0x70] =	vst v6  }
0xb1: {  	v60 =	vpop (erf);
	v7 =	vmul.f32 v16, v7;
	[tilespmem:s0+$0x20] =	vst v12  }
0xb2: {  	v8 =	vmul.f32 v60, v8;
	[tilespmem:s0+$0x40] =	vst v2  }
0xb3: {  	v61 =	vpop (erf);
	[tilespmem:s0+$0x60] =	vst v7  }
0xb4: {  	v9 =	vmul.f32 v61, v9;
	v3 =	vnsel vm0, $0x0, v61;
	v2 =	vpop (erf);
	[tilespmem:s0+$0x80] =	vst v8  }
0xb5: {  	[tilespmem:s0+$0xB0] =	vst v3;
	v62 =	vpop (erf);
	v63 =	vmul.f32 v2, v10  }
0xb6: {  	[tilespmem:s0+$0xA0] =	vst v9;
	v1 =	vmul.f32 v62, v1  }
0xb7: {  	[tilespmem:s0+$0xC0] =	vst v63  }
0xb8: {  	[tilespmem:s0+$0xFFFFFF00] =	vst v1;
	v1 =	vnsel vm0, $0x0, v62  }
0xb9: {  	[tilespmem:s0+$0xFFFFFF10] =	vst v1;
	v1 =	vnsel vm0, $0x0, v60  }
0xba: {  	[tilespmem:s0+$0x90] =	vst v1;
	v1 =	vnsel vm0, $0x0, v2  }
0xbb: {  	[tilespmem:s0+$0xD0] =	vst v1  }
.LBB2_7:
0xbc: {  	s0 =	sshra.s32 s10, $0x2;
	v2 =	vld [tilespmem:s7+$0x0]  }
0xbd: {  	v1 =	vld [tilespmem:s0+$0x5E10];
	_ =	sdelay $0x4  }
0xbe: {  	v1 =	vadd.f32 v2, v1;
	_ =	sdelay $0x1  }
0xbf: {  	v2 =	vmul.f32 $2.000000030e-01, v1;
	_ =	sdelay $0x1  }
0xc0: {  	v1 =	vmax.f32 v1, v2  }
0xc1: {  	v1 =	vmul.f32 $1.442695020e+00, v1;
	_ =	sdelay $0x1  }
0xc2: {  	(erf) = vpow2.f32 v1;
	_ =	sdelay $0x4  }
0xc3: {  	v1 =	vld [tilespmem:s0+$0x5E00];
	_ =	sdelay $0x2  }
0xc4: {  	p1 =	sne.s32 s10, $0x600  }
.Ltmp2:
0xc5: {  	v2 =	vpop (erf);
	(pc) =	sbr.rel @p1 .LBB2_7-.Ltmp2, $3  }
0xc6: {  	v1 =	vmul.f32 v2, v1;
	_ =	sdelay $0x1  }
0xc7: {  	[tilespmem:s0+$0x7570] =	vst v1;
	v1 =	vnsel vm0, $0x0, v2  }
0xc8: {  	s7 =	sadd.s32 $0x10, s7;
	s10 =	sadd.s32 $0x80, s10;
	[tilespmem:s0+$0x7580] =	vst v1  }
0xc9: {  	s0 =	sshll.u32 s30, $0x8  }
0xca: {  	s0 =	sand.u32 $0x3FFFFF00, s0  }
0xcb: {  	s0 =	sadd.s32 $0x2800, s0  }
0xcc: {  	[spmem:s3] =	stream.indirect.scatter.add.f32 [tilespmem:s24], [sflag:$0x3], $0x20, s0, s18, $0xb8;
	[tilespmem:$0xFE20] =	vst v63  }
0xcd: {  	_ =	swait.ge [sflag:s25], $0xFA0  }
0xce: {  	[sflag:s25] =	ssyncset.done $0x0  }
0xcf: {  	[sflag:s25] =	ssyncadd.s32 $0xFFFFF060  }
0xd0: {  	s17 =	smin.u32 s17, $0x4D;
	_ =	swait.ge [sflag:s25], $0x7D0  }
0xd1: {  	s0 =	sshll.u32 s17, $0x7;
	[sflag:s25] =	ssyncset.done $0x0  }
0xd2: {  	s1 =	sadd.s32 $0x100, s0;
	[sflag:s25] =	ssyncadd.s32 $0xFFFFF830  }
0xd3: {  	[tilespmem:s19], [sflag:$0x1] =	stream.indirect.gather [hbm4b:s5+s18], $0x20, s1, s18, $0xb8;
	[tilespmem:$0xFE20] =	vst v63  }
0xd4: {  	s0 =	sadd.s32 $0x2900, s0  }
0xd5: {  	[tilespmem:s20], [sflag:$0x1] =	stream.indirect.gather [hbm4b:s2+s18], $0x10, s0, s18, $0xb8;
	[tilespmem:$0xFE20] =	vst v63  }
0xd6: {  	s0 =	simm.s32 @!p0 $0x4  }
0xd7: {  	_ =	swait.ge @!p0 [sflag:s0], $0xFA0  }
0xd8: {  	[sflag:s0] =	ssyncset.done @!p0 $0x0  }
0xd9: {  	s9 =	simm.s32 $0x7810;
	[sflag:s0] =	ssyncadd.s32 @!p0 $0xFFFFF060  }
0xda: {  	s1 =	simm.s32 $0x8730;
	v1 =	vld [tilespmem:s9+$0xF0]  }
0xdb: {  	v2 =	vld [tilespmem:s1+$0x70]  }
0xdc: {  	v3 =	vld [tilespmem:s1+$0xFFFFFF80]  }
0xdd: {  	v4 =	vld [tilespmem:s9+$0xFFFFFF30]  }
0xde: {  	v5 =	vld [tilespmem:s1+$0xFFFFFF90]  }
0xdf: {  	v6 =	vld [tilespmem:s9+$0xFFFFFF50]  }
0xe0: {  	v7 =	vld [tilespmem:s1+$0xFFFFFFA0]  }
0xe1: {  	v8 =	vld [tilespmem:s1+$0xFFFFFFB0]  }
0xe2: {  	v10 =	vld [tilespmem:s9+$0xFFFFFF90]  }
0xe3: {  	v11 =	vld [tilespmem:s1+$0xFFFFFFC0];
	v1 =	vadd.f32 v2, v1  }
0xe4: {  	v2 =	vld [tilespmem:s9+$0xFFFFFF70]  }
0xe5: {  	v13 =	vld [tilespmem:s9+$0xFFFFFFF0];
	v4 =	vadd.f32 v5, v4;
	v9 =	vmul.f32 $2.000000030e-01, v1  }
0xe6: {  	v14 =	vld [tilespmem:s1+$0xFFFFFFF0]  }
0xe7: {  	v5 =	vld [tilespmem:s1+$0xFFFFFFD0];
	v6 =	vadd.f32 v7, v6;
	v12 =	vmul.f32 $2.000000030e-01, v4;
	v1 =	vmax.f32 v1, v9  }
0xe8: {  	v7 =	vld [tilespmem:s9+$0xFFFFFFD0];
	v1 =	vmul.f32 $1.442695020e+00, v1  }
0xe9: {  	v9 =	vld [tilespmem:s9+$0xFFFFFFB0];
	v4 =	vmax.f32 v4, v12;
	v2 =	vadd.f32 v8, v2;
	v8 =	vmul.f32 $2.000000030e-01, v6  }
0xea: {  	v4 =	vmul.f32 $1.442695020e+00, v4;
	(erf) = vpow2.f32 v1;
	v1 =	vld [tilespmem:s1+$0xFFFFFFE0]  }
0xeb: {  	v6 =	vmax.f32 v6, v8;
	v8 =	vadd.f32 v11, v10;
	v10 =	vld [tilespmem:s9+$0x10]  }
0xec: {  	(erf) = vpow2.f32 v4;
	v4 =	vld [tilespmem:s1+$0x0]  }
0xed: {  	v20 =	vld [tilespmem:s9+$0xFFFFFF10];
	v12 =	vmul.f32 $2.000000030e-01, v2  }
0xee: {  	v5 =	vadd.f32 v5, v9;
	v9 =	vld [tilespmem:s9+$0xE0];
	v11 =	vmul.f32 $2.000000030e-01, v8  }
0xef: {  	v6 =	vmul.f32 $1.442695020e+00, v6;
	v2 =	vmax.f32 v2, v12;
	v12 =	vld [tilespmem:s9+$0x30];
	v1 =	vadd.f32 v1, v7  }
0xf0: {  	v2 =	vmul.f32 $1.442695020e+00, v2;
	v8 =	vmax.f32 v8, v11;
	v11 =	vld [tilespmem:s1+$0x10];
	v7 =	vmul.f32 $2.000000030e-01, v5  }
0xf1: {  	(erf) = vpow2.f32 v6;
	v4 =	vadd.f32 v4, v10;
	v10 =	vld [tilespmem:s9+$0x70];
	v6 =	vmul.f32 $2.000000030e-01, v1  }
0xf2: {  	v8 =	vmul.f32 $1.442695020e+00, v8;
	v5 =	vmax.f32 v5, v7;
	v7 =	vadd.f32 v14, v13;
	v13 =	vld [tilespmem:s9+$0x50]  }
0xf3: {  	(erf) = vpow2.f32 v2;
	v1 =	vmax.f32 v1, v6;
	v6 =	vld [tilespmem:s1+$0x20]  }
0xf4: {  	(erf) = vpow2.f32 v8;
	v8 =	vld [tilespmem:s1+$0x30];
	v2 =	vpop (erf);
	v14 =	vmul.f32 $2.000000030e-01, v7  }
0xf5: {  	v18 =	vld [tilespmem:s1+$0x60];
	v5 =	vmul.f32 $1.442695020e+00, v5;
	v11 =	vadd.f32 v11, v12;
	v9 =	vmul.f32 v2, v9  }
0xf6: {  	v12 =	vld [tilespmem:s9+$0x90];
	v1 =	vmul.f32 $1.442695020e+00, v1;
	v7 =	vmax.f32 v7, v14;
	v14 =	vmul.f32 $2.000000030e-01, v4  }
0xf7: {  	v3 =	vadd.f32 v3, v20;
	(erf) = vpow2.f32 v5;
	v5 =	vmul.f32 $1.442695020e+00, v7;
	v7 =	vld [tilespmem:s1+$0x40]  }
0xf8: {  	v4 =	vmax.f32 v4, v14;
	v14 =	vmul.f32 $2.000000030e-01, v11;
	v6 =	vadd.f32 v6, v13;
	v13 =	vld [tilespmem:s9+$0xB0]  }
0xf9: {  	v15 =	vpop (erf);
	(erf) = vpow2.f32 v1;
	v8 =	vadd.f32 v8, v10;
	v1 =	vmul.f32 $1.442695020e+00, v4;
	v4 =	vld [tilespmem:s1+$0x50]  }
0xfa: {  	v10 =	vld [tilespmem:s9+$0xD0];
	(erf) = vpow2.f32 v5;
	v11 =	vmax.f32 v11, v14;
	v14 =	vmul.f32 $2.000000030e-01, v6  }
0xfb: {  	v2 =	vnsel vm0, $0x0, v2;
	v17 =	vpop (erf);
	v11 =	vmul.f32 $1.442695020e+00, v11;
	(erf) = vpow2.f32 v1  }
0xfc: {  	s0 =	simm.s32 $0x8F80;
	v7 =	vadd.f32 v7, v12;
	v6 =	vmax.f32 v6, v14;
	v14 =	vmul.f32 $2.000000030e-01, v8  }
0xfd: {  	v16 =	vnsel vm0, $0x0, v15;
	[tilespmem:s0+$0xF0] =	vst v2;
	v5 =	vnsel vm0, $0x0, v17;
	v19 =	vpop (erf);
	(erf) = vpow2.f32 v11  }
0xfe: {  	[tilespmem:s0+$0xE0] =	vst v9;
	v11 =	vld [tilespmem:s9+$0xFFFFFF20];
	v2 =	vadd.f32 v4, v13;
	v8 =	vmax.f32 v8, v14;
	v14 =	vmul.f32 $2.000000030e-01, v7  }
0xff: {  	v9 =	vpop (erf);
	v12 =	vnsel vm0, $0x0, v19;
	v10 =	vadd.f32 v18, v10;
	[tilespmem:s0+$0xFFFFFF30] =	vst v16;
	v16 =	vld [tilespmem:s9+$0xFFFFFF80];
	v6 =	vmul.f32 $1.442695020e+00, v6  }
0x100: {  	v4 =	vld [tilespmem:s9+$0xFFFFFF40];
	v13 =	vnsel vm0, $0x0, v9;
	[tilespmem:s0+$0xFFFFFF50] =	vst v5;
	v8 =	vmul.f32 $1.442695020e+00, v8;
	v5 =	vmul.f32 $2.000000030e-01, v2  }
0x101: {  	v63 =	vld [tilespmem:s9+$0x0];
	v62 =	vmul.f32 $2.000000030e-01, v10;
	(erf) = vpow2.f32 v6;
	v7 =	vmax.f32 v7, v14  }
0x102: {  	v6 =	vld [tilespmem:s9+$0xFFFFFF60];
	v7 =	vmul.f32 $1.442695020e+00, v7;
	v2 =	vmax.f32 v2, v5;
	v14 =	vpop (erf);
	(erf) = vpow2.f32 v8  }
0x103: {  	[tilespmem:s0+$0xFFFFFF90] =	vst v13;
	v13 =	vld [tilespmem:s9+$0xFFFFFFC0];
	v5 =	vmul.f32 $2.000000030e-01, v3;
	v11 =	vmul.f32 v15, v11;
	v18 =	vnsel vm0, $0x0, v14  }
0x104: {  	[tilespmem:s0+$0xFFFFFF70] =	vst v12;
	v10 =	vmax.f32 v10, v62;
	v9 =	vmul.f32 v9, v16;
	v8 =	vld [tilespmem:s9+$0xFFFFFFA0];
	v2 =	vmul.f32 $1.442695020e+00, v2  }
0x105: {  	v15 =	vld [tilespmem:s9+$0xFFFFFFE0];
	v12 =	vpop (erf);
	(erf) = vpow2.f32 v7;
	v3 =	vmax.f32 v3, v5;
	v5 =	vmul.f32 $1.442695020e+00, v10;
	[tilespmem:s0+$0xFFFFFF20] =	vst v11  }
0x106: {  	v1 =	vld [tilespmem:s9+$0xFFFFFF00];
	[tilespmem:s0+$0xFFFFFFB0] =	vst v18;
	v11 =	vmul.f32 $1.442695020e+00, v3;
	v18 =	vpop (erf);
	(erf) = vpow2.f32 v2  }
0x107: {  	v10 =	vld [tilespmem:s9+$0x20];
	[tilespmem:s0+$0xFFFFFF80] =	vst v9;
	v6 =	vmul.f32 v19, v6;
	v2 =	vnsel vm0, $0x0, v18  }
0x108: {  	v4 =	vmul.f32 v17, v4;
	v17 =	vpop (erf);
	(erf) = vpow2.f32 v5;
	[tilespmem:s0+$0xFFFFFFF0] =	vst v2;
	v2 =	vld [tilespmem:s9+$0x40]  }
0x109: {  	v7 =	vld [tilespmem:s9+$0x60];
	[tilespmem:s0+$0xFFFFFF60] =	vst v6;
	v6 =	vmul.f32 v14, v8;
	v19 =	vpop (erf);
	(erf) = vpow2.f32 v11  }
0x10a: {  	v21 =	vnsel vm0, $0x0, v12;
	[tilespmem:s0+$0xFFFFFF40] =	vst v4;
	v8 =	vld [tilespmem:s9+$0x80];
	v14 =	vmul.f32 v12, v13;
	v15 =	vmul.f32 v18, v15;
	v11 =	vpop (erf)  }
0x10b: {  	v9 =	vld [tilespmem:s9+$0xA0];
	[tilespmem:s0+$0xFFFFFFD0] =	vst v21;
	v3 =	vnsel vm0, $0x0, v17;
	v13 =	vmul.f32 v17, v63;
	v4 =	vnsel vm0, $0x0, v19;
	v16 =	vpop (erf)  }
0x10c: {  	s8 =	simm.s32 $0x0;
	s7 =	simm.s32 $0x8DB0;
	[tilespmem:s0+$0xFFFFFFA0] =	vst v6;
	v12 =	vmul.f32 v19, v10;
	v10 =	vld [tilespmem:s9+$0xC0];
	s9 =	simm.s32 $0x7A10;
	v5 =	vnsel vm0, $0x0, v11;
	v6 =	vnsel vm0, $0x0, v16  }
.LBB2_9:
0x10d: {  	v17 =	vld [tilespmem:s9+$0xF0];
	[tilespmem:s0+$0xFFFFFFC0] =	vst v14;
	v11 =	vmul.f32 v11, v2;
	s1 =	sadd.s32 $0x100, s1  }
0x10e: {  	s8 =	sadd.s32 $0x10, s8;
	v14 =	vld [tilespmem:s1+$0x70];
	[tilespmem:s0+$0xFFFFFFE0] =	vst v15;
	v7 =	vmul.f32 v16, v7;
	v15 =	vpop (erf)  }
0x10f: {  	p0 =	slt.u32 s8, $0x60;
	v2 =	vld [tilespmem:s1+$0xFFFFFF80];
	[tilespmem:s0+$0x0] =	vst v13;
	v8 =	vmul.f32 v15, v8;
	v13 =	vnsel vm0, $0x0, v15;
	v15 =	vpop (erf)  }
0x110: {  	v16 =	vld [tilespmem:s9+$0xFFFFFF30];
	[tilespmem:s0+$0x20] =	vst v12;
	v9 =	vmul.f32 v15, v9;
	v12 =	vnsel vm0, $0x0, v15  }
0x111: {  	v15 =	vld [tilespmem:s1+$0xFFFFFF90];
	[tilespmem:s0+$0x40] =	vst v11;
	v11 =	vpop (erf)  }
0x112: {  	v18 =	vld [tilespmem:s9+$0xFFFFFF50];
	[tilespmem:s0+$0x60] =	vst v7;
	v7 =	vmul.f32 v11, v10;
	v10 =	vnsel vm0, $0x0, v11;
	v11 =	vpop (erf)  }
0x113: {  	v19 =	vld [tilespmem:s1+$0xFFFFFFA0];
	v14 =	vadd.f32 v14, v17;
	v1 =	vmul.f32 v11, v1;
	v11 =	vnsel vm0, $0x0, v11;
	[tilespmem:s0+$0x80] =	vst v8  }
0x114: {  	v8 =	vld [tilespmem:s9+$0xFFFFFF70];
	[tilespmem:s0+$0xA0] =	vst v9  }
0x115: {  	v9 =	vld [tilespmem:s1+$0xFFFFFFB0];
	v17 =	vmul.f32 $2.000000030e-01, v14;
	[tilespmem:s0+$0xFFFFFF00] =	vst v1  }
0x116: {  	v1 =	vadd.f32 v15, v16;
	v15 =	vld [tilespmem:s9+$0xFFFFFF90];
	[tilespmem:s0+$0xC0] =	vst v7  }
0x117: {  	v7 =	vld [tilespmem:s1+$0xFFFFFFC0];
	v14 =	vmax.f32 v14, v17;
	[tilespmem:s0+$0xFFFFFF10] =	vst v11  }
0x118: {  	v11 =	vmul.f32 $2.000000030e-01, v1;
	v16 =	vadd.f32 v19, v18;
	v17 =	vld [tilespmem:s9+$0xFFFFFFB0];
	v14 =	vmul.f32 $1.442695020e+00, v14;
	[tilespmem:s0+$0x10] =	vst v3  }
0x119: {  	v3 =	vld [tilespmem:s1+$0xFFFFFFD0];
	[tilespmem:s0+$0x30] =	vst v4  }
0x11a: {  	v4 =	vmul.f32 $2.000000030e-01, v16;
	v8 =	vadd.f32 v9, v8;
	v9 =	vld [tilespmem:s9+$0xFFFFFFD0];
	(erf) = vpow2.f32 v14;
	[tilespmem:s0+$0x50] =	vst v5  }
0x11b: {  	v1 =	vmax.f32 v1, v11;
	v5 =	vld [tilespmem:s1+$0xFFFFFFE0];
	[tilespmem:s0+$0x70] =	vst v6  }
0x11c: {  	v4 =	vmax.f32 v16, v4;
	v6 =	vmul.f32 $2.000000030e-01, v8;
	v7 =	vadd.f32 v7, v15;
	v11 =	vld [tilespmem:s9+$0xFFFFFFF0];
	[tilespmem:s0+$0x90] =	vst v13  }
0x11d: {  	v1 =	vmul.f32 $1.442695020e+00, v1;
	v4 =	vmul.f32 $1.442695020e+00, v4;
	v13 =	vld [tilespmem:s1+$0xFFFFFFF0];
	[tilespmem:s0+$0xB0] =	vst v12  }
0x11e: {  	v6 =	vmax.f32 v8, v6;
	v8 =	vmul.f32 $2.000000030e-01, v7;
	v3 =	vadd.f32 v3, v17;
	v12 =	vld [tilespmem:s9+$0x10];
	[tilespmem:s0+$0xD0] =	vst v10  }
0x11f: {  	v6 =	vmul.f32 $1.442695020e+00, v6;
	v10 =	vld [tilespmem:s9+$0xE0];
	(erf) = vpow2.f32 v1  }
0x120: {  	v1 =	vmax.f32 v7, v8;
	v7 =	vmul.f32 $2.000000030e-01, v3;
	v5 =	vadd.f32 v5, v9;
	v8 =	vld [tilespmem:s1+$0x0]  }
0x121: {  	v1 =	vmul.f32 $1.442695020e+00, v1;
	v9 =	vld [tilespmem:s9+$0x30];
	(erf) = vpow2.f32 v4  }
0x122: {  	v3 =	vmax.f32 v3, v7;
	v4 =	vmul.f32 $2.000000030e-01, v5;
	v7 =	vadd.f32 v13, v11;
	v11 =	vld [tilespmem:s1+$0x10]  }
0x123: {  	v3 =	vmul.f32 $1.442695020e+00, v3;
	v13 =	vld [tilespmem:s9+$0x50];
	(erf) = vpow2.f32 v6;
	v6 =	vpop (erf)  }
0x124: {  	v4 =	vmax.f32 v5, v4;
	v5 =	vmul.f32 $2.000000030e-01, v7;
	v14 =	vld [tilespmem:s1+$0x20];
	v10 =	vmul.f32 v6, v10  }
0x125: {  	s0 =	sadd.s32 $0x200, s0;
	v4 =	vmul.f32 $1.442695020e+00, v4;
	v8 =	vadd.f32 v8, v12;
	v12 =	vld [tilespmem:s9+$0x70];
	(erf) = vpow2.f32 v1  }
0x126: {  	s10 =	simm.s32 $0x0;
	v6 =	vnsel vm0, $0x0, v6;
	v1 =	vmax.f32 v7, v5;
	v5 =	vld [tilespmem:s1+$0x30];
	[tilespmem:s0+$0xE0] =	vst v10;
	(erf) = vpow2.f32 v3  }
0x127: {  	v1 =	vmul.f32 $1.442695020e+00, v1;
	v3 =	vmul.f32 $2.000000030e-01, v8;
	v7 =	vadd.f32 v11, v9;
	v9 =	vld [tilespmem:s9+$0x90];
	[tilespmem:s0+$0xF0] =	vst v6  }
0x128: {  	v6 =	vld [tilespmem:s1+$0x40];
	v10 =	vpop (erf);
	(erf) = vpow2.f32 v4  }
0x129: {  	v3 =	vmax.f32 v8, v3;
	v4 =	vmul.f32 $2.000000030e-01, v7;
	v8 =	vadd.f32 v14, v13;
	v11 =	vld [tilespmem:s9+$0xB0]  }
0x12a: {  	v13 =	vnsel vm0, $0x0, v10;
	v3 =	vmul.f32 $1.442695020e+00, v3;
	v14 =	vld [tilespmem:s1+$0x50];
	v15 =	vpop (erf);
	(erf) = vpow2.f32 v1  }
0x12b: {  	v1 =	vmax.f32 v7, v4;
	v4 =	vmul.f32 $2.000000030e-01, v8;
	v5 =	vadd.f32 v5, v12;
	v7 =	vld [tilespmem:s9+$0xD0]  }
0x12c: {  	v12 =	vnsel vm0, $0x0, v15;
	v16 =	vmul.f32 $1.442695020e+00, v1;
	v17 =	vld [tilespmem:s1+$0x60];
	v18 =	vpop (erf);
	(erf) = vpow2.f32 v3  }
0x12d: {  	v3 =	vld [tilespmem:s9+$0xFFFFFF10];
	v4 =	vmax.f32 v8, v4;
	v8 =	vmul.f32 $2.000000030e-01, v5;
	v6 =	vadd.f32 v6, v9  }
0x12e: {  	v9 =	vnsel vm0, $0x0, v18;
	v1 =	vld [tilespmem:s9+$0xFFFFFF00];
	v4 =	vmul.f32 $1.442695020e+00, v4;
	v19 =	vpop (erf);
	(erf) = vpow2.f32 v16  }
0x12f: {  	v16 =	vld [tilespmem:s9+$0xFFFFFF20];
	[tilespmem:s0+$0xFFFFFF30] =	vst v13;
	v5 =	vmax.f32 v5, v8;
	v8 =	vmul.f32 $2.000000030e-01, v6;
	v11 =	vadd.f32 v14, v11;
	v13 =	vpop (erf)  }
0x130: {  	v14 =	vld [tilespmem:s9+$0xFFFFFF40];
	[tilespmem:s0+$0xFFFFFF50] =	vst v12;
	v12 =	vnsel vm0, $0x0, v19;
	v5 =	vmul.f32 $1.442695020e+00, v5;
	(erf) = vpow2.f32 v4  }
0x131: {  	v4 =	vld [tilespmem:s9+$0xFFFFFF60];
	[tilespmem:s0+$0xFFFFFF70] =	vst v9;
	v6 =	vmax.f32 v6, v8;
	v8 =	vmul.f32 $2.000000030e-01, v11;
	v7 =	vadd.f32 v17, v7;
	v9 =	vpop (erf)  }
0x132: {  	v2 =	vadd.f32 v2, v3;
	v17 =	vld [tilespmem:s9+$0xFFFFFF80];
	[tilespmem:s0+$0xFFFFFF90] =	vst v12;
	v3 =	vmul.f32 $1.442695020e+00, v6;
	(erf) = vpow2.f32 v5  }
0x133: {  	v6 =	vnsel vm0, $0x0, v13;
	v5 =	vld [tilespmem:s9+$0xFFFFFFA0];
	v8 =	vmax.f32 v11, v8;
	v11 =	vmul.f32 $2.000000030e-01, v7;
	v12 =	vpop (erf)  }
0x134: {  	v22 =	vnsel vm0, $0x0, v9;
	v20 =	vmul.f32 $2.000000030e-01, v2;
	[tilespmem:s0+$0xFFFFFFB0] =	vst v6;
	v6 =	vld [tilespmem:s9+$0xFFFFFFC0];
	v8 =	vmul.f32 $1.442695020e+00, v8  }
0x135: {  	v10 =	vmul.f32 v10, v16;
	[tilespmem:s0+$0xFFFFFFD0] =	vst v22;
	v16 =	vld [tilespmem:s9+$0xFFFFFFE0];
	v7 =	vmax.f32 v7, v11;
	v21 =	vpop (erf);
	(erf) = vpow2.f32 v3  }
0x136: {  	v2 =	vmax.f32 v2, v20;
	v20 =	vld [tilespmem:s9+$0x0];
	v7 =	vmul.f32 $1.442695020e+00, v7;
	(erf) = vpow2.f32 v8  }
0x137: {  	v8 =	vmul.f32 $1.442695020e+00, v2;
	[tilespmem:s0+$0xFFFFFF20] =	vst v10;
	v10 =	vmul.f32 v15, v14;
	v2 =	vnsel vm0, $0x0, v12;
	v22 =	vld [tilespmem:s9+$0x20];
	v23 =	vpop (erf)  }
.Ltmp3:
0x138: {  	v3 =	vnsel vm0, $0x0, v21;
	v14 =	vmul.f32 v18, v4;
	[tilespmem:s0+$0xFFFFFFF0] =	vst v2;
	v2 =	vld [tilespmem:s9+$0x40];
	(erf) = vpow2.f32 v7;
	(pc) =	sbr.rel @p0 .LBB2_9-.Ltmp3, $4  }
0x139: {  	v4 =	vnsel vm0, $0x0, v23;
	[tilespmem:s0+$0xFFFFFF40] =	vst v10;
	v10 =	vmul.f32 v19, v17;
	v7 =	vld [tilespmem:s9+$0x60];
	(erf) = vpow2.f32 v8;
	v11 =	vpop (erf)  }
0x13a: {  	v17 =	vmul.f32 v13, v5;
	[tilespmem:s0+$0xFFFFFF60] =	vst v14;
	v14 =	vmul.f32 v9, v6;
	v5 =	vnsel vm0, $0x0, v11;
	v8 =	vld [tilespmem:s9+$0x80]  }
0x13b: {  	v15 =	vmul.f32 v12, v16;
	[tilespmem:s0+$0xFFFFFF80] =	vst v10;
	v13 =	vmul.f32 v21, v20;
	v9 =	vld [tilespmem:s9+$0xA0];
	v16 =	vpop (erf)  }
0x13c: {  	[tilespmem:s0+$0xFFFFFFA0] =	vst v17;
	v12 =	vmul.f32 v23, v22;
	v6 =	vnsel vm0, $0x0, v16;
	v10 =	vld [tilespmem:s9+$0xC0];
	s9 =	sadd.s32 $0x200, s9  }
0x13d: {  	[tilespmem:s0+$0xFFFFFFC0] =	vst v14  }
0x13e: {  	[tilespmem:s0+$0xFFFFFFE0] =	vst v15  }
0x13f: {  	[tilespmem:s0+$0x0] =	vst v13  }
0x140: {  	[tilespmem:s0+$0x10] =	vst v3  }
0x141: {  	[tilespmem:s0+$0x30] =	vst v4  }
0x142: {  	[tilespmem:s0+$0x50] =	vst v5  }
0x143: {  	v2 =	vmul.f32 v11, v2;
	[tilespmem:s0+$0x70] =	vst v6  }
0x144: {  	v60 =	vpop (erf);
	v7 =	vmul.f32 v16, v7;
	[tilespmem:s0+$0x20] =	vst v12  }
0x145: {  	v8 =	vmul.f32 v60, v8;
	[tilespmem:s0+$0x40] =	vst v2  }
0x146: {  	v61 =	vpop (erf);
	[tilespmem:s0+$0x60] =	vst v7  }
0x147: {  	v9 =	vmul.f32 v61, v9;
	v3 =	vnsel vm0, $0x0, v61;
	v2 =	vpop (erf);
	[tilespmem:s0+$0x80] =	vst v8  }
0x148: {  	[tilespmem:s0+$0xB0] =	vst v3;
	v62 =	vpop (erf);
	v63 =	vmul.f32 v2, v10  }
0x149: {  	[tilespmem:s0+$0xA0] =	vst v9;
	v1 =	vmul.f32 v62, v1  }
0x14a: {  	[tilespmem:s0+$0xC0] =	vst v63  }
0x14b: {  	[tilespmem:s0+$0xFFFFFF00] =	vst v1;
	v1 =	vnsel vm0, $0x0, v62  }
0x14c: {  	[tilespmem:s0+$0xFFFFFF10] =	vst v1;
	v1 =	vnsel vm0, $0x0, v60  }
0x14d: {  	[tilespmem:s0+$0x90] =	vst v1;
	v1 =	vnsel vm0, $0x0, v2  }
0x14e: {  	[tilespmem:s0+$0xD0] =	vst v1  }
.LBB2_11:
0x14f: {  	s0 =	sshra.s32 s10, $0x2;
	v2 =	vld [tilespmem:s7+$0x0]  }
0x150: {  	v1 =	vld [tilespmem:s0+$0x8520];
	_ =	sdelay $0x4  }
0x151: {  	v1 =	vadd.f32 v2, v1;
	_ =	sdelay $0x1  }
0x152: {  	v2 =	vmul.f32 $2.000000030e-01, v1;
	_ =	sdelay $0x1  }
0x153: {  	v1 =	vmax.f32 v1, v2  }
0x154: {  	v1 =	vmul.f32 $1.442695020e+00, v1;
	_ =	sdelay $0x1  }
0x155: {  	(erf) = vpow2.f32 v1;
	_ =	sdelay $0x4  }
0x156: {  	v1 =	vld [tilespmem:s0+$0x8510];
	_ =	sdelay $0x2  }
0x157: {  	p0 =	sne.s32 s10, $0x600  }
.Ltmp4:
0x158: {  	v2 =	vpop (erf);
	(pc) =	sbr.rel @p0 .LBB2_11-.Ltmp4, $3  }
0x159: {  	v1 =	vmul.f32 v2, v1;
	_ =	sdelay $0x1  }
0x15a: {  	[tilespmem:s0+$0x9C80] =	vst v1;
	v1 =	vnsel vm0, $0x0, v2  }
0x15b: {  	s7 =	sadd.s32 $0x10, s7;
	s10 =	sadd.s32 $0x80, s10;
	[tilespmem:s0+$0x9C90] =	vst v1  }
0x15c: {  	s30 =	sadd.s32 $0x1, s30  }
0x15d: {  	p0 =	sne.s32 s30, $0x28  }
.Ltmp5:
0x15e: {  	_ = 	snop;
	(pc) =	sbr.rel @p0 .LBB2_4-.Ltmp5, $4  }
0x15f: {  	_ = 	snop  }
0x160: {  	s0 =	sand.u32 $0x3FFFFF80, s31  }
0x161: {  	s0 =	sadd.s32 $0x2800, s0  }
0x162: {  	[spmem:s3] =	stream.indirect.scatter.add.f32 [tilespmem:s26], [sflag:$0x4], $0x20, s0, s18, $0xb8;
	[tilespmem:$0xFE20] =	vst v63  }
0x163: {  	_ =	swait.ge [sflag:s28], $0xFA0  }
0x164: {  	[sflag:s28] =	ssyncset.done $0x0  }
0x165: {  	[sflag:s28] =	ssyncadd.s32 $0xFFFFF060  }
0x166: {  	_ =	swait.ge [sflag:s29], $0xFA0  }
0x167: {  	[sflag:s29] =	ssyncset.done $0x0  }
0x168: {  	[sflag:s29] =	ssyncadd.s32 $0xFFFFF060  }
0x169: {  	_ =	swait.ge [sflag:s21], $0xFA0  }
0x16a: {  	[sflag:s21] =	ssyncset.done $0x0  }
0x16b: {  	[sflag:s21] =	ssyncadd.s32 $0xFFFFF060  }
0x16c: {  	s0 =	stileid.u32;
	_ =	swait.ge [sflag:s21], $0x7D0  }
0x16d: {  	s1 =	sshrl.u32 s6, $0x3;
	s4 =	sadd.s32 $0x1, s4;
	[sflag:s21] =	ssyncset.done $0x0  }
0x16e: {  	s0 =	sshll.u32 s0, $0x6;
	p0 =	sne.s32 s4, s14;
	[sflag:s21] =	ssyncadd.s32 $0xFFFFF830  }
.Ltmp6:
0x16f: {  	s0 =	sor.u32 $0x1C05, s0;
	[bflag:$0x0] =	sbarrier.arrive $0xFFFF;
	(pc) =	sbr.rel @p0 .LBB2_1-.Ltmp6, $4  }
0x170: {  	[hbm:s13], [sflag:s0] =	dma.local [spmem:s1], $0xA00  }
0x171: {  	_ =	swait.ge [sflag:s16], $0xA00  }
0x172: {  	[sflag:s16] =	ssyncset.done $0x0  }
0x173: {  	[sflag:s16] =	ssyncadd.s32 $0xFFFFF600  }
0x174: {  	_ =	sfence.sel $0x180000  }
0x175: {  	[bflag:$0x0] =	sbarrier.arrive $0xFFFF  }
0x176: {  	_ =	strace $0x9000004A  }
0x177: {  	s0 =	stileid.u32;
	[bflag:$0x2] =	sbarrier.arrive $0xFFFF  }
0x178: {  	p0 =	sne.s32 s0, $0x0;
	s0 =	rddreg [dreg:$0x3]  }
0x179: {  	s0 =	sadd.s32 @!p0 $0x100000, s0  }
0x17a: {  	[sflag:s0] =	ssyncadd.tile.s32 @!p0 $0x1;
	_ =	shalt  }
.Lfunc_end2:
_tile_overlayer_lowered:
.L_overlay_start_2:
0x17b: {  	(tag) =	ssettag $0x2  }
0x17c: {  	s0 =	rddreg [dreg:$0x0];
	s2 =	stileid.u32  }
0x17d: {  	s1 =	rddreg [dreg:$0x1];
	p0 =	sne.s32 s2, $0x0  }
0x17e: {  	s3 =	rddreg [dreg:$0x2];
	[bflag:$0x3] =	sbarrier.arrive $0xFFFF;
	s2 =	simm.s32 @!p0 $0x1C05  }
0x17f: {  	[timem:s3], [sflag:s2] =	dma.local @!p0 [hbm:s0], s1  }
0x180: {  	s0 =	simm.s32 @!p0 $0x5  }
0x181: {  	_ =	swait.ge @!p0 [sflag:s0], s1  }
0x182: {  	s1 =	ssub.s32 @!p0 $0x0, s1;
	[sflag:s0] =	ssyncset.done @!p0 $0x0  }
0x183: {  	[sflag:s0] =	ssyncadd.s32 @!p0 s1  }
0x184: {  	[bflag:$0x3] =	sbarrier.arrive $0xFFFF  }
0x185: {  	_ =	shalt  }

// kernel: kernel.7.cloned.1.call-start
scs
__scs_entry_jumppad:
0x0: {  	(pc) =	sbr.rel $0x88, $3  }
0x1: {  	(tag) =	ssettag $0x0;
	lr =	simm.s32 $0x1  }
0x2: {  	[smem:$0x3F97] =	sst lr;
	_ =	strace $0xD0000000  }
0x3: {  	_ = 	snop  }
0x4: {  	_ = 	snop  }
0x5: {  	_ = 	snop  }
0x6: {  	_ = 	snop  }
0x7: {  	_ = 	snop  }
__scs_overlays_trampoline_lowered:
0x8: {  	[smem:$0x3FA6] =	sst s0  }
0x9: {  	[smem:$0x3FA7] =	sst s1  }
0xa: {  	[smem:$0x3FA8] =	sst s2  }
0xb: {  	[smem:$0x3FA9] =	sst s3  }
0xc: {  	[smem:$0x3FAA] =	sst s4  }
0xd: {  	[smem:$0x3FAB] =	sst s5  }
0xe: {  	[smem:$0x3FAC] =	sst s6  }
0xf: {  	[smem:$0x3FAD] =	sst s7  }
0x10: {  	[smem:$0x3FAE] =	sst s8  }
0x11: {  	[smem:$0x3FAF] =	sst s9;
	s0 =	simm.s32 @!p0 $0x0  }
0x12: {  	s1 =	sld [smem:$0x3F95];
	s0 =	simm.s32 @p0 $0x1  }
0x13: {  	[smem:$0x3FB0] =	sst s0;
	s0 =	simm.s32 @!p1 $0x0  }
0x14: {  	s2 =	sld [smem:$0x3F94];
	s0 =	simm.s32 @p1 $0x1  }
0x15: {  	[smem:$0x3FB1] =	sst s0;
	s0 =	simm.s32 @!p2 $0x0  }
0x16: {  	s3 =	sld [smem:$0x3FDB];
	s0 =	simm.s32 @p2 $0x1  }
0x17: {  	s4 =	simm.s32 $0x1BF5;
	[smem:$0x3FB3] =	sst s0  }
0x18: {  	s0 =	sld [smem:$0x3F96];
	_ =	swait.ge [sflag:s4], $0x0  }
0x19: {  	s7 =	sld [smem:$0x3F97]  }
0x1a: {  	s8 =	sadd.s32 $0xFFFFE003, lr  }
0x1b: {  	s9 =	sadd.s32 $0xFFFFFEF7, lr;
	s5 =	simm.s32 $0xFFFFFFFF;
	p2 =	slt.u32 s8, $0xFFFFF086  }
0x1c: {  	p1 =	slt.u32 s9, $0xF7A;
	s5 =	simm.s32 @!p2 $0x0  }
0x1d: {  	s5 =	simm.s32 @p1 $0x1;
	p0 =	seq.s32 s7, s2  }
0x1e: {  	s7 =	smul.u32 @!p0 $0xF7A, s2;
	p2 =	seq.s32 @!p0 s5, $0x0  }
0x1f: {  	s9 =	smul.u32 $0xF7A, s1;
	s8 =	simm.s32 @!p0 $0x1BF5;
	p2 =	por !p2, p0  }
0x20: {  	[sflag:s8] =	ssyncset.s32 @!p0 $0xFFFFF086;
	s6 =	sadd.s32 @!p0 s3, s7;
	s7 =	simm.s32 @!p0 $0x108  }
0x21: {  	s3 =	sadd.s32 s3, s9;
	s6 =	sadd.s32 @!p0 $0x88, s6;
	s7 =	simm.s32 @p2 $0x1082  }
0x22: {  	[simem:s7], [sflag:s8] =	dma.local @!p0 [hbm:s6], $0xF7A  }
0x23: {  	s9 =	sor.u32 $0xD0000000, s2;
	s6 =	simm.s32 $0x108;
	_ =	swait.ge @!p0 [sflag:s8], $0x0  }
0x24: {  	s3 =	sadd.s32 $0x88, s3;
	s6 =	simm.s32 @!p1 $0x1082;
	[sflag:s4] =	ssyncset.s32 $0xFFFFF086  }
0x25: {  	[simem:s6], [sflag:s4] =	dma.local [hbm:s3], $0xF7A  }
0x26: {  	[smem:$0x3F97] =	sst s1;
	(tag) =	ssettag s2;
	_ =	strace s9  }
0x27: {  	s1 =	sld [smem:$0x3FA7]  }
0x28: {  	s2 =	sld [smem:$0x3FA8]  }
0x29: {  	s4 =	sld [smem:$0x3FAA]  }
0x2a: {  	p0 =	seq.s32 s5, $0x0;
	s5 =	sld [smem:$0x3FAB]  }
0x2b: {  	s6 =	sld [smem:$0x3FAC]  }
0x2c: {  	s7 =	sld [smem:$0x3FAD]  }
0x2d: {  	s3 =	simm.s32 $0x108;
	s8 =	sld [smem:$0x3FAE]  }
0x2e: {  	s3 =	simm.s32 @!p0 $0x1082;
	s9 =	sld [smem:$0x3FAF]  }
0x2f: {  	lr =	sadd.s32 s0, s3;
	s0 =	sld [smem:$0x3FA6]  }
0x30: {  	s3 =	sld [smem:$0x3FA9]  }
0x31: {  	[smem:$0x3FB2] =	sst s10  }
0x32: {  	s10 =	sld [smem:$0x3FB0];
	_ =	sdelay $0x3  }
0x33: {  	p0 =	seq.s32 s10, $0x1;
	s10 =	sld [smem:$0x3FB2];
	_ =	sdelay $0x3  }
0x34: {  	[smem:$0x3FB2] =	sst s10  }
0x35: {  	s10 =	sld [smem:$0x3FB1];
	_ =	sdelay $0x3  }
0x36: {  	p1 =	seq.s32 s10, $0x1;
	s10 =	sld [smem:$0x3FB2];
	_ =	sdelay $0x3  }
0x37: {  	[smem:$0x3FB2] =	sst s10  }
0x38: {  	s10 =	sld [smem:$0x3FB3]  }
0x39: {  	_ = 	snop;
	(pc) =	sbr.ind lr, $3  }
0x3a: {  	_ = 	snop  }
0x3b: {  	_ = 	snop  }
0x3c: {  	p2 =	seq.s32 s10, $0x1;
	s10 =	sld [smem:$0x3FB2]  }
0x3d: {  	_ =	shalt  }
0x3e: {  	_ =	shalt  }
0x3f: {  	_ =	shalt  }
0x40: {  	_ =	shalt  }
0x41: {  	_ =	shalt  }
0x42: {  	_ =	shalt  }
0x43: {  	_ =	shalt  }
0x44: {  	_ =	shalt  }
0x45: {  	_ =	shalt  }
0x46: {  	_ =	shalt  }
0x47: {  	_ =	shalt  }
0x48: {  	_ =	shalt  }
0x49: {  	_ =	shalt  }
0x4a: {  	_ =	shalt  }
0x4b: {  	_ =	shalt  }
0x4c: {  	_ =	shalt  }
0x4d: {  	_ =	shalt  }
0x4e: {  	_ =	shalt  }
0x4f: {  	_ =	shalt  }
0x50: {  	_ =	shalt  }
0x51: {  	_ =	shalt  }
0x52: {  	_ =	shalt  }
0x53: {  	_ =	shalt  }
0x54: {  	_ =	shalt  }
0x55: {  	_ =	shalt  }
0x56: {  	_ =	shalt  }
0x57: {  	_ =	shalt  }
0x58: {  	_ =	shalt  }
0x59: {  	_ =	shalt  }
0x5a: {  	_ =	shalt  }
0x5b: {  	_ =	shalt  }
0x5c: {  	_ =	shalt  }
0x5d: {  	_ =	shalt  }
0x5e: {  	_ =	shalt  }
0x5f: {  	_ =	shalt  }
0x60: {  	_ =	shalt  }
0x61: {  	_ =	shalt  }
0x62: {  	_ =	shalt  }
0x63: {  	_ =	shalt  }
0x64: {  	_ =	shalt  }
0x65: {  	_ =	shalt  }
0x66: {  	_ =	shalt  }
0x67: {  	_ =	shalt  }
0x68: {  	_ =	shalt  }
0x69: {  	_ =	shalt  }
0x6a: {  	_ =	shalt  }
0x6b: {  	_ =	shalt  }
0x6c: {  	_ =	shalt  }
0x6d: {  	_ =	shalt  }
0x6e: {  	_ =	shalt  }
0x6f: {  	_ =	shalt  }
0x70: {  	_ =	shalt  }
0x71: {  	_ =	shalt  }
0x72: {  	_ =	shalt  }
0x73: {  	_ =	shalt  }
0x74: {  	_ =	shalt  }
0x75: {  	_ =	shalt  }
0x76: {  	_ =	shalt  }
0x77: {  	_ =	shalt  }
0x78: {  	_ =	shalt  }
0x79: {  	_ =	shalt  }
0x7a: {  	_ =	shalt  }
0x7b: {  	_ =	shalt  }
0x7c: {  	_ =	shalt  }
0x7d: {  	_ =	shalt  }
0x7e: {  	_ =	shalt  }
0x7f: {  	_ =	shalt  }
0x80: {  	_ =	shalt  }
0x81: {  	_ =	shalt  }
0x82: {  	_ =	shalt  }
0x83: {  	_ =	shalt  }
0x84: {  	_ =	shalt  }
0x85: {  	_ =	shalt  }
0x86: {  	_ =	shalt  }
0x87: {  	_ =	shalt  }
.Lfunc_end0:
.L_simem_size_0:
called_computation_lowered:
.L_overlay_start_0:
0x88: {  	s2 =	sld [smem:$0x3FD9]  }
0x89: {  	s3 =	sld [smem:$0x3FFE];
	_ =	sdelay $0x1  }
0x8a: {  	s1 =	srdreg.scid  }
0x8b: {  	s0 =	sand.u32 $0x1, s1  }
0x8c: {  	s17 =	sshll.u32 s0, $0xA;
	s2 =	sadd.s32 s3, s2  }
0x8d: {  	s2 =	sadd.s32 s2, s17  }
0x8e: {  	[smem:$0x3FBE] =	sst s2  }
0x8f: {  	_ = 	snop  }
0x90: {  	s2 =	sld [smem:$0x3FD0];
	(tm) =	ssettm $0x1  }
0x91: {  	s18 =	sld [smem:$0x3FFB];
	_ =	sdelay $0x3  }
0x92: {  	_ =	strace s18  }
0x93: {  	s3 =	sld [smem:$0x3FFC];
	_ =	sdelay $0x3  }
0x94: {  	_ =	strace s3  }
0x95: {  	s3 =	sld [smem:$0x3FFD];
	_ =	sdelay $0x3  }
0x96: {  	_ =	strace s3  }
0x97: {  	_ =	strace $0x8FFFFFFF  }
0x98: {  	s19 =	sld [smem:$0x3FDB];
	_ =	sdelay $0x1  }
0x99: {  	s4 =	simm.s32 $_scs_section_size  }
0x9a: {  	s5 =	simm.s32 $_size__tile_overlayer_lowered;
	s6 =	simm.s32 $_tile_overlayer_lowered  }
0x9b: {  	s22 =	simm.s32 $0x1BFF;
	s21 =	sshll.u32 s6, $0x1;
	s3 =	sadd.s32 s4, s19  }
0x9c: {  	s7 =	simm.s32 $0x0;
	s20 =	sshll.u32 s5, $0x1;
	s5 =	sadd.s32 s21, s3  }
0x9d: {  	[timem:s7], [sflag:s22] =	dma.local [hbm:s5], s20  }
0x9e: {  	_ =	swait.ge [sflag:s22], s20  }
0x9f: {  	s4 =	ssub.s32 $0x0, s20;
	[sflag:s22] =	ssyncset.done $0x0  }
0xa0: {  	[sflag:s22] =	ssyncadd.s32 s4;
	_ =	sdelay $0x1  }
0xa1: {  	s23 =	simm.s32 $0x1B8B  }
0xa2: {  	_ =	swait.ge [sflag:s23], $0x1  }
0xa3: {  	[sflag:s23] =	ssyncset.done $0x0  }
0xa4: {  	s25 =	simm.s32 $0x1B8E;
	s24 =	sld [smem:$0x3FFE];
	[sflag:s23] =	ssyncadd.s32 $0xFFFFFFFF  }
0xa5: {  	s26 =	simm.s32 $execute0_lowered;
	[smem:$0x3FD2] =	sst s25  }
0xa6: {  	s5 =	sshll.u32 s26, $0x1;
	_ =	strace $0x80000046;
	[dreg:$0x1] =	wrdreg $0xFFFFFFFF  }
0xa7: {  	s28 =	simm.s32 $_size_execute0_lowered;
	s3 =	sadd.s32 s3, s5;
	[dreg:$0x0] =	wrdreg $0x0  }
0xa8: {  	s5 =	sshll.u32 s28, $0x1;
	[dreg:$0x2] =	wrdreg s3  }
0xa9: {  	[dreg:$0x3] =	wrdreg s5  }
0xaa: {  	[dreg:$0x4] =	wrdreg $0xC0  }
0xab: {  	_ =	task [dreg:s7], $0x5FFFF  }
0xac: {  	[dreg:$0x1] =	wrdreg $0xFFFFFFFF  }
0xad: {  	[dreg:$0x0] =	wrdreg $0x60  }
0xae: {  	[dreg:$0x2] =	wrdreg s24  }
0xaf: {  	[dreg:$0x3] =	wrdreg s2  }
0xb0: {  	[dreg:$0x4] =	wrdreg $0x123E00  }
0xb1: {  	[dreg:$0x5] =	wrdreg $0x9  }
0xb2: {  	_ =	task.clear_ibuf [dreg:s7], $0x6FFFF;
	_ =	strace $0x90000046  }
0xb3: {  	s29 =	simm.s32 $0x9;
	_ =	strace $0x80000048  }
0xb4: {  	_ =	swait.ge [sflag:s29], $0x1  }
0xb5: {  	[sflag:s29] =	ssyncadd.s32 $0xFFFFFFFF  }
0xb6: {  	_ =	strace $0x90000048  }
0xb7: {  	_ =	sfence  }
0xb8: {  	s30 =	sld [smem:$0x0];
	_ =	sdelay $0x2  }
0xb9: {  	s31 =	sshll.u32 s1, $0xD;
	s1 =	sshrl.u32 s1, $0x2  }
0xba: {  	s3 =	sand.u32 $0x4000, s31;
	s1 =	sadd.s32 s1, s30  }
0xbb: {  	s0 =	sor.u32 s3, s0;
	s1 =	sshll.u32 s1, $0x11  }
0xbc: {  	s0 =	sor.u32 s1, s0  }
0xbd: {  	s0 =	sadd.s32 $0x8F2B, s0  }
0xbe: {  	[sflag:s0] =	ssyncadd.remote.s32 $0x1  }
0xbf: {  	_ =	sfence.sel $0xFFFF  }
0xc0: {  	[dreg:$0x0] =	wrdreg $0xFFFFFFFF;
	(pc) =	sbr.abs _section_cstart, $3  }
0xc1: {  	[dreg:$0x1] =	wrdreg $0xFFFFFFFF  }
0xc2: {  	_ =	task.clear_ibuf [dreg:s7], $0x2FFFF;
	_ =	strace $0x9FFFFFFF  }
0xc3: {  	(tm) =	ssettm $0x7FFFFFFF  }
tec
execute0_lowered:
.L_overlay_start_1:
0x0: {  	(tag) =	ssettag $0x1  }
0x1: {  	s0 =	srdreg.scid;
	s1 =	rddreg [dreg:$0x0]  }
0x2: {  	s5 =	stileid.u32;
	s2 =	rddreg [dreg:$0x1];
	s15 =	simm.s32 $0xFBE0  }
0x3: {  	s16 =	simm.s32 $0x5;
	s18 =	simm.s32 $0x7D;
	s19 =	simm.s32 $0x5000  }
0x4: {  	s28 =	simm.s32 $0x3;
	s29 =	simm.s32 $0x4;
	s7 =	smul.u32 $0xC800, s5  }
0x5: {  	s0 =	sand.u32 $0x1, s0;
	s3 =	sshll.u32 s5, $0x1;
	s9 =	smul.u32 $0x32000, s5  }
0x6: {  	s5 =	sadd.s32 $0x15800, s1;
	s4 =	sor.u32 s0, s3;
	s8 =	smul.u32 $0xC8000, s0  }
0x7: {  	s3 =	rddreg [dreg:$0x2];
	s0 =	ssub.s32 $0x2, s0;
	s6 =	smul.u32 $0x500, s4  }
0x8: {  	s4 =	simm.s32 $0x0;
	s21 =	sshrl.u32 s9, $0x2;
	s22 =	sshrl.u32 s0, $0x1  }
0x9: {  	[smem:$0x7FF] =	sst s4;
	s20 =	sadd.s32 s7, s8;
	s8 =	sadd.s32 s21, s3  }
0xa: {  	s0 =	ssub.s32 s0, s22;
	s21 =	simm.s32 $0x1;
	s22 =	simm.s32 $0xA5F0  }
0xb: {  	_ =	strace $0x80000047;
	s10 =	sadd.s32 s6, s1;
	s23 =	sadd.s32 $0x2800, s8  }
0xc: {  	s6 =	sshrl.u32 s20, $0x3;
	s24 =	sadd.s32 $0x5000, s8;
	[dreg:$0x4] =	wrdreg s23  }
0xd: {  	s25 =	sadd.s32 $0x7800, s8;
	s26 =	sadd.s32 $0xA000, s8;
	[dreg:$0x5] =	wrdreg s24  }
0xe: {  	s14 =	smax.u32 s0, $0x1;
	s20 =	simm.s32 $0x7710;
	[dreg:$0x6] =	wrdreg s25  }
0xf: {  	s1 =	sadd.s32 s6, s1;
	s6 =	sadd.s32 s7, s3;
	[dreg:$0x7] =	wrdreg s26  }
0x10: {  	v0 =	vlaneseq.u32;
	s30 =	sadd.s32 $0xB800, s10;
	s31 =	sadd.s32 $0x1800, s10;
	s23 =	simm.s32 $0xCD00  }
0x11: {  	v1 =	vimm.f32 $0.0e+00;
	vm0 =	vmmov $0xff;
	v0 =	vshrl.u32 v0, $0x3;
	s24 =	simm.s32 $0x7EE0;
	s25 =	simm.s32 $0x2;
	[dreg:$0x8] =	wrdreg s30  }
0x12: {  	v2 =	vor.u32 $0x2, v0;
	v3 =	vor.u32 $0x4, v0;
	v4 =	vor.u32 $0x6, v0;
	s26 =	simm.s32 $0xD4D0;
	[dreg:$0x9] =	wrdreg s31;
	s13 =	sadd.s32 $0x2E000, s1  }
.LBB2_1:
0x13: {  	s1 =	simm.s32 $0x140;
	s0 =	simm.s32 $0x0  }
.LBB2_2:
0x14: {  	p0 =	sne.s32 s1, $0x9EC0;
	[tilespmem:s0+$0xFC20] =	vst v1;
	s7 =	smov.u32 s1;
	s1 =	sadd.s32 $0x140, s1  }
.Ltmp0:
0x15: {  	[tilespmem:s0+$0xFC10] =	vst v1;
	(pc) =	sbr.rel @p0 .LBB2_2-.Ltmp0, $4  }
0x16: {  	[tilespmem:s0+$0xFC00] =	vst v1  }
0x17: {  	[tilespmem:s0+$0xFBE0] =	vst v1  }
0x18: {  	[tilespmem:s0+$0xFBF0] =	vst v1  }
0x19: {  	s0 =	sshra.s32 s7, $0x2  }
0x1a: {  	[tilespmem:s0+$0xFC20] =	vst v1  }
0x1b: {  	[tilespmem:s0+$0xFC10] =	vst v1  }
0x1c: {  	[tilespmem:s0+$0xFC00] =	vst v1  }
0x1d: {  	[tilespmem:s0+$0xFBE0] =	vst v1  }
0x1e: {  	[tilespmem:s0+$0xFBF0] =	vst v1  }
0x1f: {  	[spmem:s6] =	stream.linear.scatter [tilespmem:s15], [sflag:$0x5], $0x2800, $0x38;
	[tilespmem:$0x1EBE0] =	vst v63  }
0x20: {  	_ =	swait.ge [sflag:s16], $0x2800  }
0x21: {  	[sflag:s16] =	ssyncset.done $0x0  }
0x22: {  	s9 =	rddreg [dreg:$0x4];
	[sflag:s16] =	ssyncadd.s32 $0xFFFFD800  }
0x23: {  	[spmem:s9] =	stream.linear.scatter [tilespmem:s15], [sflag:$0x5], $0x2800, $0x38;
	[tilespmem:$0x1EBE0] =	vst v63  }
0x24: {  	_ =	swait.ge [sflag:s16], $0x2800  }
0x25: {  	[sflag:s16] =	ssyncset.done $0x0  }
0x26: {  	s10 =	rddreg [dreg:$0x5];
	[sflag:s16] =	ssyncadd.s32 $0xFFFFD800  }
0x27: {  	[spmem:s10] =	stream.linear.scatter [tilespmem:s15], [sflag:$0x5], $0x2800, $0x38;
	[tilespmem:$0x1EBE0] =	vst v63  }
0x28: {  	_ =	swait.ge [sflag:s16], $0x2800  }
0x29: {  	[sflag:s16] =	ssyncset.done $0x0  }
0x2a: {  	s11 =	rddreg [dreg:$0x6];
	[sflag:s16] =	ssyncadd.s32 $0xFFFFD800  }
0x2b: {  	[spmem:s11] =	stream.linear.scatter [tilespmem:s15], [sflag:$0x5], $0x2800, $0x38;
	[tilespmem:$0x1EBE0] =	vst v63  }
0x2c: {  	_ =	swait.ge [sflag:s16], $0x2800  }
0x2d: {  	[sflag:s16] =	ssyncset.done $0x0  }
0x2e: {  	s12 =	rddreg [dreg:$0x7];
	[sflag:s16] =	ssyncadd.s32 $0xFFFFD800  }
0x2f: {  	[spmem:s12] =	stream.linear.scatter [tilespmem:s15], [sflag:$0x5], $0x2800, $0x38;
	[tilespmem:$0x1EBE0] =	vst v63  }
0x30: {  	_ =	swait.ge [sflag:s16], $0x2800  }
0x31: {  	[sflag:s16] =	ssyncset.done $0x0  }
0x32: {  	[sflag:s16] =	ssyncadd.s32 $0xFFFFD800  }
0x33: {  	[bflag:$0x0] =	sbarrier.arrive $0xFFFF  }
0x34: {  	s30 =	simm.s32 $0x0;
	s17 =	rddreg [dreg:$0x8]  }
0x35: {  	[tilespmem:s30], [sflag:$0x5] =	stream.linear.gather [hbm4b:s17+s30], $0x2800, $0x38;
	[tilespmem:$0x1EBE0] =	vst v63  }
0x36: {  	_ =	swait.ge [sflag:s16], $0x2800  }
0x37: {  	[sflag:s16] =	ssyncset.done $0x0  }
0x38: {  	s1 =	simm.s32 $0x2800;
	s31 =	rddreg [dreg:$0x9];
	[sflag:s16] =	ssyncadd.s32 $0xFFFFD800  }
0x39: {  	[tilespmem:s1], [sflag:$0x5] =	stream.linear.gather [hbm4b:s31+s30], $0x2800, $0x38;
	[tilespmem:$0x1EBE0] =	vst v63  }
0x3a: {  	_ =	swait.ge [sflag:s16], $0x2800  }
0x3b: {  	[sflag:s16] =	ssyncset.done $0x0  }
0x3c: {  	[sflag:s16] =	ssyncadd.s32 $0xFFFFD800  }
0x3d: {  	[tilespmem:s19], [sflag:$0x1] =	stream.indirect.gather [hbm4b:s5+s18], $0x50, s30, s18, $0xb8;
	[tilespmem:$0x1EBE0] =	vst v63  }
0x3e: {  	_ = 	snop  }
0x3f: {  	[tilespmem:s20], [sflag:$0x1] =	stream.indirect.gather [hbm4b:s2+s18], $0x10, s1, s18, $0xb8;
	[tilespmem:$0x1EBE0] =	vst v63  }
.LBB2_4:
0x40: {  	_ =	swait.ge [sflag:s21], $0x2710  }
0x41: {  	[sflag:s21] =	ssyncset.done $0x0  }
0x42: {  	[sflag:s21] =	ssyncadd.s32 $0xFFFFD8F0  }
0x43: {  	_ =	swait.ge [sflag:s21], $0x7D0  }
0x44: {  	s0 =	sshllo.u32 s30, $0x1;
	[sflag:s21] =	ssyncset.done $0x0  }
0x45: {  	s31 =	sshll.u32 s0, $0x7;
	[sflag:s21] =	ssyncadd.s32 $0xFFFFF830  }
0x46: {  	[tilespmem:s22], [sflag:$0x2] =	stream.indirect.gather [hbm4b:s5+s18], $0x50, s31, s18, $0xb8;
	[tilespmem:$0x1EBE0] =	vst v63  }
0x47: {  	p0 =	seq.s32 s30, $0x0;
	s0 =	sadd.s32 $0x2800, s31  }
0x48: {  	[tilespmem:s23], [sflag:$0x2] =	stream.indirect.gather [hbm4b:s2+s18], $0x10, s0, s18, $0xb8;
	[tilespmem:$0x1EBE0] =	vst v63  }
0x49: {  	s0 =	simm.s32 @!p0 $0x3  }
0x4a: {  	_ =	swait.ge @!p0 [sflag:s0], $0x2710  }
0x4b: {  	[sflag:s0] =	ssyncset.done @!p0 $0x0  }
0x4c: {  	s9 =	simm.s32 $0x5140;
	[sflag:s0] =	ssyncadd.s32 @!p0 $0xFFFFD8F0  }
0x4d: {  	s17 =	simm.s32 $0x7750;
	v5 =	vld [tilespmem:s9+$0x130]  }
0x4e: {  	v6 =	vld [tilespmem:s17+$0x30]  }
0x4f: {  	v8 =	vld [tilespmem:s9+$0xFFFFFF50]  }
0x50: {  	v9 =	vld [tilespmem:s17+$0xFFFFFFD0]  }
0x51: {  	v10 =	vld [tilespmem:s9+$0xFFFFFFA0]  }
0x52: {  	v11 =	vld [tilespmem:s9+$0xFFFFFFF0]  }
0x53: {  	v13 =	vld [tilespmem:s17+$0xFFFFFFF0];
	v5 =	vadd.f32 v6, v5  }
0x54: {  	v6 =	vld [tilespmem:s17+$0xFFFFFFE0]  }
0x55: {  	v7 =	vld [tilespmem:s17+$0xFFFFFFC0];
	v12 =	vmul.f32 $2.000000030e-01, v5  }
0x56: {  	v14 =	vld [tilespmem:s9+$0x40]  }
0x57: {  	v15 =	vld [tilespmem:s17+$0x10];
	v8 =	vadd.f32 v9, v8;
	v5 =	vmax.f32 v5, v12  }
0x58: {  	v9 =	vld [tilespmem:s17+$0x0];
	v5 =	vmul.f32 $1.442695020e+00, v5  }
0x59: {  	v11 =	vadd.f32 v13, v11;
	v13 =	vld [tilespmem:s9+$0xE0];
	v12 =	vmul.f32 $2.000000030e-01, v8;
	v6 =	vadd.f32 v6, v10  }
0x5a: {  	v10 =	vld [tilespmem:s9+$0x90];
	(erf) = vpow2.f32 v5  }
0x5b: {  	v8 =	vmax.f32 v8, v12;
	v12 =	vld [tilespmem:s17+$0x20];
	v5 =	vmul.f32 $2.000000030e-01, v6  }
0x5c: {  	v16 =	vld [tilespmem:s9+$0xFFFFFF00]  }
0x5d: {  	v9 =	vadd.f32 v9, v14;
	v5 =	vmax.f32 v6, v5;
	v6 =	vmul.f32 $2.000000030e-01, v11  }
0x5e: {  	v8 =	vmul.f32 $1.442695020e+00, v8  }
0x5f: {  	v5 =	vmul.f32 $1.442695020e+00, v5;
	v6 =	vmax.f32 v11, v6;
	v11 =	vmul.f32 $2.000000030e-01, v9  }
0x60: {  	(erf) = vpow2.f32 v8;
	v10 =	vadd.f32 v15, v10;
	v12 =	vadd.f32 v12, v13  }
0x61: {  	v7 =	vadd.f32 v7, v16;
	v13 =	vld [tilespmem:s9+$0xF0];
	v6 =	vmul.f32 $1.442695020e+00, v6;
	(erf) = vpow2.f32 v5  }
0x62: {  	v8 =	vmax.f32 v9, v11;
	v9 =	vmul.f32 $2.000000030e-01, v10;
	v5 =	vmul.f32 $2.000000030e-01, v12  }
0x63: {  	v8 =	vmul.f32 $1.442695020e+00, v8;
	(erf) = vpow2.f32 v6;
	v11 =	vpop (erf)  }
0x64: {  	v6 =	vmax.f32 v10, v9;
	v9 =	vmul.f32 $2.000000030e-01, v7;
	v10 =	vperm.xlane v11, v0  }
0x65: {  	v5 =	vmax.f32 v12, v5;
	v6 =	vmul.f32 $1.442695020e+00, v6;
	(erf) = vpow2.f32 v8  }
0x66: {  	v5 =	vmul.f32 $1.442695020e+00, v5;
	v8 =	vmul.f32 v13, v10  }
0x67: {  	s1 =	simm.s32 $0x8020;
	v7 =	vmax.f32 v7, v9;
	(erf) = vpow2.f32 v6  }
0x68: {  	v6 =	vmul.f32 $1.442695020e+00, v7;
	v7 =	vld [tilespmem:s9+$0xFFFFFF60];
	(erf) = vpow2.f32 v5;
	[tilespmem:s1+$0xF0] =	vst v8  }
0x69: {  	v5 =	vld [tilespmem:s9+$0x100]  }
0x6a: {  	v13 =	vpop (erf);
	(erf) = vpow2.f32 v6;
	v6 =	vld [tilespmem:s9+$0xFFFFFF10]  }
0x6b: {  	v12 =	vpop (erf)  }
0x6c: {  	v9 =	vld [tilespmem:s9+$0xFFFFFFB0];
	v10 =	vperm.xlane v11, v2;
	v17 =	vperm.xlane v12, v0  }
0x6d: {  	v14 =	vld [tilespmem:s9+$0x0];
	v15 =	vperm.xlane v13, v0  }
0x6e: {  	v8 =	vpop (erf);
	v7 =	vmul.f32 v7, v17;
	v5 =	vmul.f32 v5, v10  }
0x6f: {  	v6 =	vmul.f32 v6, v15;
	v15 =	vperm.xlane v8, v0;
	v20 =	vpop (erf);
	v10 =	vld [tilespmem:s9+$0xA0]  }
0x70: {  	v21 =	vld [tilespmem:s9+$0xFFFFFEC0];
	v17 =	vperm.xlane v20, v0;
	v18 =	vpop (erf);
	[tilespmem:s1+$0x100] =	vst v5  }
0x71: {  	s7 =	simm.s32 $0x77D0;
	[tilespmem:s1+$0xFFFFFF60] =	vst v7;
	v19 =	vpop (erf);
	v5 =	vmul.f32 v9, v15;
	v9 =	vld [tilespmem:s9+$0x110]  }
0x72: {  	v25 =	vld [tilespmem:s7+$0xFFFFFFC0];
	[tilespmem:s1+$0xFFFFFF10] =	vst v6;
	v7 =	vmul.f32 v14, v17;
	v17 =	vperm.xlane v19, v0  }
0x73: {  	s0 =	simm.s32 $0x53C0;
	v15 =	vld [tilespmem:s9+$0xFFFFFF20]  }
0x74: {  	v29 =	vld [tilespmem:s0+$0xFFFFFF50];
	[tilespmem:s1+$0x0] =	vst v7;
	v7 =	vmul.f32 v10, v17;
	v10 =	vperm.xlane v11, v3  }
0x75: {  	v16 =	vld [tilespmem:s9+$0x50]  }
0x76: {  	v31 =	vld [tilespmem:s7+$0xFFFFFFD0];
	[tilespmem:s1+$0xA0] =	vst v7;
	v7 =	vmul.f32 v9, v10;
	v9 =	vperm.xlane v13, v2  }
0x77: {  	v33 =	vld [tilespmem:s7+$0xFFFFFFE0]  }
0x78: {  	v22 =	vld [tilespmem:s9+$0xFFFFFF70];
	v6 =	vperm.xlane v18, v0;
	[tilespmem:s1+$0x110] =	vst v7;
	v7 =	vmul.f32 v15, v9  }
0x79: {  	[tilespmem:s1+$0xFFFFFFB0] =	vst v5;
	v15 =	vld [tilespmem:s0+$0x130]  }
0x7a: {  	v14 =	vpop (erf);
	v5 =	vmul.f32 v16, v6;
	[tilespmem:s1+$0xFFFFFF20] =	vst v7;
	v7 =	vld [tilespmem:s7+$0x30]  }
0x7b: {  	v37 =	vld [tilespmem:s0+$0x40];
	v6 =	vperm.xlane v14, v0  }
0x7c: {  	v17 =	vld [tilespmem:s9+$0x10];
	[tilespmem:s1+$0x50] =	vst v5  }
0x7d: {  	v24 =	vperm.xlane v12, v2;
	v5 =	vmul.f32 v21, v6;
	v6 =	vld [tilespmem:s9+$0x60]  }
0x7e: {  	v38 =	vld [tilespmem:s7+$0x0]  }
0x7f: {  	v28 =	vperm.xlane v20, v2;
	v22 =	vmul.f32 v22, v24;
	v24 =	vld [tilespmem:s0+$0xFFFFFFA0];
	[tilespmem:s1+$0xFFFFFEC0] =	vst v5;
	v7 =	vadd.f32 v7, v15  }
0x80: {  	v30 =	vperm.xlane v18, v2;
	v10 =	vld [tilespmem:s9+$0xFFFFFED0]  }
0x81: {  	v34 =	vmul.f32 v17, v28;
	v17 =	vld [tilespmem:s0+$0xFFFFFFF0];
	v28 =	vmul.f32 $2.000000030e-01, v7  }
0x82: {  	v6 =	vmul.f32 v6, v30;
	v30 =	vld [tilespmem:s7+$0xFFFFFFF0]  }
0x83: {  	v29 =	vadd.f32 v31, v29;
	v9 =	vld [tilespmem:s9+$0x120];
	v7 =	vmax.f32 v7, v28  }
0x84: {  	v46 =	vld [tilespmem:s0+$0x90];
	v7 =	vmul.f32 $1.442695020e+00, v7  }
0x85: {  	v39 =	vld [tilespmem:s7+$0x10];
	v47 =	vmul.f32 $2.000000030e-01, v29;
	v27 =	vperm.xlane v14, v2;
	v24 =	vadd.f32 v33, v24  }
0x86: {  	v31 =	vperm.xlane v11, v4;
	v16 =	vld [tilespmem:s9+$0xFFFFFFC0];
	(erf) = vpow2.f32 v7  }
0x87: {  	v5 =	vld [tilespmem:s9+$0xB0];
	v17 =	vadd.f32 v30, v17;
	v7 =	vmul.f32 v10, v27;
	v10 =	vmul.f32 $2.000000030e-01, v24  }
0x88: {  	v23 =	vperm.xlane v13, v3;
	v31 =	vmul.f32 v9, v31;
	v9 =	vmax.f32 v29, v47;
	v29 =	vld [tilespmem:s7+$0x20]  }
0x89: {  	v35 =	vperm.xlane v12, v3;
	v27 =	vld [tilespmem:s0+$0xE0];
	v10 =	vmax.f32 v24, v10;
	v24 =	vmul.f32 $2.000000030e-01, v17  }
0x8a: {  	v26 =	vperm.xlane v8, v2;
	v36 =	vperm.xlane v8, v3;
	[tilespmem:s1+$0xFFFFFF70] =	vst v22;
	v22 =	vld [tilespmem:s0+$0xFFFFFF00]  }
0x8b: {  	v1 =	vperm.xlane v20, v4;
	v32 =	vperm.xlane v19, v2;
	v17 =	vmax.f32 v17, v24  }
0x8c: {  	v50 =	vld [tilespmem:s0+$0xFFFFFEC0];
	v48 =	vadd.f32 v38, v37;
	v9 =	vmul.f32 $1.442695020e+00, v9;
	v17 =	vmul.f32 $1.442695020e+00, v17  }
0x8d: {  	v51 =	vld [tilespmem:s0+$0xFFFFFF10];
	v5 =	vmul.f32 v5, v32;
	v32 =	vadd.f32 v39, v46;
	v10 =	vmul.f32 $1.442695020e+00, v10  }
0x8e: {  	(erf) = vpow2.f32 v9;
	v24 =	vmul.f32 $2.000000030e-01, v48;
	v27 =	vadd.f32 v29, v27;
	v29 =	vld [tilespmem:s0+$0xF0]  }
0x8f: {  	v40 =	vld [tilespmem:s0+$0xFFFFFFB0];
	v16 =	vmul.f32 v16, v26;
	v22 =	vadd.f32 v25, v22;
	(erf) = vpow2.f32 v10  }
0x90: {  	v41 =	vld [tilespmem:s0+$0x0];
	v9 =	vmax.f32 v48, v24;
	v24 =	vmul.f32 $2.000000030e-01, v32;
	(erf) = vpow2.f32 v17;
	v17 =	vpop (erf)  }
0x91: {  	v49 =	vld [tilespmem:s9+$0xFFFFFF80];
	v25 =	vmul.f32 $2.000000030e-01, v27;
	v53 =	vperm.xlane v17, v0  }
0x92: {  	[tilespmem:s1+$0xFFFFFFC0] =	vst v16;
	v21 =	vld [tilespmem:s9+$0xFFFFFF30];
	v52 =	vmul.f32 $2.000000030e-01, v22;
	v9 =	vmul.f32 $1.442695020e+00, v9;
	v24 =	vmax.f32 v32, v24  }
0x93: {  	[tilespmem:s1+$0x10] =	vst v34;
	v16 =	vld [tilespmem:s9+$0xFFFFFFD0];
	v24 =	vmul.f32 $1.442695020e+00, v24;
	v25 =	vmax.f32 v27, v25;
	v27 =	vmul.f32 v29, v53  }
0x94: {  	s17 =	simm.s32 $0x82A0;
	v42 =	vld [tilespmem:s9+$0x20];
	v22 =	vmax.f32 v22, v52;
	[tilespmem:s1+$0xFFFFFED0] =	vst v7;
	(erf) = vpow2.f32 v9;
	v25 =	vmul.f32 $1.442695020e+00, v25  }
0x95: {  	v22 =	vmul.f32 $1.442695020e+00, v22;
	(erf) = vpow2.f32 v24;
	v24 =	vld [tilespmem:s9+$0xFFFFFEE0];
	[tilespmem:s17+$0xF0] =	vst v27  }
0x96: {  	[tilespmem:s1+$0x60] =	vst v6;
	v6 =	vmul.f32 v49, v35;
	(erf) = vpow2.f32 v25;
	v25 =	vld [tilespmem:s0+$0x100]  }
0x97: {  	[tilespmem:s1+$0xB0] =	vst v5;
	v43 =	vld [tilespmem:s9+$0x70];
	v21 =	vmul.f32 v21, v23;
	(erf) = vpow2.f32 v22  }
0x98: {  	v26 =	vperm.xlane v14, v3;
	v33 =	vperm.xlane v13, v4;
	v44 =	vld [tilespmem:s9+$0xC0]  }
0x99: {  	[tilespmem:s1+$0xFFFFFF80] =	vst v6;
	v5 =	vmul.f32 v16, v36;
	v10 =	vld [tilespmem:s0+$0xFFFFFF60];
	v22 =	vpop (erf);
	v27 =	vperm.xlane v17, v2  }
0x9a: {  	v36 =	vld [tilespmem:s9+$0xFFFFFF90];
	[tilespmem:s1+$0xFFFFFF30] =	vst v21;
	v6 =	vperm.xlane v22, v0;
	v23 =	vpop (erf);
	v24 =	vmul.f32 v24, v26  }
0x9b: {  	[tilespmem:s1+$0xFFFFFFD0] =	vst v5;
	v37 =	vld [tilespmem:s9+$0xFFFFFF40];
	v5 =	vperm.xlane v23, v0;
	v21 =	vpop (erf);
	v25 =	vmul.f32 v25, v27  }
0x9c: {  	v9 =	vld [tilespmem:s0+$0x50];
	v6 =	vmul.f32 v51, v6;
	v27 =	vperm.xlane v21, v0  }
0x9d: {  	v34 =	vperm.xlane v14, v4;
	v15 =	vperm.xlane v20, v3;
	v7 =	vld [tilespmem:s0+$0xA0];
	[tilespmem:s1+$0xFFFFFEE0] =	vst v24;
	v26 =	vpop (erf)  }
0x9e: {  	v29 =	vld [tilespmem:s9+$0xFFFFFFE0];
	v5 =	vmul.f32 v10, v5;
	[tilespmem:s17+$0xFFFFFF10] =	vst v6;
	v10 =	vperm.xlane v26, v0;
	v24 =	vpop (erf)  }
0x9f: {  	v39 =	vld [tilespmem:s9+$0xFFFFFEF0];
	v54 =	vperm.xlane v24, v0;
	[tilespmem:s17+$0x100] =	vst v25;
	v6 =	vmul.f32 v40, v27;
	v25 =	vpop (erf)  }
0xa0: {  	[tilespmem:s17+$0xFFFFFF60] =	vst v5;
	v5 =	vmul.f32 v41, v10;
	v55 =	vld [tilespmem:s0+$0x110];
	v10 =	vperm.xlane v25, v0;
	v27 =	vpop (erf)  }
0xa1: {  	v45 =	vld [tilespmem:s0+$0xFFFFFF20];
	[tilespmem:s17+$0xFFFFFFB0] =	vst v6;
	v6 =	vmul.f32 v9, v54;
	v9 =	vperm.xlane v27, v0  }
0xa2: {  	v30 =	vperm.xlane v19, v3;
	v56 =	vld [tilespmem:s0+$0xFFFFFF70];
	[tilespmem:s17+$0x0] =	vst v5;
	v5 =	vmul.f32 v7, v10  }
0xa3: {  	v46 =	vld [tilespmem:s0+$0x10];
	[tilespmem:s17+$0x50] =	vst v6;
	v7 =	vperm.xlane v17, v3;
	v6 =	vmul.f32 v50, v9  }
0xa4: {  	v16 =	vperm.xlane v8, v4;
	v57 =	vld [tilespmem:s0+$0xFFFFFFC0];
	v10 =	vperm.xlane v22, v2;
	[tilespmem:s17+$0xA0] =	vst v5  }
0xa5: {  	v42 =	vmul.f32 v42, v15;
	v58 =	vld [tilespmem:s0+$0x60];
	v7 =	vmul.f32 v55, v7;
	[tilespmem:s17+$0xFFFFFEC0] =	vst v6  }
0xa6: {  	v28 =	vperm.xlane v18, v3;
	v6 =	vmul.f32 v45, v10;
	v60 =	vld [tilespmem:s0+$0xB0];
	[tilespmem:$0x1FFE0] =	vst v1  }
0xa7: {  	v32 =	vperm.xlane v12, v4;
	v1 =	vperm.xlane v19, v4;
	[tilespmem:s17+$0x110] =	vst v7  }
0xa8: {  	v30 =	vmul.f32 v44, v30;
	v28 =	vmul.f32 v43, v28;
	v47 =	vld [tilespmem:s0+$0xFFFFFED0];
	[tilespmem:s17+$0xFFFFFF20] =	vst v6  }
0xa9: {  	v33 =	vmul.f32 v37, v33;
	v32 =	vmul.f32 v36, v32;
	v40 =	vld [tilespmem:s0+$0x120];
	[tilespmem:$0x1FFF0] =	vst v1  }
0xaa: {  	s7 =	simm.s32 $0x5640;
	v59 =	vperm.xlane v21, v2;
	v9 =	vperm.xlane v23, v2;
	v48 =	vld [tilespmem:s0+$0xFFFFFF30]  }
0xab: {  	s8 =	simm.s32 $0x7850;
	v29 =	vmul.f32 v29, v16;
	v41 =	vperm.xlane v22, v3;
	v53 =	vld [tilespmem:s7+$0x130]  }
0xac: {  	v16 =	vperm.xlane v24, v4;
	v9 =	vmul.f32 v56, v9;
	v55 =	vld [tilespmem:s8+$0x30]  }
0xad: {  	v54 =	vperm.xlane v23, v3;
	v34 =	vmul.f32 v39, v34;
	v43 =	vld [tilespmem:s8+$0xFFFFFFE0]  }
0xae: {  	v61 =	vnsel vm0, $0x0, v12;
	v51 =	vperm.xlane v25, v2;
	v10 =	vmul.f32 v57, v59;
	[tilespmem:s17+$0xFFFFFF70] =	vst v9;
	v62 =	vld [tilespmem:s8+$0xFFFFFFF0]  }
0xaf: {  	v49 =	vperm.xlane v27, v2;
	v35 =	vperm.xlane v27, v3;
	[tilespmem:s1+$0xFFFFFFA0] =	vst v61;
	v61 =	vld [tilespmem:s8+$0x0]  }
0xb0: {  	v12 =	vperm.xlane v27, v4;
	v56 =	vperm.xlane v21, v3;
	[tilespmem:s17+$0xFFFFFFC0] =	vst v10;
	v50 =	vld [tilespmem:s0+$0xFFFFFF80]  }
0xb1: {  	v59 =	vnsel vm0, $0x0, v11;
	v11 =	vperm.xlane v25, v3;
	v10 =	vperm.xlane v24, v2;
	v52 =	vld [tilespmem:s0+$0xFFFFFFD0]  }
0xb2: {  	v7 =	vperm.xlane v18, v4;
	v45 =	vmul.f32 v60, v51;
	v51 =	vld [tilespmem:s7+$0xFFFFFF50]  }
0xb3: {  	v9 =	vperm.xlane v26, v2;
	v38 =	vmul.f32 v58, v10;
	v58 =	vld [tilespmem:s8+$0xFFFFFFD0];
	v15 =	vadd.f32 v55, v53  }
0xb4: {  	v13 =	vnsel vm0, $0x0, v13;
	[tilespmem:s1+$0x120] =	vst v31;
	v60 =	vld [tilespmem:s7+$0xFFFFFFA0];
	v47 =	vmul.f32 v47, v49;
	v49 =	vperm.xlane v17, v4  }
0xb5: {  	v8 =	vnsel vm0, $0x0, v8;
	[tilespmem:s1+$0x130] =	vst v59;
	v31 =	vmul.f32 v48, v41;
	v41 =	vld [tilespmem:s7+$0xFFFFFFF0];
	v63 =	vmul.f32 $2.000000030e-01, v15  }
0xb6: {  	v59 =	vnsel vm0, $0x0, v14;
	[tilespmem:s1+$0xFFFFFF50] =	vst v13;
	v13 =	vperm.xlane v22, v4;
	v14 =	vperm.xlane v23, v4;
	v53 =	vld [tilespmem:s7+$0x90]  }
0xb7: {  	[tilespmem:s1+$0xFFFFFFF0] =	vst v8;
	v40 =	vmul.f32 v40, v49;
	v50 =	vmul.f32 v50, v54;
	v54 =	vld [tilespmem:s7+$0x40];
	v49 =	vmax.f32 v15, v63  }
0xb8: {  	v8 =	vperm.xlane v26, v4;
	[tilespmem:s1+$0x20] =	vst v42;
	v55 =	vld [tilespmem:s8+$0x10];
	v51 =	vadd.f32 v58, v51;
	v49 =	vmul.f32 $1.442695020e+00, v49  }
0xb9: {  	v57 =	vld [tilespmem:s8+$0xFFFFFFC0];
	[tilespmem:s1+$0x70] =	vst v28;
	v46 =	vmul.f32 v46, v9;
	v44 =	vmul.f32 v52, v56;
	v43 =	vadd.f32 v43, v60  }
0xba: {  	[tilespmem:s1+$0xC0] =	vst v30;
	v56 =	vld [tilespmem:s8+$0x20];
	v39 =	vadd.f32 v62, v41;
	v62 =	vmul.f32 $2.000000030e-01, v51;
	(erf) = vpow2.f32 v49  }
0xbb: {  	[tilespmem:s1+$0xFFFFFEF0] =	vst v34;
	v9 =	vperm.xlane v26, v3;
	v63 =	vmul.f32 $2.000000030e-01, v43;
	v41 =	vld [tilespmem:s7+$0xE0]  }
0xbc: {  	[tilespmem:s1+$0xFFFFFF00] =	vst v59;
	v58 =	vld [tilespmem:s7+$0xFFFFFF00];
	v60 =	vadd.f32 v61, v54;
	v59 =	vmul.f32 $2.000000030e-01, v39;
	v61 =	vmax.f32 v51, v62  }
0xbd: {  	[tilespmem:s1+$0xFFFFFF40] =	vst v33;
	v52 =	vadd.f32 v55, v53;
	v62 =	vmax.f32 v43, v63;
	v36 =	vmul.f32 $1.442695020e+00, v61  }
0xbe: {  	[tilespmem:s17+$0xFFFFFF30] =	vst v31;
	v63 =	vmul.f32 $2.000000030e-01, v60;
	v31 =	vmul.f32 $1.442695020e+00, v62;
	v39 =	vmax.f32 v39, v59  }
0xbf: {  	v28 =	vld [tilespmem:s7+$0x0];
	[tilespmem:s1+$0xFFFFFF90] =	vst v32;
	v39 =	vmul.f32 $1.442695020e+00, v39;
	(erf) = vpow2.f32 v36  }
0xc0: {  	v34 =	vld [tilespmem:s7+$0xA0];
	[tilespmem:s1+$0xFFFFFFE0] =	vst v29;
	v54 =	vmax.f32 v60, v63;
	v55 =	vadd.f32 v56, v41;
	v56 =	vmul.f32 $2.000000030e-01, v52  }
0xc1: {  	[tilespmem:s17+$0xB0] =	vst v45;
	v37 =	vadd.f32 v57, v58;
	v57 =	vld [tilespmem:s7+$0xF0];
	v36 =	vmul.f32 $1.442695020e+00, v54;
	(erf) = vpow2.f32 v31  }
0xc2: {  	v45 =	vld [tilespmem:s9+$0x30];
	[tilespmem:s17+$0x60] =	vst v38;
	v31 =	vmul.f32 $2.000000030e-01, v55;
	(erf) = vpow2.f32 v39  }
0xc3: {  	v38 =	vld [tilespmem:s7+$0xFFFFFF10];
	[tilespmem:s17+$0xFFFFFF80] =	vst v50;
	v58 =	vmul.f32 $2.000000030e-01, v37;
	v41 =	vmax.f32 v52, v56;
	(erf) = vpow2.f32 v36;
	v50 =	vpop (erf)  }
0xc4: {  	[tilespmem:s17+$0xFFFFFED0] =	vst v47;
	v47 =	vld [tilespmem:s7+$0xFFFFFFB0];
	v30 =	vmul.f32 $1.442695020e+00, v41;
	v31 =	vmax.f32 v55, v31;
	v59 =	vperm.xlane v50, v0  }
0xc5: {  	v10 =	vperm.xlane v24, v3;
	[tilespmem:s17+$0x10] =	vst v46;
	v48 =	vld [tilespmem:s7+$0x50];
	v31 =	vmul.f32 $1.442695020e+00, v31  }
0xc6: {  	[tilespmem:s17+$0xFFFFFFD0] =	vst v44;
	v60 =	vmax.f32 v37, v58;
	(erf) = vpow2.f32 v30;
	v30 =	vld [tilespmem:s0+$0xFFFFFEE0];
	v61 =	vmul.f32 v57, v59  }
0xc7: {  	s10 =	simm.s32 $0x8520;
	[tilespmem:s17+$0x120] =	vst v40;
	v42 =	vld [tilespmem:s0+$0xFFFFFFE0];
	v62 =	vmul.f32 $1.442695020e+00, v60;
	(erf) = vpow2.f32 v31;
	v31 =	vnsel vm0, $0x0, v17  }
0xc8: {  	v23 =	vnsel vm0, $0x0, v23;
	v15 =	vperm.xlane v21, v4;
	v37 =	vld [tilespmem:s0+$0xFFFFFF90];
	v17 =	vperm.xlane v25, v4;
	[tilespmem:s10+$0xF0] =	vst v61  }
0xc9: {  	[tilespmem:s17+$0xFFFFFFA0] =	vst v23;
	v58 =	vperm.xlane v50, v2;
	(erf) = vpow2.f32 v62;
	v29 =	vpop (erf);
	v63 =	vld [tilespmem:s7+$0x100]  }
0xca: {  	v22 =	vnsel vm0, $0x0, v22;
	v53 =	vld [tilespmem:s7+$0xFFFFFF60];
	[tilespmem:s17+$0x130] =	vst v31;
	v56 =	vperm.xlane v29, v0;
	v49 =	vperm.xlane v29, v2;
	v31 =	vpop (erf)  }
0xcb: {  	v52 =	vnsel vm0, $0x0, v20;
	v36 =	vld [tilespmem:s0+$0xFFFFFF40];
	[tilespmem:s17+$0xFFFFFF50] =	vst v22;
	v44 =	vperm.xlane v29, v3;
	v30 =	vmul.f32 v30, v35;
	v32 =	vpop (erf)  }
0xcc: {  	v51 =	vld [tilespmem:s7+$0xFFFFFEC0];
	[tilespmem:s1+$0x40] =	vst v52;
	v22 =	vmul.f32 v38, v56;
	v23 =	vperm.xlane v32, v0;
	v33 =	vpop (erf)  }
0xcd: {  	v27 =	vnsel vm0, $0x0, v27;
	v43 =	vld [tilespmem:s0+$0xC0];
	v57 =	vperm.xlane v31, v0;
	[tilespmem:s17+$0xFFFFFEE0] =	vst v30;
	v20 =	vperm.xlane v33, v0  }
0xce: {  	[tilespmem:s10+$0xFFFFFF10] =	vst v22;
	v46 =	vld [tilespmem:s0+$0xFFFFFEF0];
	v22 =	vnsel vm0, $0x0, v18;
	v18 =	vmul.f32 v47, v23;
	v40 =	vmul.f32 v63, v58  }
0xcf: {  	v30 =	vmul.f32 v53, v57;
	[tilespmem:s17+$0xFFFFFF00] =	vst v27;
	v23 =	vnsel vm0, $0x0, v19;
	v53 =	vld [tilespmem:s7+$0xFFFFFF20];
	v19 =	vmul.f32 v28, v20  }
0xd0: {  	v39 =	vld [tilespmem:s0+$0x70];
	v38 =	vperm.xlane v31, v2;
	v54 =	vperm.xlane v32, v2;
	v35 =	vpop (erf);
	[tilespmem:s10+$0xFFFFFFB0] =	vst v18  }
0xd1: {  	v56 =	vperm.xlane v33, v2;
	v27 =	vperm.xlane v35, v0;
	v55 =	vld [tilespmem:s7+$0xFFFFFFC0];
	[tilespmem:s10+$0x0] =	vst v19  }
0xd2: {  	v41 =	vld [tilespmem:s0+$0x20];
	v52 =	vperm.xlane v33, v3;
	v59 =	vperm.xlane v35, v2;
	[tilespmem:s10+$0x100] =	vst v40;
	v40 =	vpop (erf)  }
0xd3: {  	v18 =	vmul.f32 v48, v27;
	v57 =	vld [tilespmem:s7+$0x10];
	v27 =	vperm.xlane v40, v0;
	v47 =	vpop (erf)  }
0xd4: {  	[tilespmem:s10+$0xFFFFFF60] =	vst v30;
	v20 =	vnsel vm0, $0x0, v26;
	v28 =	vld [tilespmem:s7+$0x110];
	v53 =	vmul.f32 v53, v49;
	v26 =	vperm.xlane v47, v0  }
0xd5: {  	v30 =	vld [tilespmem:s7+$0xFFFFFF70];
	v19 =	vnsel vm0, $0x0, v24;
	[tilespmem:s10+$0x50] =	vst v18;
	v60 =	vperm.xlane v40, v2;
	v24 =	vmul.f32 v34, v27  }
0xd6: {  	v48 =	vld [tilespmem:s9+$0x80];
	v18 =	vnsel vm0, $0x0, v25;
	v63 =	vmul.f32 v55, v54;
	[tilespmem:s10+$0xFFFFFF20] =	vst v53;
	v25 =	vmul.f32 v51, v26  }
0xd7: {  	v53 =	vperm.xlane v31, v3;
	v34 =	vld [tilespmem:s7+$0x60];
	v26 =	vperm.xlane v50, v3;
	[tilespmem:s10+$0xA0] =	vst v24  }
0xd8: {  	v21 =	vnsel vm0, $0x0, v21;
	v54 =	vperm.xlane v32, v3;
	v58 =	vperm.xlane v47, v2;
	[tilespmem:s10+$0xFFFFFEC0] =	vst v25;
	v61 =	vld [tilespmem:s7+$0xB0]  }
0xd9: {  	[tilespmem:s17+$0xFFFFFFF0] =	vst v21;
	v1 =	vmul.f32 v57, v56;
	v21 =	vmul.f32 v28, v26;
	v62 =	vld [tilespmem:s7+$0xFFFFFED0]  }
0xda: {  	v49 =	vld [tilespmem:s9+$0xD0];
	v27 =	vnsel vm0, $0x0, v50;
	v51 =	vperm.xlane v35, v3;
	v28 =	vmul.f32 v30, v38  }
0xdb: {  	v55 =	vld [tilespmem:s7+$0xFFFFFF30];
	v50 =	vperm.xlane v50, v4;
	v24 =	vnsel vm0, $0x0, v29;
	v26 =	vnsel vm0, $0x0, v31;
	[tilespmem:s10+$0x110] =	vst v21  }
0xdc: {  	v25 =	vnsel vm0, $0x0, v32;
	v38 =	vperm.xlane v47, v3;
	v30 =	vnsel vm0, $0x0, v35;
	[tilespmem:s10+$0xFFFFFF70] =	vst v28;
	v57 =	vld [tilespmem:s7+$0x120]  }
0xdd: {  	[tilespmem:s10+$0xFFFFFFC0] =	vst v63;
	v21 =	vnsel vm0, $0x0, v33;
	v59 =	vmul.f32 v34, v59;
	v34 =	vnsel vm0, $0x0, v40;
	v56 =	vld [tilespmem:s7+$0xFFFFFF80]  }
0xde: {  	s11 =	simm.s32 $0x10;
	s12 =	simm.s32 $0x58C0;
	s9 =	sshll.u32 s30, $0x1;
	[tilespmem:s10+$0x10] =	vst v1;
	v28 =	vnsel vm0, $0x0, v47;
	v60 =	vmul.f32 v61, v60;
	v61 =	vmul.f32 v62, v58;
	v58 =	vld [tilespmem:s7+$0xFFFFFFD0]  }
.LBB2_5:
0xdf: {  	v1 =	vld [tilespmem:s12+$0x130]  }
0xe0: {  	v62 =	vld [tilespmem:s12+$0xFFFFFF50]  }
0xe1: {  	v63 =	vperm.xlane v40, v3;
	s8 =	sadd.s32 $0x80, s8;
	v41 =	vmul.f32 v41, v9;
	v5 =	vld [tilespmem:$0x1FFE0];
	[tilespmem:s10+$0x60] =	vst v59  }
0xe2: {  	v39 =	vmul.f32 v39, v10;
	v9 =	vmov v52;
	v52 =	vld [tilespmem:s8+$0x30];
	[tilespmem:s10+$0xFFFFFED0] =	vst v61  }
0xe3: {  	v43 =	vmul.f32 v43, v11;
	v31 =	vperm.xlane v31, v4;
	v11 =	vmov v63;
	v63 =	vld [tilespmem:s8+$0xFFFFFFD0];
	[tilespmem:s17+$0x20] =	vst v41  }
0xe4: {  	v37 =	vmul.f32 v37, v14;
	[tilespmem:s17+$0x70] =	vst v39;
	v61 =	vld [tilespmem:s12+$0x40];
	v53 =	vmul.f32 v56, v53  }
0xe5: {  	v14 =	vmov v31;
	v31 =	vld [tilespmem:s8+$0x10];
	v50 =	vmul.f32 v57, v50;
	v57 =	vmul.f32 v58, v54  }
0xe6: {  	v44 =	vmul.f32 v55, v44;
	v58 =	vld [tilespmem:s12+$0xFFFFFFA0];
	[tilespmem:s10+$0xFFFFFF80] =	vst v53  }
0xe7: {  	[tilespmem:s10+$0xFFFFFFD0] =	vst v57;
	v53 =	vld [tilespmem:s8+$0xFFFFFFE0]  }
0xe8: {  	v29 =	vperm.xlane v29, v4;
	[tilespmem:s10+$0xFFFFFF30] =	vst v44;
	v1 =	vadd.f32 v52, v1;
	v44 =	vld [tilespmem:s12+$0xFFFFFFF0]  }
0xe9: {  	v59 =	vld [tilespmem:s8+$0xFFFFFFF0]  }
0xea: {  	v36 =	vmul.f32 v36, v13;
	[tilespmem:s10+$0xB0] =	vst v60;
	v13 =	vmovc v29;
	v29 =	vadd.f32 v63, v62;
	v62 =	vld [tilespmem:s8+$0x0];
	v60 =	vmul.f32 $2.000000030e-01, v1  }
0xeb: {  	v33 =	vperm.xlane v33, v4;
	v35 =	vperm.xlane v35, v4;
	v54 =	vld [tilespmem:s12+$0x90]  }
0xec: {  	v46 =	vmul.f32 v46, v12;
	[tilespmem:s10+$0x130] =	vst v27;
	v45 =	vmul.f32 v45, v5;
	v5 =	vld [tilespmem:$0x1FFF0];
	v1 =	vmax.f32 v1, v60  }
0xed: {  	v42 =	vmul.f32 v42, v15;
	v10 =	vmov v51;
	v51 =	vld [tilespmem:s8+$0xFFFFFFC0];
	[tilespmem:s17+$0xC0] =	vst v43;
	v6 =	vmul.f32 $1.442695020e+00, v1  }
0xee: {  	[tilespmem:s17+$0xFFFFFEF0] =	vst v46;
	v52 =	vmul.f32 $2.000000030e-01, v29;
	v53 =	vadd.f32 v53, v58;
	v57 =	vadd.f32 v59, v44;
	v58 =	vld [tilespmem:s12+$0xE0]  }
0xef: {  	[tilespmem:s1+$0x90] =	vst v22;
	v63 =	vmul.f32 v48, v7;
	v59 =	vld [tilespmem:s12+$0xFFFFFF00];
	v39 =	vadd.f32 v62, v61;
	(erf) = vpow2.f32 v6;
	v1 =	vmovc v17  }
0xf0: {  	v7 =	vmovc v16;
	v56 =	vmul.f32 $2.000000030e-01, v53;
	[tilespmem:$0x1FFF0] =	vst v1;
	v1 =	vmax.f32 v29, v52;
	v29 =	vld [tilespmem:s8+$0x20];
	v60 =	vmul.f32 $2.000000030e-01, v57  }
0xf1: {  	v16 =	vmovc v35;
	[tilespmem:s1+$0x30] =	vst v45;
	v31 =	vadd.f32 v31, v54;
	v55 =	vmul.f32 v49, v5;
	v62 =	vmul.f32 $2.000000030e-01, v39  }
0xf2: {  	v48 =	vld [tilespmem:s12+$0xFFFFFEC0];
	v5 =	vmovc v8;
	v8 =	vmovc v33;
	v1 =	vmul.f32 $1.442695020e+00, v1;
	v33 =	vmax.f32 v53, v56;
	v35 =	vmax.f32 v57, v60  }
0xf3: {  	v22 =	vmovc v19;
	v19 =	vmovc v30;
	[tilespmem:s17+$0xFFFFFF40] =	vst v36;
	v41 =	vld [tilespmem:s7+$0x20];
	v30 =	vmax.f32 v39, v62;
	v53 =	vmul.f32 $2.000000030e-01, v31;
	v33 =	vmul.f32 $1.442695020e+00, v33  }
0xf4: {  	[tilespmem:s17+$0xFFFFFF90] =	vst v37;
	v36 =	vld [tilespmem:s7+$0xFFFFFF40];
	v35 =	vmul.f32 $1.442695020e+00, v35;
	(erf) = vpow2.f32 v1;
	v27 =	vadd.f32 v51, v59  }
0xf5: {  	[tilespmem:s10+$0x120] =	vst v50;
	v37 =	vld [tilespmem:s7+$0xFFFFFF90];
	v30 =	vmul.f32 $1.442695020e+00, v30;
	v29 =	vadd.f32 v29, v58;
	(erf) = vpow2.f32 v33  }
0xf6: {  	[tilespmem:s17+$0xFFFFFFE0] =	vst v42;
	v54 =	vld [tilespmem:s12+$0xF0];
	v31 =	vmax.f32 v31, v53;
	v56 =	vmul.f32 $2.000000030e-01, v27;
	(erf) = vpow2.f32 v35  }
0xf7: {  	v42 =	vld [tilespmem:s7+$0xFFFFFFE0];
	[tilespmem:s1+$0xD0] =	vst v55;
	v31 =	vmul.f32 $1.442695020e+00, v31;
	v55 =	vmul.f32 $2.000000030e-01, v29  }
0xf8: {  	v47 =	vperm.xlane v47, v4;
	v45 =	vld [tilespmem:s0+$0x30];
	v27 =	vmax.f32 v27, v56;
	v50 =	vpop (erf);
	(erf) = vpow2.f32 v30  }
0xf9: {  	[tilespmem:s1+$0x80] =	vst v63;
	v30 =	vld [tilespmem:s7+$0xFFFFFEE0];
	v29 =	vmax.f32 v29, v55;
	v57 =	vperm.xlane v50, v0;
	(erf) = vpow2.f32 v31  }
0xfa: {  	v63 =	vld [tilespmem:s12+$0xFFFFFF60];
	[tilespmem:$0x1FFE0] =	vst v5;
	v31 =	vmul.f32 $1.442695020e+00, v27;
	v5 =	vmul.f32 $1.442695020e+00, v29  }
0xfb: {  	v32 =	vperm.xlane v32, v4;
	v61 =	vld [tilespmem:s12+$0xFFFFFF10];
	v33 =	vmul.f32 v54, v57  }
0xfc: {  	v12 =	vmov v47;
	v47 =	vld [tilespmem:s12+$0x50];
	[tilespmem:s1+$0xE0] =	vst v23;
	s1 =	smov.u32 s17;
	s17 =	smov.u32 s10;
	s10 =	sadd.s32 $0x280, s10;
	(erf) = vpow2.f32 v5  }
0xfd: {  	v40 =	vperm.xlane v40, v4;
	v1 =	vld [tilespmem:s12+$0xFFFFFFB0];
	v29 =	vpop (erf);
	[tilespmem:s10+$0xF0] =	vst v33;
	(erf) = vpow2.f32 v31  }
0xfe: {  	v15 =	vmov v32;
	[tilespmem:s17+$0xFFFFFF50] =	vst v24;
	v58 =	vperm.xlane v29, v0;
	v30 =	vmul.f32 v30, v38;
	v35 =	vld [tilespmem:s12+$0x100];
	v31 =	vpop (erf)  }
0xff: {  	v17 =	vmov v40;
	v40 =	vld [tilespmem:s12+$0x0];
	[tilespmem:s17+$0xFFFFFFA0] =	vst v26;
	v62 =	vperm.xlane v50, v2;
	v60 =	vperm.xlane v31, v0;
	v32 =	vpop (erf)  }
0x100: {  	v49 =	vld [tilespmem:s12+$0xA0];
	v5 =	vmul.f32 v61, v58;
	[tilespmem:s17+$0xFFFFFEE0] =	vst v30;
	v61 =	vperm.xlane v32, v0  }
0x101: {  	v51 =	vperm.xlane v29, v2;
	v46 =	vld [tilespmem:s7+$0xFFFFFEF0];
	[tilespmem:s17+$0xFFFFFF00] =	vst v28;
	v30 =	vmul.f32 v63, v60  }
0x102: {  	v43 =	vld [tilespmem:s7+$0xC0];
	v44 =	vperm.xlane v29, v3;
	[tilespmem:s10+$0xFFFFFF10] =	vst v5;
	v33 =	vpop (erf);
	v1 =	vmul.f32 v1, v61  }
0x103: {  	v39 =	vld [tilespmem:s7+$0x70];
	v63 =	vperm.xlane v33, v0;
	v53 =	vmul.f32 v35, v62;
	v35 =	vpop (erf);
	[tilespmem:s10+$0xFFFFFF60] =	vst v30  }
0x104: {  	v54 =	vperm.xlane v31, v2;
	v55 =	vld [tilespmem:s12+$0xFFFFFF20];
	v28 =	vperm.xlane v35, v0;
	[tilespmem:s10+$0xFFFFFFB0] =	vst v1  }
0x105: {  	v59 =	vnsel vm0, $0x0, v29;
	v57 =	vperm.xlane v32, v2;
	v38 =	vld [tilespmem:s12+$0xFFFFFF70];
	v58 =	vmul.f32 v40, v63;
	[tilespmem:s10+$0x100] =	vst v53;
	v40 =	vpop (erf)  }
0x106: {  	v52 =	vnsel vm0, $0x0, v32;
	v62 =	vld [tilespmem:s12+$0xFFFFFFC0];
	[tilespmem:s17+$0xFFFFFFF0] =	vst v25;
	v1 =	vmul.f32 v47, v28;
	v53 =	vperm.xlane v40, v0;
	v47 =	vpop (erf)  }
0x107: {  	v24 =	vmovc v59;
	v25 =	vmov v52;
	v52 =	vperm.xlane v35, v2;
	v59 =	vld [tilespmem:s12+$0x110];
	[tilespmem:s10+$0x0] =	vst v58;
	v60 =	vperm.xlane v47, v0  }
0x108: {  	v58 =	vperm.xlane v33, v2;
	v63 =	vld [tilespmem:s12+$0x10];
	[tilespmem:s10+$0x50] =	vst v1;
	v1 =	vmul.f32 v49, v53  }
0x109: {  	v61 =	vperm.xlane v47, v2;
	v49 =	vmul.f32 v48, v60;
	v60 =	vld [tilespmem:s12+$0x60]  }
0x10a: {  	v51 =	vmul.f32 v55, v51;
	v53 =	vperm.xlane v50, v3;
	v48 =	vld [tilespmem:s0+$0x80];
	[tilespmem:s10+$0xA0] =	vst v1  }
0x10b: {  	s11 =	sadd.s32 $0x8, s11;
	v27 =	vnsel vm0, $0x0, v50;
	v50 =	vperm.xlane v50, v4;
	v54 =	vmul.f32 v38, v54;
	[tilespmem:s10+$0xFFFFFEC0] =	vst v49;
	v5 =	vld [tilespmem:s12+$0xB0]  }
0x10c: {  	p1 =	slt.u32 s11, $0x70;
	v26 =	vnsel vm0, $0x0, v31;
	v38 =	vperm.xlane v47, v3;
	[tilespmem:s10+$0xFFFFFF20] =	vst v51;
	v51 =	vperm.xlane v35, v3;
	v6 =	vld [tilespmem:s12+$0xFFFFFED0]  }
.Ltmp1:
0x10d: {  	v56 =	vnsel vm0, $0x0, v33;
	[tilespmem:s1+$0x40] =	vst v20;
	v1 =	vperm.xlane v40, v2;
	v62 =	vmul.f32 v62, v57;
	v55 =	vld [tilespmem:s12+$0xFFFFFF30];
	(pc) =	sbr.rel @p1 .LBB2_5-.Ltmp1, $4  }
0x10e: {  	v23 =	vmovc v18;
	v30 =	vnsel vm0, $0x0, v35;
	v59 =	vmul.f32 v59, v53;
	v49 =	vld [tilespmem:s0+$0xD0];
	v53 =	vperm.xlane v31, v3;
	[tilespmem:s10+$0xFFFFFF70] =	vst v54  }
0x10f: {  	v20 =	vmovc v21;
	v21 =	vmov v56;
	s0 =	smov.u32 s7;
	s7 =	smov.u32 s12;
	v54 =	vperm.xlane v32, v3;
	v63 =	vmul.f32 v63, v58;
	v56 =	vld [tilespmem:s12+$0xFFFFFF80];
	[tilespmem:s10+$0xFFFFFFC0] =	vst v62  }
0x110: {  	v18 =	vmovc v34;
	v34 =	vnsel vm0, $0x0, v40;
	[tilespmem:s10+$0x110] =	vst v59;
	v58 =	vld [tilespmem:s7+$0xFFFFFFD0];
	v59 =	vmul.f32 v60, v52;
	v52 =	vperm.xlane v33, v3  }
0x111: {  	v28 =	vnsel vm0, $0x0, v47;
	v57 =	vld [tilespmem:s12+$0x120];
	[tilespmem:s10+$0x10] =	vst v63;
	s12 =	sadd.s32 $0x280, s12;
	v60 =	vmul.f32 v5, v1;
	v61 =	vmul.f32 v6, v61  }
0x112: {  	[tilespmem:s10+$0x60] =	vst v59  }
0x113: {  	v5 =	vmul.f32 v55, v44;
	[tilespmem:s10+$0xFFFFFED0] =	vst v61  }
0x114: {  	[tilespmem:s10+$0xB0] =	vst v60;
	v6 =	vmul.f32 v56, v53  }
0x115: {  	[tilespmem:s10+$0xFFFFFF30] =	vst v5;
	v5 =	vmul.f32 v41, v9  }
0x116: {  	v1 =	vmul.f32 v57, v50;
	[tilespmem:s10+$0xFFFFFF80] =	vst v6  }
0x117: {  	v6 =	vmul.f32 v39, v10;
	[tilespmem:s17+$0x20] =	vst v5  }
0x118: {  	v5 =	vmul.f32 v46, v12;
	[tilespmem:s10+$0x120] =	vst v1  }
0x119: {  	v1 =	vmul.f32 v58, v54;
	[tilespmem:s17+$0x70] =	vst v6  }
0x11a: {  	v6 =	vmul.f32 v36, v13;
	[tilespmem:s17+$0xFFFFFEF0] =	vst v5  }
0x11b: {  	[tilespmem:s10+$0xFFFFFFD0] =	vst v1;
	v1 =	vmul.f32 v43, v11  }
0x11c: {  	v5 =	vmul.f32 v42, v15;
	[tilespmem:s17+$0xFFFFFF40] =	vst v6  }
0x11d: {  	[tilespmem:s17+$0xC0] =	vst v1;
	v1 =	vmul.f32 v37, v14  }
0x11e: {  	v6 =	vld [tilespmem:$0x1FFE0];
	[tilespmem:s17+$0xFFFFFFE0] =	vst v5  }
0x11f: {  	[tilespmem:s17+$0xFFFFFF90] =	vst v1  }
0x120: {  	v5 =	vld [tilespmem:$0x1FFF0];
	[tilespmem:s1+$0x90] =	vst v22  }
0x121: {  	[tilespmem:s1+$0xE0] =	vst v23  }
0x122: {  	v53 =	vld [tilespmem:s7+$0xC0];
	v1 =	vmul.f32 v48, v7;
	[tilespmem:s10+$0x130] =	vst v27  }
0x123: {  	v7 =	vld [tilespmem:s7+$0xFFFFFF40];
	[tilespmem:s10+$0xFFFFFF50] =	vst v24;
	v6 =	vmul.f32 v45, v6  }
0x124: {  	[tilespmem:s1+$0x80] =	vst v1;
	v1 =	vld [tilespmem:s7+$0x20]  }
0x125: {  	v56 =	vperm.xlane v40, v3;
	[tilespmem:s1+$0x30] =	vst v6;
	v6 =	vld [tilespmem:s7+$0xFFFFFEE0]  }
0x126: {  	v54 =	vld [tilespmem:s7+$0xFFFFFF90];
	[tilespmem:s10+$0xFFFFFFA0] =	vst v26  }
0x127: {  	v9 =	vmul.f32 v53, v56;
	v55 =	vld [tilespmem:s7+$0xFFFFFFE0];
	[tilespmem:s10+$0xFFFFFFF0] =	vst v25  }
0x128: {  	v57 =	vld [tilespmem:s0+$0x30];
	[tilespmem:s17+$0x40] =	vst v20;
	v5 =	vmul.f32 v49, v5  }
0x129: {  	[tilespmem:s10+$0xC0] =	vst v9;
	v1 =	vmul.f32 v1, v52  }
0x12a: {  	[tilespmem:s1+$0xD0] =	vst v5;
	v5 =	vld [tilespmem:s7+$0x70];
	v6 =	vmul.f32 v6, v38  }
0x12b: {  	v59 =	vperm.xlane v29, v4;
	v61 =	vld [tilespmem:s0+$0xD0];
	[tilespmem:s10+$0x20] =	vst v1  }
0x12c: {  	v60 =	vld [tilespmem:s0+$0x80];
	v1 =	vperm.xlane v31, v4;
	[tilespmem:s10+$0xFFFFFEE0] =	vst v6  }
0x12d: {  	[tilespmem:s17+$0x90] =	vst v19;
	v7 =	vmul.f32 v7, v59;
	v6 =	vld [tilespmem:s7+$0xFFFFFEF0]  }
0x12e: {  	[tilespmem:s17+$0xE0] =	vst v18;
	v1 =	vmul.f32 v54, v1  }
0x12f: {  	[tilespmem:s10+$0xFFFFFF40] =	vst v7;
	v5 =	vmul.f32 v5, v51  }
0x130: {  	v58 =	vperm.xlane v47, v4;
	v7 =	vmul.f32 v61, v17;
	[tilespmem:s10+$0xFFFFFF90] =	vst v1  }
0x131: {  	v1 =	vmul.f32 v60, v16;
	[tilespmem:s10+$0x70] =	vst v5;
	v5 =	vperm.xlane v32, v4  }
0x132: {  	[tilespmem:s17+$0xD0] =	vst v7;
	v6 =	vmul.f32 v6, v58  }
0x133: {  	[tilespmem:s17+$0x80] =	vst v1;
	v1 =	vld [tilespmem:s7+$0xD0];
	v5 =	vmul.f32 v55, v5  }
0x134: {  	[tilespmem:s10+$0xFFFFFEF0] =	vst v6;
	v6 =	vmul.f32 v57, v8  }
0x135: {  	[tilespmem:s10+$0xFFFFFFE0] =	vst v5;
	v5 =	vld [tilespmem:s7+$0x30]  }
0x136: {  	v63 =	vperm.xlane v40, v4;
	[tilespmem:s17+$0x30] =	vst v6;
	v6 =	vld [tilespmem:s7+$0x80]  }
0x137: {  	[tilespmem:s10+$0xFFFFFF00] =	vst v28  }
0x138: {  	v62 =	vperm.xlane v33, v4;
	[tilespmem:s10+$0xE0] =	vst v34;
	v1 =	vmul.f32 v1, v63  }
0x139: {  	v7 =	vperm.xlane v35, v4;
	[tilespmem:s10+$0x40] =	vst v21  }
0x13a: {  	[tilespmem:s10+$0xD0] =	vst v1;
	v5 =	vmul.f32 v5, v62  }
0x13b: {  	[tilespmem:s10+$0x90] =	vst v30;
	v6 =	vmul.f32 v6, v7  }
0x13c: {  	[tilespmem:s10+$0x30] =	vst v5  }
0x13d: {  	s0 =	simm.s32 $0x0;
	s1 =	simm.s32 $0x7E90;
	[tilespmem:s10+$0x80] =	vst v6  }
.LBB2_7:
0x13e: {  	s7 =	sshra.s32 s0, $0x2;
	v5 =	vld [tilespmem:s1+$0x0]  }
0x13f: {  	v1 =	vld [tilespmem:s7+$0x75C0];
	_ =	sdelay $0x4  }
0x140: {  	v1 =	vadd.f32 v5, v1;
	_ =	sdelay $0x1  }
0x141: {  	v5 =	vmul.f32 $2.000000030e-01, v1;
	_ =	sdelay $0x1  }
0x142: {  	v1 =	vmax.f32 v1, v5  }
0x143: {  	v1 =	vmul.f32 $1.442695020e+00, v1;
	_ =	sdelay $0x1  }
0x144: {  	(erf) = vpow2.f32 v1;
	_ =	sdelay $0x6  }
0x145: {  	v1 =	vld [tilespmem:s7+$0x7580]  }
0x146: {  	v5 =	vld [tilespmem:s7+$0x7590]  }
0x147: {  	v7 =	vld [tilespmem:s7+$0x75A0];
	v6 =	vpop (erf)  }
0x148: {  	v9 =	vld [tilespmem:s7+$0x75B0];
	v8 =	vperm.xlane v6, v0  }
0x149: {  	v10 =	vperm.xlane v6, v2  }
0x14a: {  	v62 =	vperm.xlane v6, v3;
	v1 =	vmul.f32 v1, v8  }
0x14b: {  	p1 =	sne.s32 s0, $0x500;
	v63 =	vperm.xlane v6, v4;
	v5 =	vmul.f32 v5, v10  }
.Ltmp2:
0x14c: {  	[tilespmem:s7+$0xA460] =	vst v1;
	v1 =	vmul.f32 v7, v62;
	(pc) =	sbr.rel @p1 .LBB2_7-.Ltmp2, $4  }
0x14d: {  	[tilespmem:s7+$0xA470] =	vst v5;
	v5 =	vmul.f32 v9, v63  }
0x14e: {  	[tilespmem:s7+$0xA480] =	vst v1  }
0x14f: {  	[tilespmem:s7+$0xA490] =	vst v5;
	v1 =	vnsel vm0, $0x0, v6  }
0x150: {  	s1 =	sadd.s32 $0x10, s1;
	s0 =	sadd.s32 $0x140, s0;
	[tilespmem:s7+$0xA4A0] =	vst v1  }
0x151: {  	s0 =	sshll.u32 s30, $0x8  }
0x152: {  	s0 =	sand.u32 $0x3FFFFF00, s0  }
0x153: {  	s0 =	sadd.s32 $0x2800, s0  }
0x154: {  	[spmem:s3] =	stream.indirect.scatter.add.f32 [tilespmem:s24], [sflag:$0x3], $0x50, s0, s18, $0xb8;
	[tilespmem:$0x1EBE0] =	vst v63  }
0x155: {  	_ =	swait.ge [sflag:s25], $0x2710  }
0x156: {  	[sflag:s25] =	ssyncset.done $0x0  }
0x157: {  	[sflag:s25] =	ssyncadd.s32 $0xFFFFD8F0  }
0x158: {  	s11 =	smin.u32 s9, $0x4D;
	_ =	swait.ge [sflag:s25], $0x7D0  }
0x159: {  	s0 =	sshll.u32 s11, $0x7;
	[sflag:s25] =	ssyncset.done $0x0  }
0x15a: {  	s1 =	sadd.s32 $0x100, s0;
	[sflag:s25] =	ssyncadd.s32 $0xFFFFF830  }
0x15b: {  	[tilespmem:s19], [sflag:$0x1] =	stream.indirect.gather [hbm4b:s5+s18], $0x50, s1, s18, $0xb8;
	[tilespmem:$0x1EBE0] =	vst v63  }
0x15c: {  	s0 =	sadd.s32 $0x2900, s0  }
0x15d: {  	[tilespmem:s20], [sflag:$0x1] =	stream.indirect.gather [hbm4b:s2+s18], $0x10, s0, s18, $0xb8;
	[tilespmem:$0x1EBE0] =	vst v63  }
0x15e: {  	s0 =	simm.s32 @!p0 $0x4  }
0x15f: {  	_ =	swait.ge @!p0 [sflag:s0], $0x2710  }
0x160: {  	[sflag:s0] =	ssyncset.done @!p0 $0x0  }
0x161: {  	s12 =	simm.s32 $0xA730;
	[sflag:s0] =	ssyncadd.s32 @!p0 $0xFFFFD8F0  }
0x162: {  	s17 =	simm.s32 $0xCD40;
	v1 =	vld [tilespmem:s12+$0x130]  }
0x163: {  	v5 =	vld [tilespmem:s17+$0x30];
	_ =	sdelay $0x1  }
0x164: {  	v7 =	vld [tilespmem:s12+$0xFFFFFF50]  }
0x165: {  	v8 =	vld [tilespmem:s17+$0xFFFFFFD0]  }
0x166: {  	v9 =	vld [tilespmem:s12+$0xFFFFFFA0]  }
0x167: {  	v10 =	vld [tilespmem:s12+$0xFFFFFFF0];
	v1 =	vadd.f32 v5, v1  }
0x168: {  	v5 =	vld [tilespmem:s17+$0xFFFFFFE0]  }
0x169: {  	v12 =	vld [tilespmem:s17+$0xFFFFFFF0];
	v11 =	vmul.f32 $2.000000030e-01, v1  }
0x16a: {  	v6 =	vld [tilespmem:s17+$0xFFFFFFC0]  }
0x16b: {  	v13 =	vld [tilespmem:s12+$0x40];
	v1 =	vmax.f32 v1, v11  }
0x16c: {  	v7 =	vadd.f32 v8, v7;
	v8 =	vld [tilespmem:s17+$0x0];
	v1 =	vmul.f32 $1.442695020e+00, v1  }
0x16d: {  	v14 =	vld [tilespmem:s17+$0x10];
	v5 =	vadd.f32 v5, v9  }
0x16e: {  	v10 =	vadd.f32 v12, v10;
	v12 =	vld [tilespmem:s12+$0xE0];
	v11 =	vmul.f32 $2.000000030e-01, v7;
	(erf) = vpow2.f32 v1  }
0x16f: {  	v9 =	vld [tilespmem:s12+$0x90];
	v1 =	vmul.f32 $2.000000030e-01, v5  }
0x170: {  	v7 =	vmax.f32 v7, v11;
	v11 =	vld [tilespmem:s17+$0x20]  }
0x171: {  	v15 =	vld [tilespmem:s12+$0xFFFFFF00];
	v8 =	vadd.f32 v8, v13;
	v1 =	vmax.f32 v5, v1;
	v5 =	vmul.f32 $2.000000030e-01, v10  }
0x172: {  	v7 =	vmul.f32 $1.442695020e+00, v7  }
0x173: {  	v1 =	vmul.f32 $1.442695020e+00, v1;
	v5 =	vmax.f32 v10, v5;
	v10 =	vmul.f32 $2.000000030e-01, v8  }
0x174: {  	(erf) = vpow2.f32 v7;
	v9 =	vadd.f32 v14, v9;
	v5 =	vmul.f32 $1.442695020e+00, v5  }
0x175: {  	(erf) = vpow2.f32 v1;
	v7 =	vmax.f32 v8, v10;
	v10 =	vadd.f32 v11, v12;
	v12 =	vld [tilespmem:s12+$0xF0]  }
0x176: {  	v6 =	vadd.f32 v6, v15;
	v8 =	vmul.f32 $2.000000030e-01, v9;
	v7 =	vmul.f32 $1.442695020e+00, v7  }
0x177: {  	(erf) = vpow2.f32 v5;
	v1 =	vmul.f32 $2.000000030e-01, v10;
	v11 =	vpop (erf)  }
0x178: {  	v5 =	vmax.f32 v9, v8;
	v8 =	vmul.f32 $2.000000030e-01, v6;
	v9 =	vperm.xlane v11, v0  }
0x179: {  	v5 =	vmul.f32 $1.442695020e+00, v5;
	(erf) = vpow2.f32 v7;
	v1 =	vmax.f32 v10, v1  }
0x17a: {  	v1 =	vmul.f32 $1.442695020e+00, v1;
	v7 =	vmul.f32 v12, v9  }
0x17b: {  	s1 =	simm.s32 $0xD610;
	v6 =	vmax.f32 v6, v8;
	(erf) = vpow2.f32 v5  }
0x17c: {  	v5 =	vmul.f32 $1.442695020e+00, v6;
	v6 =	vld [tilespmem:s12+$0xFFFFFF60];
	(erf) = vpow2.f32 v1;
	[tilespmem:s1+$0xF0] =	vst v7  }
0x17d: {  	v1 =	vld [tilespmem:s12+$0x100]  }
0x17e: {  	v13 =	vpop (erf);
	(erf) = vpow2.f32 v5;
	v5 =	vld [tilespmem:s12+$0xFFFFFF10]  }
0x17f: {  	v12 =	vpop (erf)  }
0x180: {  	v9 =	vperm.xlane v11, v2;
	v7 =	vld [tilespmem:s12+$0xFFFFFFB0];
	v16 =	vperm.xlane v12, v0  }
0x181: {  	v10 =	vld [tilespmem:s12+$0x0];
	v14 =	vperm.xlane v13, v0  }
0x182: {  	v17 =	vld [tilespmem:s12+$0xFFFFFEC0];
	v8 =	vpop (erf);
	v6 =	vmul.f32 v6, v16;
	v1 =	vmul.f32 v1, v9  }
0x183: {  	s7 =	simm.s32 $0xCDC0;
	v20 =	vpop (erf);
	v5 =	vmul.f32 v5, v14;
	v14 =	vperm.xlane v8, v0;
	v9 =	vld [tilespmem:s12+$0xA0]  }
0x184: {  	v24 =	vld [tilespmem:s7+$0xFFFFFFC0];
	v16 =	vperm.xlane v20, v0;
	v18 =	vpop (erf);
	[tilespmem:s1+$0x100] =	vst v1  }
0x185: {  	[tilespmem:s1+$0xFFFFFF60] =	vst v6;
	v1 =	vmul.f32 v7, v14;
	v19 =	vpop (erf);
	v7 =	vld [tilespmem:s12+$0x110]  }
0x186: {  	v15 =	vld [tilespmem:s12+$0x50];
	[tilespmem:s1+$0xFFFFFF10] =	vst v5;
	v6 =	vmul.f32 v10, v16;
	v10 =	vperm.xlane v19, v0  }
0x187: {  	s0 =	simm.s32 $0xA9B0;
	v21 =	vld [tilespmem:s12+$0xFFFFFF20]  }
0x188: {  	v27 =	vld [tilespmem:s0+$0xFFFFFF50];
	[tilespmem:s1+$0x0] =	vst v6;
	v6 =	vmul.f32 v9, v10;
	v9 =	vperm.xlane v11, v3  }
0x189: {  	v30 =	vld [tilespmem:s7+$0xFFFFFFD0];
	v5 =	vperm.xlane v18, v0  }
0x18a: {  	v32 =	vld [tilespmem:s7+$0xFFFFFFE0];
	v14 =	vpop (erf);
	[tilespmem:s1+$0xA0] =	vst v6;
	v6 =	vmul.f32 v7, v9;
	v7 =	vperm.xlane v13, v2  }
0x18b: {  	v33 =	vld [tilespmem:s0+$0xFFFFFFF0];
	[tilespmem:s1+$0xFFFFFFB0] =	vst v1;
	v1 =	vmul.f32 v15, v5;
	v5 =	vperm.xlane v14, v0  }
0x18c: {  	v16 =	vld [tilespmem:s12+$0xFFFFFF70];
	[tilespmem:s1+$0x110] =	vst v6;
	v6 =	vmul.f32 v21, v7  }
0x18d: {  	[tilespmem:s1+$0x50] =	vst v1;
	v1 =	vmul.f32 v17, v5;
	v17 =	vld [tilespmem:s0+$0x130]  }
0x18e: {  	[tilespmem:s1+$0xFFFFFF20] =	vst v6;
	v6 =	vld [tilespmem:s7+$0x30]  }
0x18f: {  	v34 =	vld [tilespmem:s0+$0x40]  }
0x190: {  	v10 =	vld [tilespmem:s12+$0x10]  }
0x191: {  	v23 =	vperm.xlane v12, v2;
	v5 =	vld [tilespmem:s12+$0x60]  }
0x192: {  	[tilespmem:s1+$0xFFFFFEC0] =	vst v1;
	v1 =	vld [tilespmem:s12+$0xB0]  }
0x193: {  	v28 =	vperm.xlane v20, v2;
	v16 =	vmul.f32 v16, v23;
	v23 =	vld [tilespmem:s0+$0xFFFFFFA0];
	v6 =	vadd.f32 v6, v17  }
0x194: {  	v29 =	vperm.xlane v18, v2;
	v31 =	vperm.xlane v19, v2;
	v9 =	vld [tilespmem:s12+$0xFFFFFED0]  }
0x195: {  	v27 =	vadd.f32 v30, v27;
	v10 =	vmul.f32 v10, v28;
	v7 =	vld [tilespmem:s12+$0x120];
	v28 =	vmul.f32 $2.000000030e-01, v6  }
0x196: {  	v5 =	vmul.f32 v5, v29;
	v29 =	vld [tilespmem:s7+$0xFFFFFFF0]  }
0x197: {  	v37 =	vld [tilespmem:s7+$0x0];
	v38 =	vmul.f32 $2.000000030e-01, v27;
	v1 =	vmul.f32 v1, v31;
	v6 =	vmax.f32 v6, v28  }
0x198: {  	v15 =	vld [tilespmem:s12+$0xFFFFFFC0];
	v31 =	vperm.xlane v11, v4;
	v6 =	vmul.f32 $1.442695020e+00, v6  }
0x199: {  	v53 =	vld [tilespmem:s0+$0x90];
	v25 =	vperm.xlane v8, v2;
	v26 =	vperm.xlane v14, v2;
	v23 =	vadd.f32 v32, v23  }
0x19a: {  	v39 =	vld [tilespmem:s7+$0x10];
	v31 =	vmul.f32 v7, v31;
	v7 =	vmax.f32 v27, v38;
	(erf) = vpow2.f32 v6  }
0x19b: {  	v27 =	vld [tilespmem:s7+$0x20];
	v6 =	vmul.f32 v9, v26;
	v9 =	vmul.f32 $2.000000030e-01, v23;
	v26 =	vadd.f32 v29, v33  }
0x19c: {  	v54 =	vadd.f32 v37, v34;
	v22 =	vperm.xlane v13, v3;
	v7 =	vmul.f32 $1.442695020e+00, v7;
	v29 =	vld [tilespmem:s0+$0xE0]  }
0x19d: {  	[tilespmem:s1+$0xFFFFFF70] =	vst v16;
	v16 =	vld [tilespmem:s0+$0xFFFFFF00];
	v17 =	vmul.f32 v15, v25;
	v9 =	vmax.f32 v23, v9;
	v23 =	vmul.f32 $2.000000030e-01, v26  }
0x19e: {  	v35 =	vperm.xlane v12, v3;
	(erf) = vpow2.f32 v7  }
0x19f: {  	v57 =	vld [tilespmem:s0+$0xFFFFFEC0];
	[tilespmem:s1+$0xFFFFFFC0] =	vst v17;
	v17 =	vmax.f32 v26, v23;
	v23 =	vmul.f32 $2.000000030e-01, v54;
	v26 =	vadd.f32 v39, v53  }
0x1a0: {  	v40 =	vld [tilespmem:s0+$0xFFFFFF10];
	v9 =	vmul.f32 $1.442695020e+00, v9;
	v17 =	vmul.f32 $1.442695020e+00, v17  }
0x1a1: {  	v41 =	vld [tilespmem:s0+$0xFFFFFFB0];
	v27 =	vadd.f32 v27, v29;
	v7 =	vmax.f32 v54, v23;
	v23 =	vmul.f32 $2.000000030e-01, v26  }
0x1a2: {  	v16 =	vadd.f32 v24, v16;
	v29 =	vld [tilespmem:s0+$0xF0];
	(erf) = vpow2.f32 v9;
	v7 =	vmul.f32 $1.442695020e+00, v7  }
0x1a3: {  	v55 =	vld [tilespmem:s12+$0xFFFFFF80];
	v24 =	vmul.f32 $2.000000030e-01, v27;
	(erf) = vpow2.f32 v17;
	v23 =	vmax.f32 v26, v23  }
0x1a4: {  	v21 =	vld [tilespmem:s12+$0xFFFFFF30];
	v26 =	vmul.f32 $2.000000030e-01, v16;
	v17 =	vpop (erf);
	v23 =	vmul.f32 $1.442695020e+00, v23  }
0x1a5: {  	v42 =	vld [tilespmem:s0+$0x0];
	[tilespmem:s1+$0x10] =	vst v10;
	v24 =	vmax.f32 v27, v24;
	(erf) = vpow2.f32 v7;
	v58 =	vperm.xlane v17, v0  }
0x1a6: {  	v43 =	vld [tilespmem:s12+$0x20];
	[tilespmem:s1+$0x60] =	vst v5;
	v16 =	vmax.f32 v16, v26;
	v24 =	vmul.f32 $1.442695020e+00, v24;
	(erf) = vpow2.f32 v23  }
0x1a7: {  	v56 =	vld [tilespmem:s12+$0xFFFFFFD0];
	[tilespmem:s1+$0xFFFFFED0] =	vst v6;
	v16 =	vmul.f32 $1.442695020e+00, v16;
	v26 =	vmul.f32 v29, v58  }
0x1a8: {  	s17 =	simm.s32 $0xD890;
	v5 =	vmul.f32 v55, v35;
	[tilespmem:s1+$0xB0] =	vst v1;
	v27 =	vld [tilespmem:s12+$0xFFFFFEE0];
	(erf) = vpow2.f32 v24  }
0x1a9: {  	v38 =	vld [tilespmem:s12+$0x70];
	v21 =	vmul.f32 v21, v22;
	(erf) = vpow2.f32 v16;
	[tilespmem:s17+$0xF0] =	vst v26  }
0x1aa: {  	v36 =	vperm.xlane v8, v3;
	[tilespmem:s1+$0xFFFFFF80] =	vst v5;
	v22 =	vpop (erf);
	v10 =	vld [tilespmem:s0+$0x100]  }
0x1ab: {  	v44 =	vld [tilespmem:s12+$0xC0];
	v25 =	vperm.xlane v14, v3;
	[tilespmem:s1+$0xFFFFFF30] =	vst v21;
	v5 =	vperm.xlane v22, v0  }
0x1ac: {  	v37 =	vld [tilespmem:s12+$0xFFFFFF40];
	v1 =	vmul.f32 v56, v36;
	v24 =	vperm.xlane v17, v2;
	v23 =	vpop (erf)  }
0x1ad: {  	v9 =	vld [tilespmem:s0+$0xFFFFFF60];
	v5 =	vmul.f32 v40, v5;
	v25 =	vmul.f32 v27, v25;
	v21 =	vpop (erf)  }
0x1ae: {  	[tilespmem:s1+$0xFFFFFFD0] =	vst v1;
	v7 =	vld [tilespmem:s0+$0x50];
	v27 =	vperm.xlane v21, v0  }
0x1af: {  	v36 =	vld [tilespmem:s12+$0xFFFFFF90];
	[tilespmem:s17+$0xFFFFFF10] =	vst v5;
	v26 =	vpop (erf);
	v10 =	vmul.f32 v10, v24  }
0x1b0: {  	v6 =	vld [tilespmem:s0+$0xA0];
	v1 =	vperm.xlane v23, v0;
	[tilespmem:s1+$0xFFFFFEE0] =	vst v25;
	v24 =	vpop (erf)  }
0x1b1: {  	v29 =	vld [tilespmem:s12+$0xFFFFFFE0];
	v5 =	vmul.f32 v41, v27;
	v25 =	vpop (erf);
	[tilespmem:s17+$0x100] =	vst v10;
	v10 =	vperm.xlane v24, v0  }
0x1b2: {  	v60 =	vld [tilespmem:s0+$0xFFFFFF20];
	v1 =	vmul.f32 v9, v1;
	v9 =	vperm.xlane v26, v0;
	v27 =	vpop (erf)  }
0x1b3: {  	[tilespmem:s17+$0xFFFFFFB0] =	vst v5;
	v59 =	vld [tilespmem:s0+$0x110];
	v5 =	vmul.f32 v7, v10;
	v7 =	vperm.xlane v27, v0  }
0x1b4: {  	v40 =	vld [tilespmem:s12+$0xFFFFFEF0];
	[tilespmem:s17+$0xFFFFFF60] =	vst v1;
	v1 =	vmul.f32 v42, v9;
	v9 =	vperm.xlane v25, v0  }
0x1b5: {  	v30 =	vperm.xlane v19, v3;
	v61 =	vld [tilespmem:s0+$0xFFFFFF70];
	[tilespmem:s17+$0x50] =	vst v5;
	v5 =	vmul.f32 v57, v7  }
0x1b6: {  	[tilespmem:s17+$0x0] =	vst v1;
	v10 =	vld [tilespmem:s0+$0xFFFFFFC0];
	v1 =	vmul.f32 v6, v9;
	v6 =	vperm.xlane v17, v3  }
0x1b7: {  	v9 =	vperm.xlane v22, v2;
	v45 =	vld [tilespmem:s0+$0x10];
	[tilespmem:s17+$0xFFFFFEC0] =	vst v5;
	v5 =	vperm.xlane v20, v4  }
0x1b8: {  	v34 =	vperm.xlane v14, v4;
	[tilespmem:s17+$0xA0] =	vst v1;
	v62 =	vld [tilespmem:s0+$0x60];
	v1 =	vmul.f32 v59, v6  }
0x1b9: {  	v15 =	vperm.xlane v20, v3;
	v9 =	vmul.f32 v60, v9;
	v63 =	vld [tilespmem:s0+$0xB0];
	[tilespmem:$0x1FFC0] =	vst v5  }
0x1ba: {  	v32 =	vperm.xlane v12, v4;
	v5 =	vperm.xlane v19, v4;
	[tilespmem:s17+$0x110] =	vst v1  }
0x1bb: {  	v43 =	vmul.f32 v43, v15;
	v28 =	vperm.xlane v18, v3;
	v46 =	vld [tilespmem:s0+$0xFFFFFED0];
	[tilespmem:s17+$0xFFFFFF20] =	vst v9  }
0x1bc: {  	v30 =	vmul.f32 v44, v30;
	v33 =	vperm.xlane v13, v4;
	v60 =	vld [tilespmem:s0+$0x120];
	[tilespmem:$0x1FFD0] =	vst v5  }
0x1bd: {  	s7 =	simm.s32 $0xAC30;
	v28 =	vmul.f32 v38, v28;
	v7 =	vperm.xlane v23, v2;
	v48 =	vld [tilespmem:s0+$0xFFFFFF30]  }
0x1be: {  	s8 =	simm.s32 $0xCE40;
	v33 =	vmul.f32 v37, v33;
	v32 =	vmul.f32 v36, v32;
	v53 =	vld [tilespmem:s7+$0x130]  }
0x1bf: {  	v51 =	vperm.xlane v25, v2;
	v59 =	vmul.f32 v61, v7;
	v61 =	vld [tilespmem:s8+$0x30]  }
0x1c0: {  	v47 =	vperm.xlane v22, v3;
	v16 =	vperm.xlane v8, v4;
	v56 =	vld [tilespmem:s8+$0xFFFFFFC0]  }
0x1c1: {  	v6 =	vperm.xlane v21, v2;
	v41 =	vmul.f32 v63, v51;
	v51 =	vld [tilespmem:s7+$0xFFFFFF50]  }
0x1c2: {  	v54 =	vperm.xlane v23, v3;
	v55 =	vperm.xlane v21, v3;
	v57 =	vld [tilespmem:s8+$0xFFFFFFD0]  }
0x1c3: {  	v29 =	vmul.f32 v29, v16;
	v1 =	vmul.f32 v10, v6;
	[tilespmem:s17+$0xFFFFFF70] =	vst v59;
	v59 =	vld [tilespmem:s7+$0xFFFFFFA0]  }
0x1c4: {  	v58 =	vnsel vm0, $0x0, v11;
	v16 =	vperm.xlane v24, v4;
	v11 =	vperm.xlane v25, v3;
	v38 =	vld [tilespmem:s8+$0xFFFFFFE0]  }
0x1c5: {  	v34 =	vmul.f32 v40, v34;
	v49 =	vperm.xlane v27, v2;
	[tilespmem:s17+$0xFFFFFFC0] =	vst v1;
	v39 =	vld [tilespmem:s7+$0xFFFFFFF0]  }
0x1c6: {  	v35 =	vperm.xlane v27, v3;
	v63 =	vnsel vm0, $0x0, v12;
	v1 =	vperm.xlane v24, v2;
	[tilespmem:s1+$0x130] =	vst v58;
	v58 =	vld [tilespmem:s8+$0xFFFFFFF0]  }
0x1c7: {  	v7 =	vperm.xlane v18, v4;
	v9 =	vperm.xlane v26, v2;
	[tilespmem:s1+$0xFFFFFFA0] =	vst v63;
	v63 =	vld [tilespmem:s8+$0x0]  }
0x1c8: {  	v50 =	vld [tilespmem:s0+$0xFFFFFF80];
	v1 =	vmul.f32 v62, v1;
	v62 =	vperm.xlane v17, v4;
	v15 =	vadd.f32 v61, v53  }
0x1c9: {  	v10 =	vperm.xlane v24, v3;
	v12 =	vperm.xlane v27, v4;
	v52 =	vld [tilespmem:s0+$0xFFFFFFD0]  }
0x1ca: {  	v13 =	vnsel vm0, $0x0, v13;
	v40 =	vld [tilespmem:s7+$0xE0];
	v42 =	vmul.f32 v60, v62;
	v60 =	vmul.f32 $2.000000030e-01, v15  }
0x1cb: {  	v8 =	vnsel vm0, $0x0, v8;
	v45 =	vmul.f32 v45, v9;
	[tilespmem:s1+$0x120] =	vst v31;
	v46 =	vmul.f32 v46, v49;
	v49 =	vld [tilespmem:s7+$0x90]  }
0x1cc: {  	[tilespmem:s1+$0xFFFFFF50] =	vst v13;
	v62 =	vld [tilespmem:s7+$0x40];
	v31 =	vmul.f32 v48, v47;
	v51 =	vadd.f32 v57, v51;
	v48 =	vmax.f32 v15, v60  }
0x1cd: {  	[tilespmem:s1+$0xFFFFFFF0] =	vst v8;
	v38 =	vadd.f32 v38, v59;
	v57 =	vld [tilespmem:s8+$0x20];
	v50 =	vmul.f32 v50, v54;
	v48 =	vmul.f32 $1.442695020e+00, v48  }
0x1ce: {  	[tilespmem:s17+$0x60] =	vst v1;
	v39 =	vadd.f32 v58, v39;
	v44 =	vmul.f32 v52, v55;
	v54 =	vld [tilespmem:s8+$0x10];
	v1 =	vmul.f32 $2.000000030e-01, v51  }
0x1cf: {  	[tilespmem:s1+$0x20] =	vst v43;
	v58 =	vld [tilespmem:s7+$0xFFFFFF00];
	v55 =	vmul.f32 $2.000000030e-01, v38;
	(erf) = vpow2.f32 v48  }
0x1d0: {  	[tilespmem:s1+$0x70] =	vst v28;
	v61 =	vnsel vm0, $0x0, v14;
	v59 =	vmul.f32 $2.000000030e-01, v39;
	v1 =	vmax.f32 v51, v1  }
0x1d1: {  	[tilespmem:s1+$0xFFFFFF00] =	vst v61;
	v60 =	vadd.f32 v63, v62;
	v61 =	vmax.f32 v38, v55;
	v1 =	vmul.f32 $1.442695020e+00, v1  }
0x1d2: {  	v9 =	vperm.xlane v26, v3;
	[tilespmem:s17+$0xFFFFFF30] =	vst v31;
	v39 =	vmax.f32 v39, v59;
	v31 =	vmul.f32 $1.442695020e+00, v61  }
0x1d3: {  	[tilespmem:s1+$0xC0] =	vst v30;
	v62 =	vmul.f32 $2.000000030e-01, v60;
	v52 =	vadd.f32 v54, v49;
	(erf) = vpow2.f32 v1  }
0x1d4: {  	v28 =	vld [tilespmem:s7+$0x0];
	[tilespmem:s1+$0xFFFFFEF0] =	vst v34;
	v39 =	vmul.f32 $1.442695020e+00, v39;
	v40 =	vadd.f32 v57, v40;
	v37 =	vadd.f32 v56, v58  }
0x1d5: {  	v34 =	vld [tilespmem:s7+$0xA0];
	[tilespmem:s1+$0xFFFFFF40] =	vst v33;
	v1 =	vmax.f32 v60, v62;
	v54 =	vmul.f32 $2.000000030e-01, v52;
	(erf) = vpow2.f32 v31  }
0x1d6: {  	[tilespmem:s17+$0xB0] =	vst v41;
	v55 =	vld [tilespmem:s7+$0xF0];
	v1 =	vmul.f32 $1.442695020e+00, v1;
	v31 =	vmul.f32 $2.000000030e-01, v40  }
0x1d7: {  	[tilespmem:s17+$0x10] =	vst v45;
	v43 =	vld [tilespmem:s0+$0xC0];
	v56 =	vmul.f32 $2.000000030e-01, v37;
	v36 =	vmax.f32 v52, v54;
	(erf) = vpow2.f32 v39  }
0x1d8: {  	v45 =	vld [tilespmem:s12+$0x30];
	[tilespmem:s17+$0xFFFFFF80] =	vst v50;
	v30 =	vmul.f32 $1.442695020e+00, v36;
	v31 =	vmax.f32 v40, v31;
	(erf) = vpow2.f32 v1;
	v50 =	vpop (erf)  }
0x1d9: {  	[tilespmem:s1+$0xFFFFFF90] =	vst v32;
	v41 =	vld [tilespmem:s0+$0x20];
	v1 =	vmul.f32 $1.442695020e+00, v31;
	v31 =	vmax.f32 v37, v56;
	v58 =	vperm.xlane v50, v0  }
0x1da: {  	[tilespmem:s1+$0xFFFFFFE0] =	vst v29;
	v63 =	vld [tilespmem:s7+$0xFFFFFF10];
	v31 =	vmul.f32 $1.442695020e+00, v31;
	(erf) = vpow2.f32 v30  }
0x1db: {  	[tilespmem:s17+$0xFFFFFED0] =	vst v46;
	v53 =	vld [tilespmem:s7+$0xFFFFFF60];
	(erf) = vpow2.f32 v1;
	v1 =	vnsel vm0, $0x0, v17;
	v59 =	vmul.f32 v55, v58  }
0x1dc: {  	s10 =	simm.s32 $0xDB10;
	v13 =	vperm.xlane v22, v4;
	v8 =	vperm.xlane v26, v4;
	v47 =	vld [tilespmem:s7+$0xFFFFFFB0];
	v29 =	vpop (erf);
	[tilespmem:s17+$0x130] =	vst v1  }
0x1dd: {  	v14 =	vperm.xlane v23, v4;
	v30 =	vld [tilespmem:s0+$0xFFFFFEE0];
	v1 =	vperm.xlane v29, v0;
	[tilespmem:s10+$0xF0] =	vst v59  }
0x1de: {  	v22 =	vnsel vm0, $0x0, v22;
	[tilespmem:s17+$0xFFFFFFD0] =	vst v44;
	v15 =	vperm.xlane v21, v4;
	(erf) = vpow2.f32 v31;
	v31 =	vpop (erf);
	v60 =	vld [tilespmem:s7+$0x100]  }
0x1df: {  	v23 =	vnsel vm0, $0x0, v23;
	v36 =	vld [tilespmem:s0+$0xFFFFFF40];
	[tilespmem:s17+$0xFFFFFF50] =	vst v22;
	v22 =	vperm.xlane v31, v0;
	v1 =	vmul.f32 v63, v1  }
0x1e0: {  	v37 =	vld [tilespmem:s0+$0xFFFFFF90];
	[tilespmem:s17+$0xFFFFFFA0] =	vst v23;
	v17 =	vperm.xlane v25, v4;
	v62 =	vperm.xlane v50, v2;
	v32 =	vpop (erf)  }
0x1e1: {  	v38 =	vld [tilespmem:s7+$0xFFFFFEC0];
	v23 =	vperm.xlane v32, v0;
	v33 =	vpop (erf);
	[tilespmem:s10+$0xFFFFFF10] =	vst v1;
	v1 =	vmul.f32 v53, v22  }
0x1e2: {  	[tilespmem:s17+$0x120] =	vst v42;
	v42 =	vld [tilespmem:s0+$0xFFFFFFE0];
	v51 =	vnsel vm0, $0x0, v20;
	v30 =	vmul.f32 v30, v35;
	v20 =	vperm.xlane v33, v0  }
0x1e3: {  	v57 =	vld [tilespmem:s7+$0x50];
	[tilespmem:s10+$0xFFFFFF60] =	vst v1;
	v1 =	vmul.f32 v47, v23;
	v40 =	vmul.f32 v60, v62  }
0x1e4: {  	v61 =	vperm.xlane v29, v2;
	[tilespmem:s17+$0xFFFFFEE0] =	vst v30;
	v63 =	vld [tilespmem:s7+$0xFFFFFF20];
	v23 =	vnsel vm0, $0x0, v19;
	v19 =	vmul.f32 v28, v20  }
0x1e5: {  	v49 =	vld [tilespmem:s12+$0xD0];
	v44 =	vperm.xlane v29, v3;
	v54 =	vperm.xlane v32, v2;
	v35 =	vpop (erf);
	[tilespmem:s10+$0xFFFFFFB0] =	vst v1  }
0x1e6: {  	v56 =	vperm.xlane v33, v2;
	v22 =	vnsel vm0, $0x0, v18;
	v46 =	vld [tilespmem:s0+$0xFFFFFEF0];
	v18 =	vperm.xlane v35, v0;
	[tilespmem:s10+$0x0] =	vst v19  }
0x1e7: {  	v30 =	vperm.xlane v31, v2;
	v59 =	vperm.xlane v35, v2;
	v55 =	vld [tilespmem:s7+$0xFFFFFFC0];
	[tilespmem:s10+$0x100] =	vst v40;
	v40 =	vpop (erf)  }
0x1e8: {  	v27 =	vnsel vm0, $0x0, v27;
	[tilespmem:s1+$0x40] =	vst v51;
	v1 =	vmul.f32 v57, v18;
	v57 =	vld [tilespmem:s7+$0x10];
	v18 =	vperm.xlane v40, v0;
	v47 =	vpop (erf)  }
0x1e9: {  	[tilespmem:s17+$0xFFFFFF00] =	vst v27;
	v20 =	vnsel vm0, $0x0, v26;
	v52 =	vmul.f32 v63, v61;
	v28 =	vld [tilespmem:s7+$0x110];
	v26 =	vperm.xlane v47, v0  }
0x1ea: {  	v53 =	vld [tilespmem:s7+$0xFFFFFF70];
	v51 =	vperm.xlane v35, v3;
	[tilespmem:s10+$0x50] =	vst v1;
	v1 =	vmul.f32 v34, v18  }
0x1eb: {  	v48 =	vld [tilespmem:s12+$0x80];
	[tilespmem:s10+$0xFFFFFF20] =	vst v52;
	v52 =	vperm.xlane v33, v3;
	v18 =	vnsel vm0, $0x0, v25;
	v25 =	vmul.f32 v38, v26  }
0x1ec: {  	v21 =	vnsel vm0, $0x0, v21;
	v62 =	vmul.f32 v55, v54;
	v34 =	vld [tilespmem:s7+$0x60];
	v26 =	vperm.xlane v50, v3;
	[tilespmem:s10+$0xA0] =	vst v1  }
0x1ed: {  	v27 =	vnsel vm0, $0x0, v50;
	v54 =	vperm.xlane v32, v3;
	v58 =	vperm.xlane v47, v2;
	[tilespmem:s10+$0xFFFFFEC0] =	vst v25;
	v60 =	vld [tilespmem:s7+$0xB0]  }
0x1ee: {  	[tilespmem:s17+$0xFFFFFFF0] =	vst v21;
	v19 =	vnsel vm0, $0x0, v24;
	v63 =	vmul.f32 v57, v56;
	v21 =	vmul.f32 v28, v26;
	v61 =	vld [tilespmem:s7+$0xFFFFFED0]  }
0x1ef: {  	v39 =	vld [tilespmem:s0+$0x70];
	v24 =	vnsel vm0, $0x0, v29;
	v38 =	vperm.xlane v47, v3;
	v28 =	vmul.f32 v53, v30  }
0x1f0: {  	v55 =	vld [tilespmem:s7+$0xFFFFFF30];
	v50 =	vperm.xlane v50, v4;
	v1 =	vperm.xlane v40, v2;
	v26 =	vnsel vm0, $0x0, v31;
	[tilespmem:s10+$0x110] =	vst v21  }
0x1f1: {  	v25 =	vnsel vm0, $0x0, v32;
	v53 =	vperm.xlane v31, v3;
	v30 =	vnsel vm0, $0x0, v35;
	[tilespmem:s10+$0xFFFFFF70] =	vst v28;
	v57 =	vld [tilespmem:s7+$0x120]  }
0x1f2: {  	[tilespmem:s10+$0xFFFFFFC0] =	vst v62;
	v21 =	vnsel vm0, $0x0, v33;
	v59 =	vmul.f32 v34, v59;
	v34 =	vnsel vm0, $0x0, v40;
	v56 =	vld [tilespmem:s7+$0xFFFFFF80]  }
0x1f3: {  	s9 =	simm.s32 $0x10;
	s11 =	simm.s32 $0xAEB0;
	[tilespmem:s10+$0x10] =	vst v63;
	v28 =	vnsel vm0, $0x0, v47;
	v60 =	vmul.f32 v60, v1;
	v61 =	vmul.f32 v61, v58;
	v58 =	vld [tilespmem:s7+$0xFFFFFFD0]  }
.LBB2_9:
0x1f4: {  	v1 =	vld [tilespmem:s11+$0x130]  }
0x1f5: {  	v62 =	vld [tilespmem:s11+$0xFFFFFF50]  }
0x1f6: {  	v63 =	vperm.xlane v40, v3;
	s8 =	sadd.s32 $0x80, s8;
	v41 =	vmul.f32 v41, v9;
	v5 =	vld [tilespmem:$0x1FFC0];
	[tilespmem:s10+$0x60] =	vst v59  }
0x1f7: {  	v39 =	vmul.f32 v39, v10;
	v9 =	vmov v52;
	v52 =	vld [tilespmem:s8+$0x30];
	[tilespmem:s10+$0xFFFFFED0] =	vst v61  }
0x1f8: {  	v43 =	vmul.f32 v43, v11;
	v31 =	vperm.xlane v31, v4;
	v11 =	vmov v63;
	v63 =	vld [tilespmem:s8+$0xFFFFFFD0];
	[tilespmem:s17+$0x20] =	vst v41  }
0x1f9: {  	v37 =	vmul.f32 v37, v14;
	[tilespmem:s17+$0x70] =	vst v39;
	v61 =	vld [tilespmem:s11+$0x40];
	v53 =	vmul.f32 v56, v53  }
0x1fa: {  	v14 =	vmov v31;
	v31 =	vld [tilespmem:s8+$0x10];
	v50 =	vmul.f32 v57, v50;
	v57 =	vmul.f32 v58, v54  }
0x1fb: {  	v44 =	vmul.f32 v55, v44;
	v58 =	vld [tilespmem:s11+$0xFFFFFFA0];
	[tilespmem:s10+$0xFFFFFF80] =	vst v53  }
0x1fc: {  	[tilespmem:s10+$0xFFFFFFD0] =	vst v57;
	v53 =	vld [tilespmem:s8+$0xFFFFFFE0]  }
0x1fd: {  	v29 =	vperm.xlane v29, v4;
	[tilespmem:s10+$0xFFFFFF30] =	vst v44;
	v1 =	vadd.f32 v52, v1;
	v44 =	vld [tilespmem:s11+$0xFFFFFFF0]  }
0x1fe: {  	v59 =	vld [tilespmem:s8+$0xFFFFFFF0]  }
0x1ff: {  	v36 =	vmul.f32 v36, v13;
	[tilespmem:s10+$0xB0] =	vst v60;
	v13 =	vmovc v29;
	v29 =	vadd.f32 v63, v62;
	v62 =	vld [tilespmem:s8+$0x0];
	v60 =	vmul.f32 $2.000000030e-01, v1  }
0x200: {  	v33 =	vperm.xlane v33, v4;
	v35 =	vperm.xlane v35, v4;
	v54 =	vld [tilespmem:s11+$0x90]  }
0x201: {  	v46 =	vmul.f32 v46, v12;
	[tilespmem:s10+$0x130] =	vst v27;
	v45 =	vmul.f32 v45, v5;
	v5 =	vld [tilespmem:$0x1FFD0];
	v1 =	vmax.f32 v1, v60  }
0x202: {  	v42 =	vmul.f32 v42, v15;
	v10 =	vmov v51;
	v51 =	vld [tilespmem:s8+$0xFFFFFFC0];
	[tilespmem:s17+$0xC0] =	vst v43;
	v6 =	vmul.f32 $1.442695020e+00, v1  }
0x203: {  	[tilespmem:s17+$0xFFFFFEF0] =	vst v46;
	v52 =	vmul.f32 $2.000000030e-01, v29;
	v53 =	vadd.f32 v53, v58;
	v57 =	vadd.f32 v59, v44;
	v58 =	vld [tilespmem:s11+$0xE0]  }
0x204: {  	[tilespmem:s1+$0x90] =	vst v22;
	v63 =	vmul.f32 v48, v7;
	v59 =	vld [tilespmem:s11+$0xFFFFFF00];
	v39 =	vadd.f32 v62, v61;
	(erf) = vpow2.f32 v6;
	v1 =	vmovc v17  }
0x205: {  	v7 =	vmovc v16;
	v56 =	vmul.f32 $2.000000030e-01, v53;
	[tilespmem:$0x1FFD0] =	vst v1;
	v1 =	vmax.f32 v29, v52;
	v29 =	vld [tilespmem:s8+$0x20];
	v60 =	vmul.f32 $2.000000030e-01, v57  }
0x206: {  	v16 =	vmovc v35;
	[tilespmem:s1+$0x30] =	vst v45;
	v31 =	vadd.f32 v31, v54;
	v55 =	vmul.f32 v49, v5;
	v62 =	vmul.f32 $2.000000030e-01, v39  }
0x207: {  	v48 =	vld [tilespmem:s11+$0xFFFFFEC0];
	v5 =	vmovc v8;
	v8 =	vmovc v33;
	v1 =	vmul.f32 $1.442695020e+00, v1;
	v33 =	vmax.f32 v53, v56;
	v35 =	vmax.f32 v57, v60  }
0x208: {  	v22 =	vmovc v19;
	v19 =	vmovc v30;
	[tilespmem:s17+$0xFFFFFF40] =	vst v36;
	v41 =	vld [tilespmem:s7+$0x20];
	v30 =	vmax.f32 v39, v62;
	v53 =	vmul.f32 $2.000000030e-01, v31;
	v33 =	vmul.f32 $1.442695020e+00, v33  }
0x209: {  	[tilespmem:s17+$0xFFFFFF90] =	vst v37;
	v36 =	vld [tilespmem:s7+$0xFFFFFF40];
	v35 =	vmul.f32 $1.442695020e+00, v35;
	(erf) = vpow2.f32 v1;
	v27 =	vadd.f32 v51, v59  }
0x20a: {  	[tilespmem:s10+$0x120] =	vst v50;
	v37 =	vld [tilespmem:s7+$0xFFFFFF90];
	v30 =	vmul.f32 $1.442695020e+00, v30;
	v29 =	vadd.f32 v29, v58;
	(erf) = vpow2.f32 v33  }
0x20b: {  	[tilespmem:s17+$0xFFFFFFE0] =	vst v42;
	v54 =	vld [tilespmem:s11+$0xF0];
	v31 =	vmax.f32 v31, v53;
	v56 =	vmul.f32 $2.000000030e-01, v27;
	(erf) = vpow2.f32 v35  }
0x20c: {  	v42 =	vld [tilespmem:s7+$0xFFFFFFE0];
	[tilespmem:s1+$0xD0] =	vst v55;
	v31 =	vmul.f32 $1.442695020e+00, v31;
	v55 =	vmul.f32 $2.000000030e-01, v29  }
0x20d: {  	v47 =	vperm.xlane v47, v4;
	v45 =	vld [tilespmem:s0+$0x30];
	v27 =	vmax.f32 v27, v56;
	v50 =	vpop (erf);
	(erf) = vpow2.f32 v30  }
0x20e: {  	[tilespmem:s1+$0x80] =	vst v63;
	v30 =	vld [tilespmem:s7+$0xFFFFFEE0];
	v29 =	vmax.f32 v29, v55;
	v57 =	vperm.xlane v50, v0;
	(erf) = vpow2.f32 v31  }
0x20f: {  	v63 =	vld [tilespmem:s11+$0xFFFFFF60];
	[tilespmem:$0x1FFC0] =	vst v5;
	v31 =	vmul.f32 $1.442695020e+00, v27;
	v5 =	vmul.f32 $1.442695020e+00, v29  }
0x210: {  	v32 =	vperm.xlane v32, v4;
	v61 =	vld [tilespmem:s11+$0xFFFFFF10];
	v33 =	vmul.f32 v54, v57  }
0x211: {  	v12 =	vmov v47;
	v47 =	vld [tilespmem:s11+$0x50];
	[tilespmem:s1+$0xE0] =	vst v23;
	s1 =	smov.u32 s17;
	s17 =	smov.u32 s10;
	s10 =	sadd.s32 $0x280, s10;
	(erf) = vpow2.f32 v5  }
0x212: {  	v40 =	vperm.xlane v40, v4;
	v1 =	vld [tilespmem:s11+$0xFFFFFFB0];
	v29 =	vpop (erf);
	[tilespmem:s10+$0xF0] =	vst v33;
	(erf) = vpow2.f32 v31  }
0x213: {  	v15 =	vmov v32;
	[tilespmem:s17+$0xFFFFFF50] =	vst v24;
	v58 =	vperm.xlane v29, v0;
	v30 =	vmul.f32 v30, v38;
	v35 =	vld [tilespmem:s11+$0x100];
	v31 =	vpop (erf)  }
0x214: {  	v17 =	vmov v40;
	v40 =	vld [tilespmem:s11+$0x0];
	[tilespmem:s17+$0xFFFFFFA0] =	vst v26;
	v62 =	vperm.xlane v50, v2;
	v60 =	vperm.xlane v31, v0;
	v32 =	vpop (erf)  }
0x215: {  	v49 =	vld [tilespmem:s11+$0xA0];
	v5 =	vmul.f32 v61, v58;
	[tilespmem:s17+$0xFFFFFEE0] =	vst v30;
	v61 =	vperm.xlane v32, v0  }
0x216: {  	v51 =	vperm.xlane v29, v2;
	v46 =	vld [tilespmem:s7+$0xFFFFFEF0];
	[tilespmem:s17+$0xFFFFFF00] =	vst v28;
	v30 =	vmul.f32 v63, v60  }
0x217: {  	v43 =	vld [tilespmem:s7+$0xC0];
	v44 =	vperm.xlane v29, v3;
	[tilespmem:s10+$0xFFFFFF10] =	vst v5;
	v33 =	vpop (erf);
	v1 =	vmul.f32 v1, v61  }
0x218: {  	v39 =	vld [tilespmem:s7+$0x70];
	v63 =	vperm.xlane v33, v0;
	v53 =	vmul.f32 v35, v62;
	v35 =	vpop (erf);
	[tilespmem:s10+$0xFFFFFF60] =	vst v30  }
0x219: {  	v54 =	vperm.xlane v31, v2;
	v55 =	vld [tilespmem:s11+$0xFFFFFF20];
	v28 =	vperm.xlane v35, v0;
	[tilespmem:s10+$0xFFFFFFB0] =	vst v1  }
0x21a: {  	v59 =	vnsel vm0, $0x0, v29;
	v57 =	vperm.xlane v32, v2;
	v38 =	vld [tilespmem:s11+$0xFFFFFF70];
	v58 =	vmul.f32 v40, v63;
	[tilespmem:s10+$0x100] =	vst v53;
	v40 =	vpop (erf)  }
0x21b: {  	v52 =	vnsel vm0, $0x0, v32;
	v62 =	vld [tilespmem:s11+$0xFFFFFFC0];
	[tilespmem:s17+$0xFFFFFFF0] =	vst v25;
	v1 =	vmul.f32 v47, v28;
	v53 =	vperm.xlane v40, v0;
	v47 =	vpop (erf)  }
0x21c: {  	v24 =	vmovc v59;
	v25 =	vmov v52;
	v52 =	vperm.xlane v35, v2;
	v59 =	vld [tilespmem:s11+$0x110];
	[tilespmem:s10+$0x0] =	vst v58;
	v60 =	vperm.xlane v47, v0  }
0x21d: {  	v58 =	vperm.xlane v33, v2;
	v63 =	vld [tilespmem:s11+$0x10];
	[tilespmem:s10+$0x50] =	vst v1;
	v1 =	vmul.f32 v49, v53  }
0x21e: {  	v61 =	vperm.xlane v47, v2;
	v49 =	vmul.f32 v48, v60;
	v60 =	vld [tilespmem:s11+$0x60]  }
0x21f: {  	v51 =	vmul.f32 v55, v51;
	v53 =	vperm.xlane v50, v3;
	v48 =	vld [tilespmem:s0+$0x80];
	[tilespmem:s10+$0xA0] =	vst v1  }
0x220: {  	s9 =	sadd.s32 $0x8, s9;
	v27 =	vnsel vm0, $0x0, v50;
	v50 =	vperm.xlane v50, v4;
	v54 =	vmul.f32 v38, v54;
	[tilespmem:s10+$0xFFFFFEC0] =	vst v49;
	v5 =	vld [tilespmem:s11+$0xB0]  }
0x221: {  	p0 =	slt.u32 s9, $0x70;
	v26 =	vnsel vm0, $0x0, v31;
	v38 =	vperm.xlane v47, v3;
	[tilespmem:s10+$0xFFFFFF20] =	vst v51;
	v51 =	vperm.xlane v35, v3;
	v6 =	vld [tilespmem:s11+$0xFFFFFED0]  }
.Ltmp3:
0x222: {  	v56 =	vnsel vm0, $0x0, v33;
	[tilespmem:s1+$0x40] =	vst v20;
	v1 =	vperm.xlane v40, v2;
	v62 =	vmul.f32 v62, v57;
	v55 =	vld [tilespmem:s11+$0xFFFFFF30];
	(pc) =	sbr.rel @p0 .LBB2_9-.Ltmp3, $4  }
0x223: {  	v23 =	vmovc v18;
	v30 =	vnsel vm0, $0x0, v35;
	v59 =	vmul.f32 v59, v53;
	v49 =	vld [tilespmem:s0+$0xD0];
	v53 =	vperm.xlane v31, v3;
	[tilespmem:s10+$0xFFFFFF70] =	vst v54  }
0x224: {  	v20 =	vmovc v21;
	v21 =	vmov v56;
	s0 =	smov.u32 s7;
	s7 =	smov.u32 s11;
	v54 =	vperm.xlane v32, v3;
	v63 =	vmul.f32 v63, v58;
	v56 =	vld [tilespmem:s11+$0xFFFFFF80];
	[tilespmem:s10+$0xFFFFFFC0] =	vst v62  }
0x225: {  	v18 =	vmovc v34;
	v34 =	vnsel vm0, $0x0, v40;
	[tilespmem:s10+$0x110] =	vst v59;
	v58 =	vld [tilespmem:s7+$0xFFFFFFD0];
	v59 =	vmul.f32 v60, v52;
	v52 =	vperm.xlane v33, v3  }
0x226: {  	v28 =	vnsel vm0, $0x0, v47;
	v57 =	vld [tilespmem:s11+$0x120];
	[tilespmem:s10+$0x10] =	vst v63;
	s11 =	sadd.s32 $0x280, s11;
	v60 =	vmul.f32 v5, v1;
	v61 =	vmul.f32 v6, v61  }
0x227: {  	[tilespmem:s10+$0x60] =	vst v59  }
0x228: {  	v5 =	vmul.f32 v55, v44;
	[tilespmem:s10+$0xFFFFFED0] =	vst v61  }
0x229: {  	[tilespmem:s10+$0xB0] =	vst v60;
	v6 =	vmul.f32 v56, v53  }
0x22a: {  	[tilespmem:s10+$0xFFFFFF30] =	vst v5;
	v5 =	vmul.f32 v41, v9  }
0x22b: {  	v1 =	vmul.f32 v57, v50;
	[tilespmem:s10+$0xFFFFFF80] =	vst v6  }
0x22c: {  	v6 =	vmul.f32 v39, v10;
	[tilespmem:s17+$0x20] =	vst v5  }
0x22d: {  	v5 =	vmul.f32 v46, v12;
	[tilespmem:s10+$0x120] =	vst v1  }
0x22e: {  	v1 =	vmul.f32 v58, v54;
	[tilespmem:s17+$0x70] =	vst v6  }
0x22f: {  	v6 =	vmul.f32 v36, v13;
	[tilespmem:s17+$0xFFFFFEF0] =	vst v5  }
0x230: {  	[tilespmem:s10+$0xFFFFFFD0] =	vst v1;
	v1 =	vmul.f32 v43, v11  }
0x231: {  	v5 =	vmul.f32 v42, v15;
	[tilespmem:s17+$0xFFFFFF40] =	vst v6  }
0x232: {  	[tilespmem:s17+$0xC0] =	vst v1;
	v1 =	vmul.f32 v37, v14  }
0x233: {  	v6 =	vld [tilespmem:$0x1FFC0];
	[tilespmem:s17+$0xFFFFFFE0] =	vst v5  }
0x234: {  	[tilespmem:s17+$0xFFFFFF90] =	vst v1  }
0x235: {  	v5 =	vld [tilespmem:$0x1FFD0];
	[tilespmem:s1+$0x90] =	vst v22  }
0x236: {  	[tilespmem:s1+$0xE0] =	vst v23  }
0x237: {  	v53 =	vld [tilespmem:s7+$0xC0];
	v1 =	vmul.f32 v48, v7;
	[tilespmem:s10+$0x130] =	vst v27  }
0x238: {  	v7 =	vld [tilespmem:s7+$0xFFFFFF40];
	[tilespmem:s10+$0xFFFFFF50] =	vst v24;
	v6 =	vmul.f32 v45, v6  }
0x239: {  	[tilespmem:s1+$0x80] =	vst v1;
	v1 =	vld [tilespmem:s7+$0x20]  }
0x23a: {  	v56 =	vperm.xlane v40, v3;
	[tilespmem:s1+$0x30] =	vst v6;
	v6 =	vld [tilespmem:s7+$0xFFFFFEE0]  }
0x23b: {  	v54 =	vld [tilespmem:s7+$0xFFFFFF90];
	[tilespmem:s10+$0xFFFFFFA0] =	vst v26  }
0x23c: {  	v9 =	vmul.f32 v53, v56;
	v55 =	vld [tilespmem:s7+$0xFFFFFFE0];
	[tilespmem:s10+$0xFFFFFFF0] =	vst v25  }
0x23d: {  	v57 =	vld [tilespmem:s0+$0x30];
	[tilespmem:s17+$0x40] =	vst v20;
	v5 =	vmul.f32 v49, v5  }
0x23e: {  	[tilespmem:s10+$0xC0] =	vst v9;
	v1 =	vmul.f32 v1, v52  }
0x23f: {  	[tilespmem:s1+$0xD0] =	vst v5;
	v5 =	vld [tilespmem:s7+$0x70];
	v6 =	vmul.f32 v6, v38  }
0x240: {  	v59 =	vperm.xlane v29, v4;
	v61 =	vld [tilespmem:s0+$0xD0];
	[tilespmem:s10+$0x20] =	vst v1  }
0x241: {  	v60 =	vld [tilespmem:s0+$0x80];
	v1 =	vperm.xlane v31, v4;
	[tilespmem:s10+$0xFFFFFEE0] =	vst v6  }
0x242: {  	[tilespmem:s17+$0x90] =	vst v19;
	v7 =	vmul.f32 v7, v59;
	v6 =	vld [tilespmem:s7+$0xFFFFFEF0]  }
0x243: {  	[tilespmem:s17+$0xE0] =	vst v18;
	v1 =	vmul.f32 v54, v1  }
0x244: {  	[tilespmem:s10+$0xFFFFFF40] =	vst v7;
	v5 =	vmul.f32 v5, v51  }
0x245: {  	v58 =	vperm.xlane v47, v4;
	v7 =	vmul.f32 v61, v17;
	[tilespmem:s10+$0xFFFFFF90] =	vst v1  }
0x246: {  	v1 =	vmul.f32 v60, v16;
	[tilespmem:s10+$0x70] =	vst v5;
	v5 =	vperm.xlane v32, v4  }
0x247: {  	[tilespmem:s17+$0xD0] =	vst v7;
	v6 =	vmul.f32 v6, v58  }
0x248: {  	[tilespmem:s17+$0x80] =	vst v1;
	v1 =	vld [tilespmem:s7+$0xD0];
	v5 =	vmul.f32 v55, v5  }
0x249: {  	[tilespmem:s10+$0xFFFFFEF0] =	vst v6;
	v6 =	vmul.f32 v57, v8  }
0x24a: {  	[tilespmem:s10+$0xFFFFFFE0] =	vst v5;
	v5 =	vld [tilespmem:s7+$0x30]  }
0x24b: {  	v63 =	vperm.xlane v40, v4;
	[tilespmem:s17+$0x30] =	vst v6;
	v6 =	vld [tilespmem:s7+$0x80]  }
0x24c: {  	[tilespmem:s10+$0xFFFFFF00] =	vst v28  }
0x24d: {  	v62 =	vperm.xlane v33, v4;
	[tilespmem:s10+$0xE0] =	vst v34;
	v1 =	vmul.f32 v1, v63  }
0x24e: {  	v7 =	vperm.xlane v35, v4;
	[tilespmem:s10+$0x40] =	vst v21  }
0x24f: {  	[tilespmem:s10+$0xD0] =	vst v1;
	v5 =	vmul.f32 v5, v62  }
0x250: {  	[tilespmem:s10+$0x90] =	vst v30;
	v6 =	vmul.f32 v6, v7  }
0x251: {  	[tilespmem:s10+$0x30] =	vst v5  }
0x252: {  	s0 =	simm.s32 $0x0;
	s1 =	simm.s32 $0xD480;
	[tilespmem:s10+$0x80] =	vst v6  }
.LBB2_11:
0x253: {  	s7 =	sshra.s32 s0, $0x2;
	v5 =	vld [tilespmem:s1+$0x0]  }
0x254: {  	v1 =	vld [tilespmem:s7+$0xCBB0];
	_ =	sdelay $0x4  }
0x255: {  	v1 =	vadd.f32 v5, v1;
	_ =	sdelay $0x1  }
0x256: {  	v5 =	vmul.f32 $2.000000030e-01, v1;
	_ =	sdelay $0x1  }
0x257: {  	v1 =	vmax.f32 v1, v5  }
0x258: {  	v1 =	vmul.f32 $1.442695020e+00, v1;
	_ =	sdelay $0x1  }
0x259: {  	(erf) = vpow2.f32 v1;
	_ =	sdelay $0x6  }
0x25a: {  	v1 =	vld [tilespmem:s7+$0xCB70]  }
0x25b: {  	v5 =	vld [tilespmem:s7+$0xCB80]  }
0x25c: {  	v7 =	vld [tilespmem:s7+$0xCB90];
	v6 =	vpop (erf)  }
0x25d: {  	v9 =	vld [tilespmem:s7+$0xCBA0];
	v8 =	vperm.xlane v6, v0  }
0x25e: {  	v10 =	vperm.xlane v6, v2  }
0x25f: {  	v62 =	vperm.xlane v6, v3;
	v1 =	vmul.f32 v1, v8  }
0x260: {  	p0 =	sne.s32 s0, $0x500;
	v63 =	vperm.xlane v6, v4;
	v5 =	vmul.f32 v5, v10  }
.Ltmp4:
0x261: {  	[tilespmem:s7+$0xFA50] =	vst v1;
	v1 =	vmul.f32 v7, v62;
	(pc) =	sbr.rel @p0 .LBB2_11-.Ltmp4, $4  }
0x262: {  	[tilespmem:s7+$0xFA60] =	vst v5;
	v5 =	vmul.f32 v9, v63  }
0x263: {  	[tilespmem:s7+$0xFA70] =	vst v1  }
0x264: {  	[tilespmem:s7+$0xFA80] =	vst v5;
	v1 =	vnsel vm0, $0x0, v6  }
0x265: {  	s1 =	sadd.s32 $0x10, s1;
	s0 =	sadd.s32 $0x140, s0;
	[tilespmem:s7+$0xFA90] =	vst v1  }
0x266: {  	s30 =	sadd.s32 $0x1, s30  }
0x267: {  	p0 =	sne.s32 s30, $0x28  }
.Ltmp5:
0x268: {  	_ = 	snop;
	(pc) =	sbr.rel @p0 .LBB2_4-.Ltmp5, $4  }
0x269: {  	_ = 	snop  }
0x26a: {  	s0 =	sand.u32 $0x3FFFFF80, s31  }
0x26b: {  	s0 =	sadd.s32 $0x2800, s0  }
0x26c: {  	[spmem:s3] =	stream.indirect.scatter.add.f32 [tilespmem:s26], [sflag:$0x4], $0x50, s0, s18, $0xb8;
	[tilespmem:$0x1EBE0] =	vst v63  }
0x26d: {  	_ =	swait.ge [sflag:s28], $0x2710  }
0x26e: {  	[sflag:s28] =	ssyncset.done $0x0  }
0x26f: {  	[sflag:s28] =	ssyncadd.s32 $0xFFFFD8F0  }
0x270: {  	_ =	swait.ge [sflag:s29], $0x2710  }
0x271: {  	[sflag:s29] =	ssyncset.done $0x0  }
0x272: {  	[sflag:s29] =	ssyncadd.s32 $0xFFFFD8F0  }
0x273: {  	_ =	swait.ge [sflag:s21], $0x2710  }
0x274: {  	[sflag:s21] =	ssyncset.done $0x0  }
0x275: {  	[sflag:s21] =	ssyncadd.s32 $0xFFFFD8F0  }
0x276: {  	s0 =	stileid.u32;
	_ =	swait.ge [sflag:s21], $0x7D0  }
0x277: {  	s1 =	sshrl.u32 s6, $0x3;
	s4 =	sadd.s32 $0x1, s4;
	[sflag:s21] =	ssyncset.done $0x0  }
0x278: {  	s0 =	sshll.u32 s0, $0x6;
	p0 =	sne.s32 s4, s14;
	[sflag:s21] =	ssyncadd.s32 $0xFFFFF830  }
.Ltmp6:
0x279: {  	s0 =	sor.u32 $0x1C05, s0;
	[bflag:$0x0] =	sbarrier.arrive $0xFFFF;
	(pc) =	sbr.rel @p0 .LBB2_1-.Ltmp6, $4  }
0x27a: {  	[hbm:s13], [sflag:s0] =	dma.local [spmem:s1], $0x1900  }
0x27b: {  	_ =	swait.ge [sflag:s16], $0x1900  }
0x27c: {  	[sflag:s16] =	ssyncset.done $0x0  }
0x27d: {  	v1 =	vimm.f32 $0.0e+00;
	[sflag:s16] =	ssyncadd.s32 $0xFFFFE700  }
0x27e: {  	_ =	sfence.sel $0x180000  }
0x27f: {  	[bflag:$0x0] =	sbarrier.arrive $0xFFFF  }
0x280: {  	_ =	strace $0x90000047  }
0x281: {  	s0 =	stileid.u32;
	[bflag:$0x2] =	sbarrier.arrive $0xFFFF  }
0x282: {  	p0 =	sne.s32 s0, $0x0;
	s0 =	rddreg [dreg:$0x3]  }
0x283: {  	s0 =	sadd.s32 @!p0 $0x100000, s0  }
0x284: {  	[sflag:s0] =	ssyncadd.tile.s32 @!p0 $0x1;
	_ =	shalt  }
.Lfunc_end2:
_tile_overlayer_lowered:
.L_overlay_start_2:
0x285: {  	(tag) =	ssettag $0x2  }
0x286: {  	s0 =	rddreg [dreg:$0x0];
	s2 =	stileid.u32  }
0x287: {  	s1 =	rddreg [dreg:$0x1];
	p0 =	sne.s32 s2, $0x0  }
0x288: {  	s3 =	rddreg [dreg:$0x2];
	[bflag:$0x3] =	sbarrier.arrive $0xFFFF;
	s2 =	simm.s32 @!p0 $0x1C05  }
0x289: {  	[timem:s3], [sflag:s2] =	dma.local @!p0 [hbm:s0], s1  }
0x28a: {  	s0 =	simm.s32 @!p0 $0x5  }
0x28b: {  	_ =	swait.ge @!p0 [sflag:s0], s1  }
0x28c: {  	s1 =	ssub.s32 @!p0 $0x0, s1;
	[sflag:s0] =	ssyncset.done @!p0 $0x0  }
0x28d: {  	[sflag:s0] =	ssyncadd.s32 @!p0 s1  }
0x28e: {  	[bflag:$0x3] =	sbarrier.arrive $0xFFFF  }
0x28f: {  	_ =	shalt  }

</sc_bundles>
